<compile_context>
chip_gen: v7x
topology: tpu7x:2x2x1
jax: 0.10.2.dev20260603
libtpu: 0.0.44.dev20260713+nightly
codegen_flags: <defaults>
</compile_context>

<pallas_src>
import functools

import jax
import jax.numpy as jnp
from jax import lax
from jax.experimental import pallas as pl
from jax.experimental.pallas import tpu as pltpu
from jax.experimental.pallas import tpu_sc as plsc

NC, NS = 2, 16
NW = NC * NS
CHUNK = 128
DEGW = 8
DEPTH = 8
SP_PAD = 10240


def _sc_mesh():
    return plsc.VectorSubcoreMesh(
        core_axis_name="c", subcore_axis_name="s", num_cores=NC, num_subcores=NS
    )


def _make_deg_kernel(n, nchunk):
    out_rows = n // NS
    zrows = SP_PAD // NS

    @functools.partial(
        pl.kernel,
        out_type=jax.ShapeDtypeStruct((NC * n, DEGW), jnp.float32),
        mesh=_sc_mesh(),
        scratch_types=[
            pltpu.VMEM((nchunk, CHUNK), jnp.int32),
            pltpu.VMEM((CHUNK, DEGW), jnp.float32),
            pltpu.VMEM((out_rows, DEGW), jnp.float32),
            pltpu.VMEM_SHARED((SP_PAD, DEGW), jnp.float32),
        ]
        + [pltpu.SemaphoreType.DMA] * DEPTH,
        compiler_params=pltpu.CompilerParams(use_tc_tiling_on_sc=False),
    )
    def deg_kernel(dst_hbm, ones_hbm, deg_out, dst_v, ones_v, bounce_v,
                   deg_sp, *sems):
        cid = lax.axis_index("c")
        sid = lax.axis_index("s")
        wid = sid * NC + cid

        pltpu.sync_copy(ones_hbm.at[0], ones_v)
        pltpu.sync_copy(ones_hbm.at[1], bounce_v.at[pl.ds(0, CHUNK)])

        zsrc = bounce_v.at[pl.ds(0, CHUNK)]
        for r in range(zrows // CHUNK):
            pltpu.sync_copy(
                zsrc, deg_sp.at[pl.ds(sid * zrows + r * CHUNK, CHUNK)]
            )
        pltpu.sync_copy(dst_hbm.at[wid], dst_v)
        plsc.subcore_barrier()

        def body(t, _):
            for k in range(DEPTH):
                j = DEPTH * t + k
                pltpu.async_copy(
                    ones_v, deg_sp.at[dst_v.at[j]], sems[k], add=True
                )
            for k in range(DEPTH):
                j = DEPTH * t + k
                pltpu.make_async_copy(
                    ones_v, deg_sp.at[dst_v.at[j]], sems[k]
                ).wait()
            return 0

        lax.fori_loop(0, nchunk // DEPTH, body, 0)
        plsc.subcore_barrier()

        sl = pl.ds(sid * out_rows, out_rows)
        pltpu.sync_copy(deg_sp.at[sl], bounce_v)
        pltpu.sync_copy(
            bounce_v, deg_out.at[pl.ds(cid * n + sid * out_rows, out_rows)]
        )

    return deg_kernel


def _make_agg_kernel(n, nchunk, dc):
    out_rows = n // NS
    zrows = SP_PAD // NS

    @functools.partial(
        pl.kernel,
        out_type=jax.ShapeDtypeStruct((NC * n, dc), jnp.float32),
        mesh=_sc_mesh(),
        scratch_types=[
            pltpu.VMEM((nchunk, CHUNK), jnp.int32),
            pltpu.VMEM((nchunk, CHUNK), jnp.int32),
            pltpu.VMEM((DEPTH, CHUNK, dc), jnp.float32),
            pltpu.VMEM((out_rows, dc), jnp.float32),
            pltpu.VMEM_SHARED((SP_PAD, dc), jnp.float32),
            pltpu.VMEM_SHARED((n, dc), jnp.float32),
        ]
        + [pltpu.SemaphoreType.DMA] * DEPTH,
        compiler_params=pltpu.CompilerParams(use_tc_tiling_on_sc=False),
    )
    def agg_kernel(src_hbm, dst_hbm, g_hbm, s_out, src_v, dst_v, bufs,
                   bounce_v, s_sp, g_sp, *sems):
        cid = lax.axis_index("c")
        sid = lax.axis_index("s")
        wid = sid * NC + cid

        gsl = pl.ds(sid * out_rows, out_rows)
        pltpu.sync_copy(g_hbm.at[gsl], bounce_v)
        pltpu.sync_copy(bounce_v, g_sp.at[gsl])

        zeros16 = jnp.zeros((16,), jnp.float32)

        def fill(i, _):
            for c0 in range(0, dc, 16):
                bounce_v[i, pl.ds(c0, 16)] = zeros16
            return 0

        lax.fori_loop(0, CHUNK, fill, 0)

        zsrc = bounce_v.at[pl.ds(0, CHUNK)]
        for r in range(zrows // CHUNK):
            pltpu.sync_copy(zsrc, s_sp.at[pl.ds(sid * zrows + r * CHUNK, CHUNK)])
        pltpu.sync_copy(src_hbm.at[wid], src_v)
        pltpu.sync_copy(dst_hbm.at[wid], dst_v)
        plsc.subcore_barrier()

        for k in range(DEPTH):
            pltpu.async_copy(g_sp.at[src_v.at[k]], bufs.at[k], sems[k])

        def body(t, _):
            for k in range(DEPTH):
                j = DEPTH * t + k
                pltpu.make_async_copy(
                    g_sp.at[src_v.at[j]], bufs.at[k], sems[k]
                ).wait()
                pltpu.sync_copy(bufs.at[k], s_sp.at[dst_v.at[j]], add=True)

                @pl.when(j + DEPTH < nchunk)
                def _():
                    pltpu.async_copy(
                        g_sp.at[src_v.at[j + DEPTH]], bufs.at[k], sems[k]
                    )

            return 0

        lax.fori_loop(0, nchunk // DEPTH, body, 0)
        plsc.subcore_barrier()

        sl = pl.ds(sid * out_rows, out_rows)
        pltpu.sync_copy(s_sp.at[sl], bounce_v)
        pltpu.sync_copy(
            bounce_v, s_out.at[pl.ds(cid * n + sid * out_rows, out_rows)]
        )

    return agg_kernel


def _matmul_stage(x, wcat, n, dc, block):
    def body(x_ref, w_ref, h_ref):
        h_ref[...] = jnp.dot(
            x_ref[...], w_ref[...], preferred_element_type=jnp.float32
        )

    return pl.pallas_call(
        body,
        grid=(n // block,),
        in_specs=[
            pl.BlockSpec((block, x.shape[1]), lambda i: (i, 0)),
            pl.BlockSpec((wcat.shape[0], dc), lambda i: (0, 0)),
        ],
        out_specs=pl.BlockSpec((block, dc), lambda i: (i, 0)),
        out_shape=jax.ShapeDtypeStruct((n, dc), jnp.float32),
    )(x, wcat)


def _scale_stage(h, deg, n, dc, npad):
    def body(h_ref, d0_ref, d1_ref, g_ref):
        m = (lax.broadcasted_iota(jnp.int32, (n, 1), 0) == 0).astype(jnp.float32)
        degsum = d0_ref[:, 0] + d1_ref[:, 0] + 1.0 - m[:, 0] * npad
        g_ref[...] = h_ref[...] * lax.rsqrt(degsum)[:, None]

    return pl.pallas_call(
        body,
        grid=(1,),
        in_specs=[
            pl.BlockSpec((n, dc), lambda i: (0, 0)),
            pl.BlockSpec((n, DEGW), lambda i: (0, 0)),
            pl.BlockSpec((n, DEGW), lambda i: (1, 0)),
        ],
        out_specs=pl.BlockSpec((n, dc), lambda i: (0, 0)),
        out_shape=jax.ShapeDtypeStruct((n, dc), jnp.float32),
    )(h, deg, deg)


def _finalize_stage(s_parts, g, deg, b_mu, b_logstd, n, dc, dout, npad):
    def body(s0_ref, s1_ref, g_ref, d0_ref, d1_ref, bm_ref, bl_ref,
             mu_ref, lo_ref):
        m = (lax.broadcasted_iota(jnp.int32, (n, 1), 0) == 0).astype(jnp.float32)
        degsum = d0_ref[:, 0] + d1_ref[:, 0] + 1.0 - m[:, 0] * npad
        dinv = lax.rsqrt(degsum)
        gv = g_ref[...]
        out = (s0_ref[...] + s1_ref[...] + gv - m * (npad * gv[0:1, :])) * dinv[:, None]
        mu_ref[...] = out[:, :dout] + bm_ref[...]
        lo_ref[...] = out[:, dout:] + bl_ref[...]

    return pl.pallas_call(
        body,
        grid=(1,),
        in_specs=[
            pl.BlockSpec((n, dc), lambda i: (0, 0)),
            pl.BlockSpec((n, dc), lambda i: (1, 0)),
            pl.BlockSpec((n, dc), lambda i: (0, 0)),
            pl.BlockSpec((n, DEGW), lambda i: (0, 0)),
            pl.BlockSpec((n, DEGW), lambda i: (1, 0)),
            pl.BlockSpec((1, dout), lambda i: (0, 0)),
            pl.BlockSpec((1, dout), lambda i: (0, 0)),
        ],
        out_specs=[
            pl.BlockSpec((n, dout), lambda i: (0, 0)),
            pl.BlockSpec((n, dout), lambda i: (0, 0)),
        ],
        out_shape=[
            jax.ShapeDtypeStruct((n, dout), jnp.float32),
            jax.ShapeDtypeStruct((n, dout), jnp.float32),
        ],
    )(s_parts, s_parts, g, deg, deg, b_mu, b_logstd)


@jax.jit
def kernel(x, W_mu, b_mu, W_logstd, b_logstd, edge_index):
    n, din = x.shape
    dout = W_mu.shape[1]
    dc = 2 * dout
    e = edge_index.shape[1]
    block = 1000

    e_pad = ((e + NW * CHUNK - 1) // (NW * CHUNK)) * (NW * CHUNK)
    nchunk = e_pad // (NW * CHUNK)

    npad = e_pad - e
    epad = jnp.pad(edge_index.astype(jnp.int32), ((0, 0), (0, npad)))
    src = epad[0].reshape(NW, nchunk, CHUNK)
    dst = epad[1].reshape(NW, nchunk, CHUNK)

    wcat = jnp.concatenate([W_mu, W_logstd], axis=1)

    oz = jnp.stack(
        [jnp.ones((CHUNK, DEGW), jnp.float32), jnp.zeros((CHUNK, DEGW), jnp.float32)]
    )
    h = _matmul_stage(x, wcat, n, dc, block)
    deg = _make_deg_kernel(n, nchunk)(dst, oz)
    g = _scale_stage(h, deg, n, dc, npad)
    s_parts = _make_agg_kernel(n, nchunk, dc)(src, dst, g)
    return _finalize_stage(
        s_parts, g, deg, b_mu.reshape(1, dout), b_logstd.reshape(1, dout),
        n, dc, dout, npad
    )

# --- scband reference (transcript-rebuilt; emitter-appended) ---
"""Pipeline reference for scband-variational-linear-encoder-23587960389990 (READ-ONLY COPY).

The authoritative reference and input builder live on the scoring server;
editing this copy changes nothing except your own understanding.
"""

import jax, jax.numpy as jnp
import numpy as np


def gcn_conv(x, edge_index, W, b):
    # GCNConv: h = X W; out = D^{-1/2} (A + I) D^{-1/2} h + b
    N = x.shape[0]
    loop = jnp.arange(N, dtype=edge_index.dtype)
    src = jnp.concatenate([edge_index[0], loop])
    dst = jnp.concatenate([edge_index[1], loop])
    deg = jnp.zeros((N,), dtype=x.dtype).at[dst].add(jnp.ones_like(src, dtype=x.dtype))
    dinv = jnp.where(deg > 0, jax.lax.rsqrt(jnp.maximum(deg, 1e-12)), 0.0)
    norm = dinv[src] * dinv[dst]
    h = x @ W
    msg = h[src] * norm[:, None]
    out = jnp.zeros((N, W.shape[1]), dtype=x.dtype).at[dst].add(msg)
    return out + b


def setup_inputs(seed: int = 0) -> dict:
    key = jax.random.key(seed)
    ks = jax.random.split(key, 6)
    N, E, Din, Dout = 10000, 160000, 256, 16
    x = jax.random.normal(ks[0], (N, Din), dtype=jnp.float32)
    edge_index = jax.random.randint(ks[1], (2, E), 0, N)
    scale = 1.0 / np.sqrt(Din)
    W_mu = jax.random.uniform(ks[2], (Din, Dout), minval=-scale, maxval=scale, dtype=jnp.float32)
    b_mu = jnp.zeros((Dout,), dtype=jnp.float32)
    W_logstd = jax.random.uniform(ks[3], (Din, Dout), minval=-scale, maxval=scale, dtype=jnp.float32)
    b_logstd = jnp.zeros((Dout,), dtype=jnp.float32)
    return {"x": x, "W_mu": W_mu, "b_mu": b_mu, "W_logstd": W_logstd, "b_logstd": b_logstd, "edge_index": edge_index}


def reference(x, W_mu, b_mu, W_logstd, b_logstd, edge_index):
    mu = gcn_conv(x, edge_index, W_mu, b_mu)
    logstd = gcn_conv(x, edge_index, W_logstd, b_logstd)
    return (mu, logstd)

if __name__ == "__main__":
    import jax
    _d = setup_inputs()
    print(jax.jit(kernel)(*tuple(_d.values())))

</pallas_src>

<mosaic_0001>
#map = affine_map<(d0, d1) -> (0, 0, 0)>
#map1 = affine_map<(d0, d1) -> (0, 0)>
module attributes {stable_mosaic.version = 14 : i64} {
  func.func @deg_kernel(%arg0: i32, %arg1: i32, %arg2: memref<32x40x128xi32, #tpu.memory_space<hbm>>, %arg3: memref<2x128x8xf32, #tpu.memory_space<hbm>>, %arg4: memref<20000x8xf32, #tpu.memory_space<hbm>>, %arg5: memref<40x128xi32, #tpu.memory_space<vmem>>, %arg6: memref<128x8xf32, #tpu.memory_space<vmem>>, %arg7: memref<625x8xf32, #tpu.memory_space<vmem>>, %arg8: memref<10240x8xf32, #tpu.memory_space<vmem_shared>>, %arg9: memref<!tpu.dma_semaphore, #tpu.memory_space<semaphore_mem>>, %arg10: memref<!tpu.dma_semaphore, #tpu.memory_space<semaphore_mem>>, %arg11: memref<!tpu.dma_semaphore, #tpu.memory_space<semaphore_mem>>, %arg12: memref<!tpu.dma_semaphore, #tpu.memory_space<semaphore_mem>>, %arg13: memref<!tpu.dma_semaphore, #tpu.memory_space<semaphore_mem>>, %arg14: memref<!tpu.dma_semaphore, #tpu.memory_space<semaphore_mem>>, %arg15: memref<!tpu.dma_semaphore, #tpu.memory_space<semaphore_mem>>, %arg16: memref<!tpu.dma_semaphore, #tpu.memory_space<semaphore_mem>>) attributes {dimension_semantics = [#tpu.dimension_semantics<core_parallel>, #tpu.dimension_semantics<subcore_parallel>], iteration_bounds = array<i64: 2, 16>, scalar_prefetch = 0 : i64, scratch_operands = 12 : i64, tpu.core_type = #tpu.core_type<sc_vector_subcore>, window_params = [{transform_indices = #map}, {transform_indices = #map}, {transform_indices = #map1}]} {
    %mul3A = arith.constant 2 : i32
    %mul3A_0 = arith.muli %arg1, %mul3A : i32
    %add3A = arith.addi %mul3A_0, %arg0 : i32
    %run_scoped3A = arith.constant 0 : i32
    "tpu.region"() ({
      %run_scoped3A_36 = tpu.sem_alloc : memref<!tpu.dma_semaphore, #tpu.memory_space<semaphore_mem>>
      %dma_start3A = arith.constant 0 : i32
      %dma_start3A_37 = arith.constant 0 : i32
      %dma_start3A_38 = tpu.memref_slice %arg3[%run_scoped3A, %dma_start3A, %dma_start3A_37] : memref<2x128x8xf32, #tpu.memory_space<hbm>> -> memref<1x128x8xf32, #tpu.memory_space<hbm>>
      %dma_start3A_39 = tpu.memref_squeeze %dma_start3A_38 : memref<1x128x8xf32, #tpu.memory_space<hbm>> -> memref<128x8xf32, #tpu.memory_space<hbm>>
      %dma_start3A_40 = arith.constant 0 : i32
      %dma_start3A_41 = arith.constant 0 : i32
      %dma_start3A_42 = tpu.memref_slice %arg3[%run_scoped3A, %dma_start3A_40, %dma_start3A_41] : memref<2x128x8xf32, #tpu.memory_space<hbm>> -> memref<1x128x8xf32, #tpu.memory_space<hbm>>
      %dma_start3A_43 = tpu.memref_squeeze %dma_start3A_42 : memref<1x128x8xf32, #tpu.memory_space<hbm>> -> memref<128x8xf32, #tpu.memory_space<hbm>>
      tpu.enqueue_dma source(%dma_start3A_43 : memref<128x8xf32, #tpu.memory_space<hbm>>) target(%arg6 : memref<128x8xf32, #tpu.memory_space<vmem>>) target_semaphore(%run_scoped3A_36 : memref<!tpu.dma_semaphore, #tpu.memory_space<semaphore_mem>>)
      %dma_wait3A = arith.constant 0 : i32
      %dma_wait3A_44 = arith.constant 0 : i32
      %dma_wait3A_45 = tpu.memref_slice %arg3[%run_scoped3A, %dma_wait3A, %dma_wait3A_44] : memref<2x128x8xf32, #tpu.memory_space<hbm>> -> memref<1x128x8xf32, #tpu.memory_space<hbm>>
      %dma_wait3A_46 = tpu.memref_squeeze %dma_wait3A_45 : memref<1x128x8xf32, #tpu.memory_space<hbm>> -> memref<128x8xf32, #tpu.memory_space<hbm>>
      %dma_wait3A_47 = arith.constant 0 : i32
      %dma_wait3A_48 = arith.constant 0 : i32
      %dma_wait3A_49 = tpu.memref_slice %arg3[%run_scoped3A, %dma_wait3A_47, %dma_wait3A_48] : memref<2x128x8xf32, #tpu.memory_space<hbm>> -> memref<1x128x8xf32, #tpu.memory_space<hbm>>
      %dma_wait3A_50 = tpu.memref_squeeze %dma_wait3A_49 : memref<1x128x8xf32, #tpu.memory_space<hbm>> -> memref<128x8xf32, #tpu.memory_space<hbm>>
      tpu.wait_dma2 semaphore(%run_scoped3A_36 : memref<!tpu.dma_semaphore, #tpu.memory_space<semaphore_mem>>) src(%dma_wait3A_50 : memref<128x8xf32, #tpu.memory_space<hbm>>) dst(%arg6 : memref<128x8xf32, #tpu.memory_space<vmem>>)
      tpu.yield
    }) : () -> ()
    %run_scoped3A_1 = arith.constant 1 : i32
    "tpu.region"() ({
      %run_scoped3A_36 = tpu.sem_alloc : memref<!tpu.dma_semaphore, #tpu.memory_space<semaphore_mem>>
      %dma_start3A = arith.constant 0 : i32
      %dma_start3A_37 = arith.constant 0 : i32
      %dma_start3A_38 = tpu.memref_slice %arg7[%dma_start3A, %dma_start3A_37] : memref<625x8xf32, #tpu.memory_space<vmem>> -> memref<128x8xf32, #tpu.memory_space<vmem>>
      %dma_start3A_39 = arith.constant 0 : i32
      %dma_start3A_40 = arith.constant 0 : i32
      %dma_start3A_41 = tpu.memref_slice %arg3[%run_scoped3A_1, %dma_start3A_39, %dma_start3A_40] : memref<2x128x8xf32, #tpu.memory_space<hbm>> -> memref<1x128x8xf32, #tpu.memory_space<hbm>>
      %dma_start3A_42 = tpu.memref_squeeze %dma_start3A_41 : memref<1x128x8xf32, #tpu.memory_space<hbm>> -> memref<128x8xf32, #tpu.memory_space<hbm>>
      %dma_start3A_43 = arith.constant 0 : i32
      %dma_start3A_44 = arith.constant 0 : i32
      %dma_start3A_45 = tpu.memref_slice %arg7[%dma_start3A_43, %dma_start3A_44] : memref<625x8xf32, #tpu.memory_space<vmem>> -> memref<128x8xf32, #tpu.memory_space<vmem>>
      %dma_start3A_46 = arith.constant 0 : i32
      %dma_start3A_47 = arith.constant 0 : i32
      %dma_start3A_48 = tpu.memref_slice %arg3[%run_scoped3A_1, %dma_start3A_46, %dma_start3A_47] : memref<2x128x8xf32, #tpu.memory_space<hbm>> -> memref<1x128x8xf32, #tpu.memory_space<hbm>>
      %dma_start3A_49 = tpu.memref_squeeze %dma_start3A_48 : memref<1x128x8xf32, #tpu.memory_space<hbm>> -> memref<128x8xf32, #tpu.memory_space<hbm>>
      tpu.enqueue_dma source(%dma_start3A_49 : memref<128x8xf32, #tpu.memory_space<hbm>>) target(%dma_start3A_45 : memref<128x8xf32, #tpu.memory_space<vmem>>) target_semaphore(%run_scoped3A_36 : memref<!tpu.dma_semaphore, #tpu.memory_space<semaphore_mem>>)
      %dma_wait3A = arith.constant 0 : i32
      %dma_wait3A_50 = arith.constant 0 : i32
      %dma_wait3A_51 = tpu.memref_slice %arg7[%dma_wait3A, %dma_wait3A_50] : memref<625x8xf32, #tpu.memory_space<vmem>> -> memref<128x8xf32, #tpu.memory_space<vmem>>
      %dma_wait3A_52 = arith.constant 0 : i32
      %dma_wait3A_53 = arith.constant 0 : i32
      %dma_wait3A_54 = tpu.memref_slice %arg3[%run_scoped3A_1, %dma_wait3A_52, %dma_wait3A_53] : memref<2x128x8xf32, #tpu.memory_space<hbm>> -> memref<1x128x8xf32, #tpu.memory_space<hbm>>
      %dma_wait3A_55 = tpu.memref_squeeze %dma_wait3A_54 : memref<1x128x8xf32, #tpu.memory_space<hbm>> -> memref<128x8xf32, #tpu.memory_space<hbm>>
      %dma_wait3A_56 = arith.constant 0 : i32
      %dma_wait3A_57 = arith.constant 0 : i32
      %dma_wait3A_58 = tpu.memref_slice %arg7[%dma_wait3A_56, %dma_wait3A_57] : memref<625x8xf32, #tpu.memory_space<vmem>> -> memref<128x8xf32, #tpu.memory_space<vmem>>
      %dma_wait3A_59 = arith.constant 0 : i32
      %dma_wait3A_60 = arith.constant 0 : i32
      %dma_wait3A_61 = tpu.memref_slice %arg3[%run_scoped3A_1, %dma_wait3A_59, %dma_wait3A_60] : memref<2x128x8xf32, #tpu.memory_space<hbm>> -> memref<1x128x8xf32, #tpu.memory_space<hbm>>
      %dma_wait3A_62 = tpu.memref_squeeze %dma_wait3A_61 : memref<1x128x8xf32, #tpu.memory_space<hbm>> -> memref<128x8xf32, #tpu.memory_space<hbm>>
      tpu.wait_dma2 semaphore(%run_scoped3A_36 : memref<!tpu.dma_semaphore, #tpu.memory_space<semaphore_mem>>) src(%dma_wait3A_62 : memref<128x8xf32, #tpu.memory_space<hbm>>) dst(%dma_wait3A_58 : memref<128x8xf32, #tpu.memory_space<vmem>>)
      tpu.yield
    }) : () -> ()
    %mul3A_2 = arith.constant 640 : i32
    %mul3A_3 = arith.muli %arg1, %mul3A_2 : i32
    %add3A_4 = arith.constant 0 : i32
    %add3A_5 = arith.addi %mul3A_3, %add3A_4 : i32
    "tpu.region"() ({
      %run_scoped3A_36 = tpu.sem_alloc : memref<!tpu.dma_semaphore, #tpu.memory_space<semaphore_mem>>
      %dma_start3A = arith.constant 0 : i32
      %dma_start3A_37 = arith.constant 0 : i32
      %dma_start3A_38 = tpu.memref_slice %arg7[%dma_start3A, %dma_start3A_37] : memref<625x8xf32, #tpu.memory_space<vmem>> -> memref<128x8xf32, #tpu.memory_space<vmem>>
      %dma_start3A_39 = arith.constant 0 : i32
      %dma_start3A_40 = tpu.memref_slice %arg8[%add3A_5, %dma_start3A_39] : memref<10240x8xf32, #tpu.memory_space<vmem_shared>> -> memref<128x8xf32, #tpu.memory_space<vmem_shared>>
      %dma_start3A_41 = arith.constant 0 : i32
      %dma_start3A_42 = tpu.memref_slice %arg8[%add3A_5, %dma_start3A_41] : memref<10240x8xf32, #tpu.memory_space<vmem_shared>> -> memref<128x8xf32, #tpu.memory_space<vmem_shared>>
      %dma_start3A_43 = arith.constant 0 : i32
      %dma_start3A_44 = arith.constant 0 : i32
      %dma_start3A_45 = tpu.memref_slice %arg7[%dma_start3A_43, %dma_start3A_44] : memref<625x8xf32, #tpu.memory_space<vmem>> -> memref<128x8xf32, #tpu.memory_space<vmem>>
      tpu.enqueue_dma source(%dma_start3A_45 : memref<128x8xf32, #tpu.memory_space<vmem>>) target(%dma_start3A_42 : memref<128x8xf32, #tpu.memory_space<vmem_shared>>) target_semaphore(%run_scoped3A_36 : memref<!tpu.dma_semaphore, #tpu.memory_space<semaphore_mem>>)
      %dma_wait3A = arith.constant 0 : i32
      %dma_wait3A_46 = arith.constant 0 : i32
      %dma_wait3A_47 = tpu.memref_slice %arg7[%dma_wait3A, %dma_wait3A_46] : memref<625x8xf32, #tpu.memory_space<vmem>> -> memref<128x8xf32, #tpu.memory_space<vmem>>
      %dma_wait3A_48 = arith.constant 0 : i32
      %dma_wait3A_49 = tpu.memref_slice %arg8[%add3A_5, %dma_wait3A_48] : memref<10240x8xf32, #tpu.memory_space<vmem_shared>> -> memref<128x8xf32, #tpu.memory_space<vmem_shared>>
      %dma_wait3A_50 = arith.constant 0 : i32
      %dma_wait3A_51 = tpu.memref_slice %arg8[%add3A_5, %dma_wait3A_50] : memref<10240x8xf32, #tpu.memory_space<vmem_shared>> -> memref<128x8xf32, #tpu.memory_space<vmem_shared>>
      %dma_wait3A_52 = arith.constant 0 : i32
      %dma_wait3A_53 = arith.constant 0 : i32
      %dma_wait3A_54 = tpu.memref_slice %arg7[%dma_wait3A_52, %dma_wait3A_53] : memref<625x8xf32, #tpu.memory_space<vmem>> -> memref<128x8xf32, #tpu.memory_space<vmem>>
      tpu.wait_dma2 semaphore(%run_scoped3A_36 : memref<!tpu.dma_semaphore, #tpu.memory_space<semaphore_mem>>) src(%dma_wait3A_54 : memref<128x8xf32, #tpu.memory_space<vmem>>) dst(%dma_wait3A_51 : memref<128x8xf32, #tpu.memory_space<vmem_shared>>)
      tpu.yield
    }) : () -> ()
    %mul3A_6 = arith.constant 640 : i32
    %mul3A_7 = arith.muli %arg1, %mul3A_6 : i32
    %add3A_8 = arith.constant 128 : i32
    %add3A_9 = arith.addi %mul3A_7, %add3A_8 : i32
    "tpu.region"() ({
      %run_scoped3A_36 = tpu.sem_alloc : memref<!tpu.dma_semaphore, #tpu.memory_space<semaphore_mem>>
      %dma_start3A = arith.constant 0 : i32
      %dma_start3A_37 = arith.constant 0 : i32
      %dma_start3A_38 = tpu.memref_slice %arg7[%dma_start3A, %dma_start3A_37] : memref<625x8xf32, #tpu.memory_space<vmem>> -> memref<128x8xf32, #tpu.memory_space<vmem>>
      %dma_start3A_39 = arith.constant 0 : i32
      %dma_start3A_40 = tpu.memref_slice %arg8[%add3A_9, %dma_start3A_39] : memref<10240x8xf32, #tpu.memory_space<vmem_shared>> -> memref<128x8xf32, #tpu.memory_space<vmem_shared>>
      %dma_start3A_41 = arith.constant 0 : i32
      %dma_start3A_42 = tpu.memref_slice %arg8[%add3A_9, %dma_start3A_41] : memref<10240x8xf32, #tpu.memory_space<vmem_shared>> -> memref<128x8xf32, #tpu.memory_space<vmem_shared>>
      %dma_start3A_43 = arith.constant 0 : i32
      %dma_start3A_44 = arith.constant 0 : i32
      %dma_start3A_45 = tpu.memref_slice %arg7[%dma_start3A_43, %dma_start3A_44] : memref<625x8xf32, #tpu.memory_space<vmem>> -> memref<128x8xf32, #tpu.memory_space<vmem>>
      tpu.enqueue_dma source(%dma_start3A_45 : memref<128x8xf32, #tpu.memory_space<vmem>>) target(%dma_start3A_42 : memref<128x8xf32, #tpu.memory_space<vmem_shared>>) target_semaphore(%run_scoped3A_36 : memref<!tpu.dma_semaphore, #tpu.memory_space<semaphore_mem>>)
      %dma_wait3A = arith.constant 0 : i32
      %dma_wait3A_46 = arith.constant 0 : i32
      %dma_wait3A_47 = tpu.memref_slice %arg7[%dma_wait3A, %dma_wait3A_46] : memref<625x8xf32, #tpu.memory_space<vmem>> -> memref<128x8xf32, #tpu.memory_space<vmem>>
      %dma_wait3A_48 = arith.constant 0 : i32
      %dma_wait3A_49 = tpu.memref_slice %arg8[%add3A_9, %dma_wait3A_48] : memref<10240x8xf32, #tpu.memory_space<vmem_shared>> -> memref<128x8xf32, #tpu.memory_space<vmem_shared>>
      %dma_wait3A_50 = arith.constant 0 : i32
      %dma_wait3A_51 = tpu.memref_slice %arg8[%add3A_9, %dma_wait3A_50] : memref<10240x8xf32, #tpu.memory_space<vmem_shared>> -> memref<128x8xf32, #tpu.memory_space<vmem_shared>>
      %dma_wait3A_52 = arith.constant 0 : i32
      %dma_wait3A_53 = arith.constant 0 : i32
      %dma_wait3A_54 = tpu.memref_slice %arg7[%dma_wait3A_52, %dma_wait3A_53] : memref<625x8xf32, #tpu.memory_space<vmem>> -> memref<128x8xf32, #tpu.memory_space<vmem>>
      tpu.wait_dma2 semaphore(%run_scoped3A_36 : memref<!tpu.dma_semaphore, #tpu.memory_space<semaphore_mem>>) src(%dma_wait3A_54 : memref<128x8xf32, #tpu.memory_space<vmem>>) dst(%dma_wait3A_51 : memref<128x8xf32, #tpu.memory_space<vmem_shared>>)
      tpu.yield
    }) : () -> ()
    %mul3A_10 = arith.constant 640 : i32
    %mul3A_11 = arith.muli %arg1, %mul3A_10 : i32
    %add3A_12 = arith.constant 256 : i32
    %add3A_13 = arith.addi %mul3A_11, %add3A_12 : i32
    "tpu.region"() ({
      %run_scoped3A_36 = tpu.sem_alloc : memref<!tpu.dma_semaphore, #tpu.memory_space<semaphore_mem>>
      %dma_start3A = arith.constant 0 : i32
      %dma_start3A_37 = arith.constant 0 : i32
      %dma_start3A_38 = tpu.memref_slice %arg7[%dma_start3A, %dma_start3A_37] : memref<625x8xf32, #tpu.memory_space<vmem>> -> memref<128x8xf32, #tpu.memory_space<vmem>>
      %dma_start3A_39 = arith.constant 0 : i32
      %dma_start3A_40 = tpu.memref_slice %arg8[%add3A_13, %dma_start3A_39] : memref<10240x8xf32, #tpu.memory_space<vmem_shared>> -> memref<128x8xf32, #tpu.memory_space<vmem_shared>>
      %dma_start3A_41 = arith.constant 0 : i32
      %dma_start3A_42 = tpu.memref_slice %arg8[%add3A_13, %dma_start3A_41] : memref<10240x8xf32, #tpu.memory_space<vmem_shared>> -> memref<128x8xf32, #tpu.memory_space<vmem_shared>>
      %dma_start3A_43 = arith.constant 0 : i32
      %dma_start3A_44 = arith.constant 0 : i32
      %dma_start3A_45 = tpu.memref_slice %arg7[%dma_start3A_43, %dma_start3A_44] : memref<625x8xf32, #tpu.memory_space<vmem>> -> memref<128x8xf32, #tpu.memory_space<vmem>>
      tpu.enqueue_dma source(%dma_start3A_45 : memref<128x8xf32, #tpu.memory_space<vmem>>) target(%dma_start3A_42 : memref<128x8xf32, #tpu.memory_space<vmem_shared>>) target_semaphore(%run_scoped3A_36 : memref<!tpu.dma_semaphore, #tpu.memory_space<semaphore_mem>>)
      %dma_wait3A = arith.constant 0 : i32
      %dma_wait3A_46 = arith.constant 0 : i32
      %dma_wait3A_47 = tpu.memref_slice %arg7[%dma_wait3A, %dma_wait3A_46] : memref<625x8xf32, #tpu.memory_space<vmem>> -> memref<128x8xf32, #tpu.memory_space<vmem>>
      %dma_wait3A_48 = arith.constant 0 : i32
      %dma_wait3A_49 = tpu.memref_slice %arg8[%add3A_13, %dma_wait3A_48] : memref<10240x8xf32, #tpu.memory_space<vmem_shared>> -> memref<128x8xf32, #tpu.memory_space<vmem_shared>>
      %dma_wait3A_50 = arith.constant 0 : i32
      %dma_wait3A_51 = tpu.memref_slice %arg8[%add3A_13, %dma_wait3A_50] : memref<10240x8xf32, #tpu.memory_space<vmem_shared>> -> memref<128x8xf32, #tpu.memory_space<vmem_shared>>
      %dma_wait3A_52 = arith.constant 0 : i32
      %dma_wait3A_53 = arith.constant 0 : i32
      %dma_wait3A_54 = tpu.memref_slice %arg7[%dma_wait3A_52, %dma_wait3A_53] : memref<625x8xf32, #tpu.memory_space<vmem>> -> memref<128x8xf32, #tpu.memory_space<vmem>>
      tpu.wait_dma2 semaphore(%run_scoped3A_36 : memref<!tpu.dma_semaphore, #tpu.memory_space<semaphore_mem>>) src(%dma_wait3A_54 : memref<128x8xf32, #tpu.memory_space<vmem>>) dst(%dma_wait3A_51 : memref<128x8xf32, #tpu.memory_space<vmem_shared>>)
      tpu.yield
    }) : () -> ()
    %mul3A_14 = arith.constant 640 : i32
    %mul3A_15 = arith.muli %arg1, %mul3A_14 : i32
    %add3A_16 = arith.constant 384 : i32
    %add3A_17 = arith.addi %mul3A_15, %add3A_16 : i32
    "tpu.region"() ({
      %run_scoped3A_36 = tpu.sem_alloc : memref<!tpu.dma_semaphore, #tpu.memory_space<semaphore_mem>>
      %dma_start3A = arith.constant 0 : i32
      %dma_start3A_37 = arith.constant 0 : i32
      %dma_start3A_38 = tpu.memref_slice %arg7[%dma_start3A, %dma_start3A_37] : memref<625x8xf32, #tpu.memory_space<vmem>> -> memref<128x8xf32, #tpu.memory_space<vmem>>
      %dma_start3A_39 = arith.constant 0 : i32
      %dma_start3A_40 = tpu.memref_slice %arg8[%add3A_17, %dma_start3A_39] : memref<10240x8xf32, #tpu.memory_space<vmem_shared>> -> memref<128x8xf32, #tpu.memory_space<vmem_shared>>
      %dma_start3A_41 = arith.constant 0 : i32
      %dma_start3A_42 = tpu.memref_slice %arg8[%add3A_17, %dma_start3A_41] : memref<10240x8xf32, #tpu.memory_space<vmem_shared>> -> memref<128x8xf32, #tpu.memory_space<vmem_shared>>
      %dma_start3A_43 = arith.constant 0 : i32
      %dma_start3A_44 = arith.constant 0 : i32
      %dma_start3A_45 = tpu.memref_slice %arg7[%dma_start3A_43, %dma_start3A_44] : memref<625x8xf32, #tpu.memory_space<vmem>> -> memref<128x8xf32, #tpu.memory_space<vmem>>
      tpu.enqueue_dma source(%dma_start3A_45 : memref<128x8xf32, #tpu.memory_space<vmem>>) target(%dma_start3A_42 : memref<128x8xf32, #tpu.memory_space<vmem_shared>>) target_semaphore(%run_scoped3A_36 : memref<!tpu.dma_semaphore, #tpu.memory_space<semaphore_mem>>)
      %dma_wait3A = arith.constant 0 : i32
      %dma_wait3A_46 = arith.constant 0 : i32
      %dma_wait3A_47 = tpu.memref_slice %arg7[%dma_wait3A, %dma_wait3A_46] : memref<625x8xf32, #tpu.memory_space<vmem>> -> memref<128x8xf32, #tpu.memory_space<vmem>>
      %dma_wait3A_48 = arith.constant 0 : i32
      %dma_wait3A_49 = tpu.memref_slice %arg8[%add3A_17, %dma_wait3A_48] : memref<10240x8xf32, #tpu.memory_space<vmem_shared>> -> memref<128x8xf32, #tpu.memory_space<vmem_shared>>
      %dma_wait3A_50 = arith.constant 0 : i32
      %dma_wait3A_51 = tpu.memref_slice %arg8[%add3A_17, %dma_wait3A_50] : memref<10240x8xf32, #tpu.memory_space<vmem_shared>> -> memref<128x8xf32, #tpu.memory_space<vmem_shared>>
      %dma_wait3A_52 = arith.constant 0 : i32
      %dma_wait3A_53 = arith.constant 0 : i32
      %dma_wait3A_54 = tpu.memref_slice %arg7[%dma_wait3A_52, %dma_wait3A_53] : memref<625x8xf32, #tpu.memory_space<vmem>> -> memref<128x8xf32, #tpu.memory_space<vmem>>
      tpu.wait_dma2 semaphore(%run_scoped3A_36 : memref<!tpu.dma_semaphore, #tpu.memory_space<semaphore_mem>>) src(%dma_wait3A_54 : memref<128x8xf32, #tpu.memory_space<vmem>>) dst(%dma_wait3A_51 : memref<128x8xf32, #tpu.memory_space<vmem_shared>>)
      tpu.yield
    }) : () -> ()
    %mul3A_18 = arith.constant 640 : i32
    %mul3A_19 = arith.muli %arg1, %mul3A_18 : i32
    %add3A_20 = arith.constant 512 : i32
    %add3A_21 = arith.addi %mul3A_19, %add3A_20 : i32
    "tpu.region"() ({
      %run_scoped3A_36 = tpu.sem_alloc : memref<!tpu.dma_semaphore, #tpu.memory_space<semaphore_mem>>
      %dma_start3A = arith.constant 0 : i32
      %dma_start3A_37 = arith.constant 0 : i32
      %dma_start3A_38 = tpu.memref_slice %arg7[%dma_start3A, %dma_start3A_37] : memref<625x8xf32, #tpu.memory_space<vmem>> -> memref<128x8xf32, #tpu.memory_space<vmem>>
      %dma_start3A_39 = arith.constant 0 : i32
      %dma_start3A_40 = tpu.memref_slice %arg8[%add3A_21, %dma_start3A_39] : memref<10240x8xf32, #tpu.memory_space<vmem_shared>> -> memref<128x8xf32, #tpu.memory_space<vmem_shared>>
      %dma_start3A_41 = arith.constant 0 : i32
      %dma_start3A_42 = tpu.memref_slice %arg8[%add3A_21, %dma_start3A_41] : memref<10240x8xf32, #tpu.memory_space<vmem_shared>> -> memref<128x8xf32, #tpu.memory_space<vmem_shared>>
      %dma_start3A_43 = arith.constant 0 : i32
      %dma_start3A_44 = arith.constant 0 : i32
      %dma_start3A_45 = tpu.memref_slice %arg7[%dma_start3A_43, %dma_start3A_44] : memref<625x8xf32, #tpu.memory_space<vmem>> -> memref<128x8xf32, #tpu.memory_space<vmem>>
      tpu.enqueue_dma source(%dma_start3A_45 : memref<128x8xf32, #tpu.memory_space<vmem>>) target(%dma_start3A_42 : memref<128x8xf32, #tpu.memory_space<vmem_shared>>) target_semaphore(%run_scoped3A_36 : memref<!tpu.dma_semaphore, #tpu.memory_space<semaphore_mem>>)
      %dma_wait3A = arith.constant 0 : i32
      %dma_wait3A_46 = arith.constant 0 : i32
      %dma_wait3A_47 = tpu.memref_slice %arg7[%dma_wait3A, %dma_wait3A_46] : memref<625x8xf32, #tpu.memory_space<vmem>> -> memref<128x8xf32, #tpu.memory_space<vmem>>
      %dma_wait3A_48 = arith.constant 0 : i32
      %dma_wait3A_49 = tpu.memref_slice %arg8[%add3A_21, %dma_wait3A_48] : memref<10240x8xf32, #tpu.memory_space<vmem_shared>> -> memref<128x8xf32, #tpu.memory_space<vmem_shared>>
      %dma_wait3A_50 = arith.constant 0 : i32
      %dma_wait3A_51 = tpu.memref_slice %arg8[%add3A_21, %dma_wait3A_50] : memref<10240x8xf32, #tpu.memory_space<vmem_shared>> -> memref<128x8xf32, #tpu.memory_space<vmem_shared>>
      %dma_wait3A_52 = arith.constant 0 : i32
      %dma_wait3A_53 = arith.constant 0 : i32
      %dma_wait3A_54 = tpu.memref_slice %arg7[%dma_wait3A_52, %dma_wait3A_53] : memref<625x8xf32, #tpu.memory_space<vmem>> -> memref<128x8xf32, #tpu.memory_space<vmem>>
      tpu.wait_dma2 semaphore(%run_scoped3A_36 : memref<!tpu.dma_semaphore, #tpu.memory_space<semaphore_mem>>) src(%dma_wait3A_54 : memref<128x8xf32, #tpu.memory_space<vmem>>) dst(%dma_wait3A_51 : memref<128x8xf32, #tpu.memory_space<vmem_shared>>)
      tpu.yield
    }) : () -> ()
    "tpu.region"() ({
      %run_scoped3A_36 = tpu.sem_alloc : memref<!tpu.dma_semaphore, #tpu.memory_space<semaphore_mem>>
      %dma_start3A = arith.constant 0 : i32
      %dma_start3A_37 = arith.constant 0 : i32
      %dma_start3A_38 = tpu.memref_slice %arg2[%add3A, %dma_start3A, %dma_start3A_37] : memref<32x40x128xi32, #tpu.memory_space<hbm>> -> memref<1x40x128xi32, #tpu.memory_space<hbm>>
      %dma_start3A_39 = tpu.memref_squeeze %dma_start3A_38 : memref<1x40x128xi32, #tpu.memory_space<hbm>> -> memref<40x128xi32, #tpu.memory_space<hbm>>
      %dma_start3A_40 = arith.constant 0 : i32
      %dma_start3A_41 = arith.constant 0 : i32
      %dma_start3A_42 = tpu.memref_slice %arg2[%add3A, %dma_start3A_40, %dma_start3A_41] : memref<32x40x128xi32, #tpu.memory_space<hbm>> -> memref<1x40x128xi32, #tpu.memory_space<hbm>>
      %dma_start3A_43 = tpu.memref_squeeze %dma_start3A_42 : memref<1x40x128xi32, #tpu.memory_space<hbm>> -> memref<40x128xi32, #tpu.memory_space<hbm>>
      tpu.enqueue_dma source(%dma_start3A_43 : memref<40x128xi32, #tpu.memory_space<hbm>>) target(%arg5 : memref<40x128xi32, #tpu.memory_space<vmem>>) target_semaphore(%run_scoped3A_36 : memref<!tpu.dma_semaphore, #tpu.memory_space<semaphore_mem>>)
      %dma_wait3A = arith.constant 0 : i32
      %dma_wait3A_44 = arith.constant 0 : i32
      %dma_wait3A_45 = tpu.memref_slice %arg2[%add3A, %dma_wait3A, %dma_wait3A_44] : memref<32x40x128xi32, #tpu.memory_space<hbm>> -> memref<1x40x128xi32, #tpu.memory_space<hbm>>
      %dma_wait3A_46 = tpu.memref_squeeze %dma_wait3A_45 : memref<1x40x128xi32, #tpu.memory_space<hbm>> -> memref<40x128xi32, #tpu.memory_space<hbm>>
      %dma_wait3A_47 = arith.constant 0 : i32
      %dma_wait3A_48 = arith.constant 0 : i32
      %dma_wait3A_49 = tpu.memref_slice %arg2[%add3A, %dma_wait3A_47, %dma_wait3A_48] : memref<32x40x128xi32, #tpu.memory_space<hbm>> -> memref<1x40x128xi32, #tpu.memory_space<hbm>>
      %dma_wait3A_50 = tpu.memref_squeeze %dma_wait3A_49 : memref<1x40x128xi32, #tpu.memory_space<hbm>> -> memref<40x128xi32, #tpu.memory_space<hbm>>
      tpu.wait_dma2 semaphore(%run_scoped3A_36 : memref<!tpu.dma_semaphore, #tpu.memory_space<semaphore_mem>>) src(%dma_wait3A_50 : memref<40x128xi32, #tpu.memory_space<hbm>>) dst(%arg5 : memref<40x128xi32, #tpu.memory_space<vmem>>)
      tpu.yield
    }) : () -> ()
    %barrier3A = arith.constant 0 : index
    tpu.barrier barrier_id(%barrier3A)
    %scan3A = arith.constant 0 : i32
    %scan3A_22 = arith.constant 0 : i32
    %scan3A_23 = arith.constant 5 : i32
    %scan3A_24 = arith.addi %scan3A_22, %scan3A_23 : i32
    %scan3A_25 = arith.constant 1 : i32
    %scan3A_26 = scf.for %scan3A_36 = %scan3A_22 to %scan3A_24 step %scan3A_25 iter_args(%scan3A_37 = %scan3A) -> (i32)  : i32 {
      %mul3A_38 = arith.constant 8 : i32
      %mul3A_39 = arith.muli %mul3A_38, %scan3A_36 : i32
      %add3A_40 = arith.constant 0 : i32
      %add3A_41 = arith.addi %mul3A_39, %add3A_40 : i32
      %dma_start3A = arith.constant 0 : i32
      %dma_start3A_42 = tpu.memref_slice %arg5[%add3A_41, %dma_start3A] : memref<40x128xi32, #tpu.memory_space<vmem>> -> memref<1x128xi32, #tpu.memory_space<vmem>>
      %dma_start3A_43 = tpu.memref_squeeze %dma_start3A_42 : memref<1x128xi32, #tpu.memory_space<vmem>> -> memref<128xi32, #tpu.memory_space<vmem>>
      %dma_start3A_44 = arith.constant 0 : i32
      %dma_start3A_45 = arith.constant 0 : i32
      %dma_start3A_46 = tpu.memref_slice %arg8[%dma_start3A_44, %dma_start3A_45] : memref<10240x8xf32, #tpu.memory_space<vmem_shared>> -> memref<10240x8xf32, #tpu.memory_space<vmem_shared>>
      tpu.enqueue_indirect_dma source(%arg6 : memref<128x8xf32, #tpu.memory_space<vmem>>) target(%dma_start3A_46 : memref<10240x8xf32, #tpu.memory_space<vmem_shared>>) offsets(%dma_start3A_43 : memref<128xi32, #tpu.memory_space<vmem>>) semaphore(%arg9 : memref<!tpu.dma_semaphore, #tpu.memory_space<semaphore_mem>>) {add = true}
      %mul3A_47 = arith.constant 8 : i32
      %mul3A_48 = arith.muli %mul3A_47, %scan3A_36 : i32
      %add3A_49 = arith.constant 1 : i32
      %add3A_50 = arith.addi %mul3A_48, %add3A_49 : i32
      %dma_start3A_51 = arith.constant 0 : i32
      %dma_start3A_52 = tpu.memref_slice %arg5[%add3A_50, %dma_start3A_51] : memref<40x128xi32, #tpu.memory_space<vmem>> -> memref<1x128xi32, #tpu.memory_space<vmem>>
      %dma_start3A_53 = tpu.memref_squeeze %dma_start3A_52 : memref<1x128xi32, #tpu.memory_space<vmem>> -> memref<128xi32, #tpu.memory_space<vmem>>
      %dma_start3A_54 = arith.constant 0 : i32
      %dma_start3A_55 = arith.constant 0 : i32
      %dma_start3A_56 = tpu.memref_slice %arg8[%dma_start3A_54, %dma_start3A_55] : memref<10240x8xf32, #tpu.memory_space<vmem_shared>> -> memref<10240x8xf32, #tpu.memory_space<vmem_shared>>
      tpu.enqueue_indirect_dma source(%arg6 : memref<128x8xf32, #tpu.memory_space<vmem>>) target(%dma_start3A_56 : memref<10240x8xf32, #tpu.memory_space<vmem_shared>>) offsets(%dma_start3A_53 : memref<128xi32, #tpu.memory_space<vmem>>) semaphore(%arg10 : memref<!tpu.dma_semaphore, #tpu.memory_space<semaphore_mem>>) {add = true}
      %mul3A_57 = arith.constant 8 : i32
      %mul3A_58 = arith.muli %mul3A_57, %scan3A_36 : i32
      %add3A_59 = arith.constant 2 : i32
      %add3A_60 = arith.addi %mul3A_58, %add3A_59 : i32
      %dma_start3A_61 = arith.constant 0 : i32
      %dma_start3A_62 = tpu.memref_slice %arg5[%add3A_60, %dma_start3A_61] : memref<40x128xi32, #tpu.memory_space<vmem>> -> memref<1x128xi32, #tpu.memory_space<vmem>>
      %dma_start3A_63 = tpu.memref_squeeze %dma_start3A_62 : memref<1x128xi32, #tpu.memory_space<vmem>> -> memref<128xi32, #tpu.memory_space<vmem>>
      %dma_start3A_64 = arith.constant 0 : i32
      %dma_start3A_65 = arith.constant 0 : i32
      %dma_start3A_66 = tpu.memref_slice %arg8[%dma_start3A_64, %dma_start3A_65] : memref<10240x8xf32, #tpu.memory_space<vmem_shared>> -> memref<10240x8xf32, #tpu.memory_space<vmem_shared>>
      tpu.enqueue_indirect_dma source(%arg6 : memref<128x8xf32, #tpu.memory_space<vmem>>) target(%dma_start3A_66 : memref<10240x8xf32, #tpu.memory_space<vmem_shared>>) offsets(%dma_start3A_63 : memref<128xi32, #tpu.memory_space<vmem>>) semaphore(%arg11 : memref<!tpu.dma_semaphore, #tpu.memory_space<semaphore_mem>>) {add = true}
      %mul3A_67 = arith.constant 8 : i32
      %mul3A_68 = arith.muli %mul3A_67, %scan3A_36 : i32
      %add3A_69 = arith.constant 3 : i32
      %add3A_70 = arith.addi %mul3A_68, %add3A_69 : i32
      %dma_start3A_71 = arith.constant 0 : i32
      %dma_start3A_72 = tpu.memref_slice %arg5[%add3A_70, %dma_start3A_71] : memref<40x128xi32, #tpu.memory_space<vmem>> -> memref<1x128xi32, #tpu.memory_space<vmem>>
      %dma_start3A_73 = tpu.memref_squeeze %dma_start3A_72 : memref<1x128xi32, #tpu.memory_space<vmem>> -> memref<128xi32, #tpu.memory_space<vmem>>
      %dma_start3A_74 = arith.constant 0 : i32
      %dma_start3A_75 = arith.constant 0 : i32
      %dma_start3A_76 = tpu.memref_slice %arg8[%dma_start3A_74, %dma_start3A_75] : memref<10240x8xf32, #tpu.memory_space<vmem_shared>> -> memref<10240x8xf32, #tpu.memory_space<vmem_shared>>
      tpu.enqueue_indirect_dma source(%arg6 : memref<128x8xf32, #tpu.memory_space<vmem>>) target(%dma_start3A_76 : memref<10240x8xf32, #tpu.memory_space<vmem_shared>>) offsets(%dma_start3A_73 : memref<128xi32, #tpu.memory_space<vmem>>) semaphore(%arg12 : memref<!tpu.dma_semaphore, #tpu.memory_space<semaphore_mem>>) {add = true}
      %mul3A_77 = arith.constant 8 : i32
      %mul3A_78 = arith.muli %mul3A_77, %scan3A_36 : i32
      %add3A_79 = arith.constant 4 : i32
      %add3A_80 = arith.addi %mul3A_78, %add3A_79 : i32
      %dma_start3A_81 = arith.constant 0 : i32
      %dma_start3A_82 = tpu.memref_slice %arg5[%add3A_80, %dma_start3A_81] : memref<40x128xi32, #tpu.memory_space<vmem>> -> memref<1x128xi32, #tpu.memory_space<vmem>>
      %dma_start3A_83 = tpu.memref_squeeze %dma_start3A_82 : memref<1x128xi32, #tpu.memory_space<vmem>> -> memref<128xi32, #tpu.memory_space<vmem>>
      %dma_start3A_84 = arith.constant 0 : i32
      %dma_start3A_85 = arith.constant 0 : i32
      %dma_start3A_86 = tpu.memref_slice %arg8[%dma_start3A_84, %dma_start3A_85] : memref<10240x8xf32, #tpu.memory_space<vmem_shared>> -> memref<10240x8xf32, #tpu.memory_space<vmem_shared>>
      tpu.enqueue_indirect_dma source(%arg6 : memref<128x8xf32, #tpu.memory_space<vmem>>) target(%dma_start3A_86 : memref<10240x8xf32, #tpu.memory_space<vmem_shared>>) offsets(%dma_start3A_83 : memref<128xi32, #tpu.memory_space<vmem>>) semaphore(%arg13 : memref<!tpu.dma_semaphore, #tpu.memory_space<semaphore_mem>>) {add = true}
      %mul3A_87 = arith.constant 8 : i32
      %mul3A_88 = arith.muli %mul3A_87, %scan3A_36 : i32
      %add3A_89 = arith.constant 5 : i32
      %add3A_90 = arith.addi %mul3A_88, %add3A_89 : i32
      %dma_start3A_91 = arith.constant 0 : i32
      %dma_start3A_92 = tpu.memref_slice %arg5[%add3A_90, %dma_start3A_91] : memref<40x128xi32, #tpu.memory_space<vmem>> -> memref<1x128xi32, #tpu.memory_space<vmem>>
      %dma_start3A_93 = tpu.memref_squeeze %dma_start3A_92 : memref<1x128xi32, #tpu.memory_space<vmem>> -> memref<128xi32, #tpu.memory_space<vmem>>
      %dma_start3A_94 = arith.constant 0 : i32
      %dma_start3A_95 = arith.constant 0 : i32
      %dma_start3A_96 = tpu.memref_slice %arg8[%dma_start3A_94, %dma_start3A_95] : memref<10240x8xf32, #tpu.memory_space<vmem_shared>> -> memref<10240x8xf32, #tpu.memory_space<vmem_shared>>
      tpu.enqueue_indirect_dma source(%arg6 : memref<128x8xf32, #tpu.memory_space<vmem>>) target(%dma_start3A_96 : memref<10240x8xf32, #tpu.memory_space<vmem_shared>>) offsets(%dma_start3A_93 : memref<128xi32, #tpu.memory_space<vmem>>) semaphore(%arg14 : memref<!tpu.dma_semaphore, #tpu.memory_space<semaphore_mem>>) {add = true}
      %mul3A_97 = arith.constant 8 : i32
      %mul3A_98 = arith.muli %mul3A_97, %scan3A_36 : i32
      %add3A_99 = arith.constant 6 : i32
      %add3A_100 = arith.addi %mul3A_98, %add3A_99 : i32
      %dma_start3A_101 = arith.constant 0 : i32
      %dma_start3A_102 = tpu.memref_slice %arg5[%add3A_100, %dma_start3A_101] : memref<40x128xi32, #tpu.memory_space<vmem>> -> memref<1x128xi32, #tpu.memory_space<vmem>>
      %dma_start3A_103 = tpu.memref_squeeze %dma_start3A_102 : memref<1x128xi32, #tpu.memory_space<vmem>> -> memref<128xi32, #tpu.memory_space<vmem>>
      %dma_start3A_104 = arith.constant 0 : i32
      %dma_start3A_105 = arith.constant 0 : i32
      %dma_start3A_106 = tpu.memref_slice %arg8[%dma_start3A_104, %dma_start3A_105] : memref<10240x8xf32, #tpu.memory_space<vmem_shared>> -> memref<10240x8xf32, #tpu.memory_space<vmem_shared>>
      tpu.enqueue_indirect_dma source(%arg6 : memref<128x8xf32, #tpu.memory_space<vmem>>) target(%dma_start3A_106 : memref<10240x8xf32, #tpu.memory_space<vmem_shared>>) offsets(%dma_start3A_103 : memref<128xi32, #tpu.memory_space<vmem>>) semaphore(%arg15 : memref<!tpu.dma_semaphore, #tpu.memory_space<semaphore_mem>>) {add = true}
      %mul3A_107 = arith.constant 8 : i32
      %mul3A_108 = arith.muli %mul3A_107, %scan3A_36 : i32
      %add3A_109 = arith.constant 7 : i32
      %add3A_110 = arith.addi %mul3A_108, %add3A_109 : i32
      %dma_start3A_111 = arith.constant 0 : i32
      %dma_start3A_112 = tpu.memref_slice %arg5[%add3A_110, %dma_start3A_111] : memref<40x128xi32, #tpu.memory_space<vmem>> -> memref<1x128xi32, #tpu.memory_space<vmem>>
      %dma_start3A_113 = tpu.memref_squeeze %dma_start3A_112 : memref<1x128xi32, #tpu.memory_space<vmem>> -> memref<128xi32, #tpu.memory_space<vmem>>
      %dma_start3A_114 = arith.constant 0 : i32
      %dma_start3A_115 = arith.constant 0 : i32
      %dma_start3A_116 = tpu.memref_slice %arg8[%dma_start3A_114, %dma_start3A_115] : memref<10240x8xf32, #tpu.memory_space<vmem_shared>> -> memref<10240x8xf32, #tpu.memory_space<vmem_shared>>
      tpu.enqueue_indirect_dma source(%arg6 : memref<128x8xf32, #tpu.memory_space<vmem>>) target(%dma_start3A_116 : memref<10240x8xf32, #tpu.memory_space<vmem_shared>>) offsets(%dma_start3A_113 : memref<128xi32, #tpu.memory_space<vmem>>) semaphore(%arg16 : memref<!tpu.dma_semaphore, #tpu.memory_space<semaphore_mem>>) {add = true}
      %mul3A_117 = arith.constant 8 : i32
      %mul3A_118 = arith.muli %mul3A_117, %scan3A_36 : i32
      %add3A_119 = arith.constant 0 : i32
      %add3A_120 = arith.addi %mul3A_118, %add3A_119 : i32
      %dma_wait3A = arith.constant 0 : i32
      %dma_wait3A_121 = tpu.memref_slice %arg5[%add3A_120, %dma_wait3A] : memref<40x128xi32, #tpu.memory_space<vmem>> -> memref<1x128xi32, #tpu.memory_space<vmem>>
      %dma_wait3A_122 = tpu.memref_squeeze %dma_wait3A_121 : memref<1x128xi32, #tpu.memory_space<vmem>> -> memref<128xi32, #tpu.memory_space<vmem>>
      %dma_wait3A_123 = arith.constant 0 : i32
      %dma_wait3A_124 = arith.constant 0 : i32
      %dma_wait3A_125 = tpu.memref_slice %arg8[%dma_wait3A_123, %dma_wait3A_124] : memref<10240x8xf32, #tpu.memory_space<vmem_shared>> -> memref<10240x8xf32, #tpu.memory_space<vmem_shared>>
      tpu.wait_indirect_dma semaphore(%arg9 : memref<!tpu.dma_semaphore, #tpu.memory_space<semaphore_mem>>) src(%arg6 : memref<128x8xf32, #tpu.memory_space<vmem>>) dst(%dma_wait3A_125 : memref<10240x8xf32, #tpu.memory_space<vmem_shared>>)
      %mul3A_126 = arith.constant 8 : i32
      %mul3A_127 = arith.muli %mul3A_126, %scan3A_36 : i32
      %add3A_128 = arith.constant 1 : i32
      %add3A_129 = arith.addi %mul3A_127, %add3A_128 : i32
      %dma_wait3A_130 = arith.constant 0 : i32
      %dma_wait3A_131 = tpu.memref_slice %arg5[%add3A_129, %dma_wait3A_130] : memref<40x128xi32, #tpu.memory_space<vmem>> -> memref<1x128xi32, #tpu.memory_space<vmem>>
      %dma_wait3A_132 = tpu.memref_squeeze %dma_wait3A_131 : memref<1x128xi32, #tpu.memory_space<vmem>> -> memref<128xi32, #tpu.memory_space<vmem>>
      %dma_wait3A_133 = arith.constant 0 : i32
      %dma_wait3A_134 = arith.constant 0 : i32
      %dma_wait3A_135 = tpu.memref_slice %arg8[%dma_wait3A_133, %dma_wait3A_134] : memref<10240x8xf32, #tpu.memory_space<vmem_shared>> -> memref<10240x8xf32, #tpu.memory_space<vmem_shared>>
      tpu.wait_indirect_dma semaphore(%arg10 : memref<!tpu.dma_semaphore, #tpu.memory_space<semaphore_mem>>) src(%arg6 : memref<128x8xf32, #tpu.memory_space<vmem>>) dst(%dma_wait3A_135 : memref<10240x8xf32, #tpu.memory_space<vmem_shared>>)
      %mul3A_136 = arith.constant 8 : i32
      %mul3A_137 = arith.muli %mul3A_136, %scan3A_36 : i32
      %add3A_138 = arith.constant 2 : i32
      %add3A_139 = arith.addi %mul3A_137, %add3A_138 : i32
      %dma_wait3A_140 = arith.constant 0 : i32
      %dma_wait3A_141 = tpu.memref_slice %arg5[%add3A_139, %dma_wait3A_140] : memref<40x128xi32, #tpu.memory_space<vmem>> -> memref<1x128xi32, #tpu.memory_space<vmem>>
      %dma_wait3A_142 = tpu.memref_squeeze %dma_wait3A_141 : memref<1x128xi32, #tpu.memory_space<vmem>> -> memref<128xi32, #tpu.memory_space<vmem>>
      %dma_wait3A_143 = arith.constant 0 : i32
      %dma_wait3A_144 = arith.constant 0 : i32
      %dma_wait3A_145 = tpu.memref_slice %arg8[%dma_wait3A_143, %dma_wait3A_144] : memref<10240x8xf32, #tpu.memory_space<vmem_shared>> -> memref<10240x8xf32, #tpu.memory_space<vmem_shared>>
      tpu.wait_indirect_dma semaphore(%arg11 : memref<!tpu.dma_semaphore, #tpu.memory_space<semaphore_mem>>) src(%arg6 : memref<128x8xf32, #tpu.memory_space<vmem>>) dst(%dma_wait3A_145 : memref<10240x8xf32, #tpu.memory_space<vmem_shared>>)
      %mul3A_146 = arith.constant 8 : i32
      %mul3A_147 = arith.muli %mul3A_146, %scan3A_36 : i32
      %add3A_148 = arith.constant 3 : i32
      %add3A_149 = arith.addi %mul3A_147, %add3A_148 : i32
      %dma_wait3A_150 = arith.constant 0 : i32
      %dma_wait3A_151 = tpu.memref_slice %arg5[%add3A_149, %dma_wait3A_150] : memref<40x128xi32, #tpu.memory_space<vmem>> -> memref<1x128xi32, #tpu.memory_space<vmem>>
      %dma_wait3A_152 = tpu.memref_squeeze %dma_wait3A_151 : memref<1x128xi32, #tpu.memory_space<vmem>> -> memref<128xi32, #tpu.memory_space<vmem>>
      %dma_wait3A_153 = arith.constant 0 : i32
      %dma_wait3A_154 = arith.constant 0 : i32
      %dma_wait3A_155 = tpu.memref_slice %arg8[%dma_wait3A_153, %dma_wait3A_154] : memref<10240x8xf32, #tpu.memory_space<vmem_shared>> -> memref<10240x8xf32, #tpu.memory_space<vmem_shared>>
      tpu.wait_indirect_dma semaphore(%arg12 : memref<!tpu.dma_semaphore, #tpu.memory_space<semaphore_mem>>) src(%arg6 : memref<128x8xf32, #tpu.memory_space<vmem>>) dst(%dma_wait3A_155 : memref<10240x8xf32, #tpu.memory_space<vmem_shared>>)
      %mul3A_156 = arith.constant 8 : i32
      %mul3A_157 = arith.muli %mul3A_156, %scan3A_36 : i32
      %add3A_158 = arith.constant 4 : i32
      %add3A_159 = arith.addi %mul3A_157, %add3A_158 : i32
      %dma_wait3A_160 = arith.constant 0 : i32
      %dma_wait3A_161 = tpu.memref_slice %arg5[%add3A_159, %dma_wait3A_160] : memref<40x128xi32, #tpu.memory_space<vmem>> -> memref<1x128xi32, #tpu.memory_space<vmem>>
      %dma_wait3A_162 = tpu.memref_squeeze %dma_wait3A_161 : memref<1x128xi32, #tpu.memory_space<vmem>> -> memref<128xi32, #tpu.memory_space<vmem>>
      %dma_wait3A_163 = arith.constant 0 : i32
      %dma_wait3A_164 = arith.constant 0 : i32
      %dma_wait3A_165 = tpu.memref_slice %arg8[%dma_wait3A_163, %dma_wait3A_164] : memref<10240x8xf32, #tpu.memory_space<vmem_shared>> -> memref<10240x8xf32, #tpu.memory_space<vmem_shared>>
      tpu.wait_indirect_dma semaphore(%arg13 : memref<!tpu.dma_semaphore, #tpu.memory_space<semaphore_mem>>) src(%arg6 : memref<128x8xf32, #tpu.memory_space<vmem>>) dst(%dma_wait3A_165 : memref<10240x8xf32, #tpu.memory_space<vmem_shared>>)
      %mul3A_166 = arith.constant 8 : i32
      %mul3A_167 = arith.muli %mul3A_166, %scan3A_36 : i32
      %add3A_168 = arith.constant 5 : i32
      %add3A_169 = arith.addi %mul3A_167, %add3A_168 : i32
      %dma_wait3A_170 = arith.constant 0 : i32
      %dma_wait3A_171 = tpu.memref_slice %arg5[%add3A_169, %dma_wait3A_170] : memref<40x128xi32, #tpu.memory_space<vmem>> -> memref<1x128xi32, #tpu.memory_space<vmem>>
      %dma_wait3A_172 = tpu.memref_squeeze %dma_wait3A_171 : memref<1x128xi32, #tpu.memory_space<vmem>> -> memref<128xi32, #tpu.memory_space<vmem>>
      %dma_wait3A_173 = arith.constant 0 : i32
      %dma_wait3A_174 = arith.constant 0 : i32
      %dma_wait3A_175 = tpu.memref_slice %arg8[%dma_wait3A_173, %dma_wait3A_174] : memref<10240x8xf32, #tpu.memory_space<vmem_shared>> -> memref<10240x8xf32, #tpu.memory_space<vmem_shared>>
      tpu.wait_indirect_dma semaphore(%arg14 : memref<!tpu.dma_semaphore, #tpu.memory_space<semaphore_mem>>) src(%arg6 : memref<128x8xf32, #tpu.memory_space<vmem>>) dst(%dma_wait3A_175 : memref<10240x8xf32, #tpu.memory_space<vmem_shared>>)
      %mul3A_176 = arith.constant 8 : i32
      %mul3A_177 = arith.muli %mul3A_176, %scan3A_36 : i32
      %add3A_178 = arith.constant 6 : i32
      %add3A_179 = arith.addi %mul3A_177, %add3A_178 : i32
      %dma_wait3A_180 = arith.constant 0 : i32
      %dma_wait3A_181 = tpu.memref_slice %arg5[%add3A_179, %dma_wait3A_180] : memref<40x128xi32, #tpu.memory_space<vmem>> -> memref<1x128xi32, #tpu.memory_space<vmem>>
      %dma_wait3A_182 = tpu.memref_squeeze %dma_wait3A_181 : memref<1x128xi32, #tpu.memory_space<vmem>> -> memref<128xi32, #tpu.memory_space<vmem>>
      %dma_wait3A_183 = arith.constant 0 : i32
      %dma_wait3A_184 = arith.constant 0 : i32
      %dma_wait3A_185 = tpu.memref_slice %arg8[%dma_wait3A_183, %dma_wait3A_184] : memref<10240x8xf32, #tpu.memory_space<vmem_shared>> -> memref<10240x8xf32, #tpu.memory_space<vmem_shared>>
      tpu.wait_indirect_dma semaphore(%arg15 : memref<!tpu.dma_semaphore, #tpu.memory_space<semaphore_mem>>) src(%arg6 : memref<128x8xf32, #tpu.memory_space<vmem>>) dst(%dma_wait3A_185 : memref<10240x8xf32, #tpu.memory_space<vmem_shared>>)
      %mul3A_186 = arith.constant 8 : i32
      %mul3A_187 = arith.muli %mul3A_186, %scan3A_36 : i32
      %add3A_188 = arith.constant 7 : i32
      %add3A_189 = arith.addi %mul3A_187, %add3A_188 : i32
      %dma_wait3A_190 = arith.constant 0 : i32
      %dma_wait3A_191 = tpu.memref_slice %arg5[%add3A_189, %dma_wait3A_190] : memref<40x128xi32, #tpu.memory_space<vmem>> -> memref<1x128xi32, #tpu.memory_space<vmem>>
      %dma_wait3A_192 = tpu.memref_squeeze %dma_wait3A_191 : memref<1x128xi32, #tpu.memory_space<vmem>> -> memref<128xi32, #tpu.memory_space<vmem>>
      %dma_wait3A_193 = arith.constant 0 : i32
      %dma_wait3A_194 = arith.constant 0 : i32
      %dma_wait3A_195 = tpu.memref_slice %arg8[%dma_wait3A_193, %dma_wait3A_194] : memref<10240x8xf32, #tpu.memory_space<vmem_shared>> -> memref<10240x8xf32, #tpu.memory_space<vmem_shared>>
      tpu.wait_indirect_dma semaphore(%arg16 : memref<!tpu.dma_semaphore, #tpu.memory_space<semaphore_mem>>) src(%arg6 : memref<128x8xf32, #tpu.memory_space<vmem>>) dst(%dma_wait3A_195 : memref<10240x8xf32, #tpu.memory_space<vmem_shared>>)
      %scan3A_196 = arith.constant 0 : i32
      scf.yield %scan3A_196 : i32
    }
    %scan3A_27 = arith.constant 5 : i32
    %barrier3A_28 = arith.constant 0 : index
    tpu.barrier barrier_id(%barrier3A_28)
    %mul3A_29 = arith.constant 625 : i32
    %mul3A_30 = arith.muli %arg1, %mul3A_29 : i32
    "tpu.region"() ({
      %run_scoped3A_36 = tpu.sem_alloc : memref<!tpu.dma_semaphore, #tpu.memory_space<semaphore_mem>>
      %dma_start3A = arith.constant 0 : i32
      %dma_start3A_37 = tpu.memref_slice %arg8[%mul3A_30, %dma_start3A] : memref<10240x8xf32, #tpu.memory_space<vmem_shared>> -> memref<625x8xf32, #tpu.memory_space<vmem_shared>>
      %dma_start3A_38 = arith.constant 0 : i32
      %dma_start3A_39 = tpu.memref_slice %arg8[%mul3A_30, %dma_start3A_38] : memref<10240x8xf32, #tpu.memory_space<vmem_shared>> -> memref<625x8xf32, #tpu.memory_space<vmem_shared>>
      tpu.enqueue_dma source(%dma_start3A_39 : memref<625x8xf32, #tpu.memory_space<vmem_shared>>) target(%arg7 : memref<625x8xf32, #tpu.memory_space<vmem>>) target_semaphore(%run_scoped3A_36 : memref<!tpu.dma_semaphore, #tpu.memory_space<semaphore_mem>>)
      %dma_wait3A = arith.constant 0 : i32
      %dma_wait3A_40 = tpu.memref_slice %arg8[%mul3A_30, %dma_wait3A] : memref<10240x8xf32, #tpu.memory_space<vmem_shared>> -> memref<625x8xf32, #tpu.memory_space<vmem_shared>>
      %dma_wait3A_41 = arith.constant 0 : i32
      %dma_wait3A_42 = tpu.memref_slice %arg8[%mul3A_30, %dma_wait3A_41] : memref<10240x8xf32, #tpu.memory_space<vmem_shared>> -> memref<625x8xf32, #tpu.memory_space<vmem_shared>>
      tpu.wait_dma2 semaphore(%run_scoped3A_36 : memref<!tpu.dma_semaphore, #tpu.memory_space<semaphore_mem>>) src(%dma_wait3A_42 : memref<625x8xf32, #tpu.memory_space<vmem_shared>>) dst(%arg7 : memref<625x8xf32, #tpu.memory_space<vmem>>)
      tpu.yield
    }) : () -> ()
    %mul3A_31 = arith.constant 10000 : i32
    %mul3A_32 = arith.muli %arg0, %mul3A_31 : i32
    %mul3A_33 = arith.constant 625 : i32
    %mul3A_34 = arith.muli %arg1, %mul3A_33 : i32
    %add3A_35 = arith.addi %mul3A_32, %mul3A_34 : i32
    "tpu.region"() ({
      %run_scoped3A_36 = tpu.sem_alloc : memref<!tpu.dma_semaphore, #tpu.memory_space<semaphore_mem>>
      %dma_start3A = arith.constant 0 : i32
      %dma_start3A_37 = tpu.memref_slice %arg4[%add3A_35, %dma_start3A] : memref<20000x8xf32, #tpu.memory_space<hbm>> -> memref<625x8xf32, #tpu.memory_space<hbm>>
      %dma_start3A_38 = arith.constant 0 : i32
      %dma_start3A_39 = tpu.memref_slice %arg4[%add3A_35, %dma_start3A_38] : memref<20000x8xf32, #tpu.memory_space<hbm>> -> memref<625x8xf32, #tpu.memory_space<hbm>>
      tpu.enqueue_dma source(%arg7 : memref<625x8xf32, #tpu.memory_space<vmem>>) target(%dma_start3A_39 : memref<625x8xf32, #tpu.memory_space<hbm>>) target_semaphore(%run_scoped3A_36 : memref<!tpu.dma_semaphore, #tpu.memory_space<semaphore_mem>>)
      %dma_wait3A = arith.constant 0 : i32
      %dma_wait3A_40 = tpu.memref_slice %arg4[%add3A_35, %dma_wait3A] : memref<20000x8xf32, #tpu.memory_space<hbm>> -> memref<625x8xf32, #tpu.memory_space<hbm>>
      %dma_wait3A_41 = arith.constant 0 : i32
      %dma_wait3A_42 = tpu.memref_slice %arg4[%add3A_35, %dma_wait3A_41] : memref<20000x8xf32, #tpu.memory_space<hbm>> -> memref<625x8xf32, #tpu.memory_space<hbm>>
      tpu.wait_dma2 semaphore(%run_scoped3A_36 : memref<!tpu.dma_semaphore, #tpu.memory_space<semaphore_mem>>) src(%arg7 : memref<625x8xf32, #tpu.memory_space<vmem>>) dst(%dma_wait3A_42 : memref<625x8xf32, #tpu.memory_space<hbm>>)
      tpu.yield
    }) : () -> ()
    return
  }
}

#map = affine_map<(d0, d1) -> (0, 0, 0)>
#map1 = affine_map<(d0, d1) -> (0, 0)>
module attributes {stable_mosaic.version = 14 : i64} {
  func.func @agg_kernel(%arg0: i32, %arg1: i32, %arg2: memref<32x40x128xi32, #tpu.memory_space<hbm>>, %arg3: memref<32x40x128xi32, #tpu.memory_space<hbm>>, %arg4: memref<10000x32xf32, #tpu.memory_space<hbm>>, %arg5: memref<20000x32xf32, #tpu.memory_space<hbm>>, %arg6: memref<40x128xi32, #tpu.memory_space<vmem>>, %arg7: memref<40x128xi32, #tpu.memory_space<vmem>>, %arg8: memref<8x128x32xf32, #tpu.memory_space<vmem>>, %arg9: memref<625x32xf32, #tpu.memory_space<vmem>>, %arg10: memref<10240x32xf32, #tpu.memory_space<vmem_shared>>, %arg11: memref<10000x32xf32, #tpu.memory_space<vmem_shared>>, %arg12: memref<!tpu.dma_semaphore, #tpu.memory_space<semaphore_mem>>, %arg13: memref<!tpu.dma_semaphore, #tpu.memory_space<semaphore_mem>>, %arg14: memref<!tpu.dma_semaphore, #tpu.memory_space<semaphore_mem>>, %arg15: memref<!tpu.dma_semaphore, #tpu.memory_space<semaphore_mem>>, %arg16: memref<!tpu.dma_semaphore, #tpu.memory_space<semaphore_mem>>, %arg17: memref<!tpu.dma_semaphore, #tpu.memory_space<semaphore_mem>>, %arg18: memref<!tpu.dma_semaphore, #tpu.memory_space<semaphore_mem>>, %arg19: memref<!tpu.dma_semaphore, #tpu.memory_space<semaphore_mem>>) attributes {dimension_semantics = [#tpu.dimension_semantics<core_parallel>, #tpu.dimension_semantics<subcore_parallel>], iteration_bounds = array<i64: 2, 16>, scalar_prefetch = 0 : i64, scratch_operands = 14 : i64, tpu.core_type = #tpu.core_type<sc_vector_subcore>, window_params = [{transform_indices = #map}, {transform_indices = #map}, {transform_indices = #map1}, {transform_indices = #map1}]} {
    %mul3A = arith.constant 2 : i32
    %mul3A_0 = arith.muli %arg1, %mul3A : i32
    %add3A = arith.addi %mul3A_0, %arg0 : i32
    %mul3A_1 = arith.constant 625 : i32
    %mul3A_2 = arith.muli %arg1, %mul3A_1 : i32
    "tpu.region"() ({
      %run_scoped3A = tpu.sem_alloc : memref<!tpu.dma_semaphore, #tpu.memory_space<semaphore_mem>>
      %dma_start3A_140 = arith.constant 0 : i32
      %dma_start3A_141 = tpu.memref_slice %arg4[%mul3A_2, %dma_start3A_140] : memref<10000x32xf32, #tpu.memory_space<hbm>> -> memref<625x32xf32, #tpu.memory_space<hbm>>
      %dma_start3A_142 = arith.constant 0 : i32
      %dma_start3A_143 = tpu.memref_slice %arg4[%mul3A_2, %dma_start3A_142] : memref<10000x32xf32, #tpu.memory_space<hbm>> -> memref<625x32xf32, #tpu.memory_space<hbm>>
      tpu.enqueue_dma source(%dma_start3A_143 : memref<625x32xf32, #tpu.memory_space<hbm>>) target(%arg9 : memref<625x32xf32, #tpu.memory_space<vmem>>) target_semaphore(%run_scoped3A : memref<!tpu.dma_semaphore, #tpu.memory_space<semaphore_mem>>)
      %dma_wait3A = arith.constant 0 : i32
      %dma_wait3A_144 = tpu.memref_slice %arg4[%mul3A_2, %dma_wait3A] : memref<10000x32xf32, #tpu.memory_space<hbm>> -> memref<625x32xf32, #tpu.memory_space<hbm>>
      %dma_wait3A_145 = arith.constant 0 : i32
      %dma_wait3A_146 = tpu.memref_slice %arg4[%mul3A_2, %dma_wait3A_145] : memref<10000x32xf32, #tpu.memory_space<hbm>> -> memref<625x32xf32, #tpu.memory_space<hbm>>
      tpu.wait_dma2 semaphore(%run_scoped3A : memref<!tpu.dma_semaphore, #tpu.memory_space<semaphore_mem>>) src(%dma_wait3A_146 : memref<625x32xf32, #tpu.memory_space<hbm>>) dst(%arg9 : memref<625x32xf32, #tpu.memory_space<vmem>>)
      tpu.yield
    }) : () -> ()
    "tpu.region"() ({
      %run_scoped3A = tpu.sem_alloc : memref<!tpu.dma_semaphore, #tpu.memory_space<semaphore_mem>>
      %dma_start3A_140 = arith.constant 0 : i32
      %dma_start3A_141 = tpu.memref_slice %arg11[%mul3A_2, %dma_start3A_140] : memref<10000x32xf32, #tpu.memory_space<vmem_shared>> -> memref<625x32xf32, #tpu.memory_space<vmem_shared>>
      %dma_start3A_142 = arith.constant 0 : i32
      %dma_start3A_143 = tpu.memref_slice %arg11[%mul3A_2, %dma_start3A_142] : memref<10000x32xf32, #tpu.memory_space<vmem_shared>> -> memref<625x32xf32, #tpu.memory_space<vmem_shared>>
      tpu.enqueue_dma source(%arg9 : memref<625x32xf32, #tpu.memory_space<vmem>>) target(%dma_start3A_143 : memref<625x32xf32, #tpu.memory_space<vmem_shared>>) target_semaphore(%run_scoped3A : memref<!tpu.dma_semaphore, #tpu.memory_space<semaphore_mem>>)
      %dma_wait3A = arith.constant 0 : i32
      %dma_wait3A_144 = tpu.memref_slice %arg11[%mul3A_2, %dma_wait3A] : memref<10000x32xf32, #tpu.memory_space<vmem_shared>> -> memref<625x32xf32, #tpu.memory_space<vmem_shared>>
      %dma_wait3A_145 = arith.constant 0 : i32
      %dma_wait3A_146 = tpu.memref_slice %arg11[%mul3A_2, %dma_wait3A_145] : memref<10000x32xf32, #tpu.memory_space<vmem_shared>> -> memref<625x32xf32, #tpu.memory_space<vmem_shared>>
      tpu.wait_dma2 semaphore(%run_scoped3A : memref<!tpu.dma_semaphore, #tpu.memory_space<semaphore_mem>>) src(%arg9 : memref<625x32xf32, #tpu.memory_space<vmem>>) dst(%dma_wait3A_146 : memref<625x32xf32, #tpu.memory_space<vmem_shared>>)
      tpu.yield
    }) : () -> ()
    %broadcast_in_dim3A = arith.constant 0.000000e+00 : f32
    %broadcast_in_dim3A_3 = vector.broadcast %broadcast_in_dim3A : f32 to vector<16xf32>
    %scan3A = arith.constant 0 : i32
    %scan3A_4 = arith.constant 0 : i32
    %scan3A_5 = arith.constant 128 : i32
    %scan3A_6 = arith.addi %scan3A_4, %scan3A_5 : i32
    %scan3A_7 = arith.constant 1 : i32
    %scan3A_8 = scf.for %scan3A_140 = %scan3A_4 to %scan3A_6 step %scan3A_7 iter_args(%scan3A_141 = %scan3A) -> (i32)  : i32 {
      %swap3A = arith.index_cast %scan3A_140 : i32 to index
      %swap3A_142 = arith.constant 0 : index
      %swap3A_143 = tpu.vector_load %arg9[%swap3A, %swap3A_142] {strides = array<i32>} : memref<625x32xf32, #tpu.memory_space<vmem>>, vector<1x16xf32>,
      %swap3A_144 = vector.shape_cast %swap3A_143 : vector<1x16xf32> to vector<16xf32>
      %swap3A_145 = vector.shape_cast %broadcast_in_dim3A_3 : vector<16xf32> to vector<1x16xf32>
      tpu.vector_store %arg9[%swap3A, %swap3A_142], %swap3A_145 {strides = array<i32>} : memref<625x32xf32, #tpu.memory_space<vmem>>, vector<1x16xf32>,
      %swap3A_146 = arith.index_cast %scan3A_140 : i32 to index
      %swap3A_147 = arith.constant 16 : index
      %swap3A_148 = tpu.vector_load %arg9[%swap3A_146, %swap3A_147] {strides = array<i32>} : memref<625x32xf32, #tpu.memory_space<vmem>>, vector<1x16xf32>,
      %swap3A_149 = vector.shape_cast %swap3A_148 : vector<1x16xf32> to vector<16xf32>
      %swap3A_150 = vector.shape_cast %broadcast_in_dim3A_3 : vector<16xf32> to vector<1x16xf32>
      tpu.vector_store %arg9[%swap3A_146, %swap3A_147], %swap3A_150 {strides = array<i32>} : memref<625x32xf32, #tpu.memory_space<vmem>>, vector<1x16xf32>,
      %scan3A_151 = arith.constant 0 : i32
      scf.yield %scan3A_151 : i32
    }
    %scan3A_9 = arith.constant 128 : i32
    %mul3A_10 = arith.constant 640 : i32
    %mul3A_11 = arith.muli %arg1, %mul3A_10 : i32
    %add3A_12 = arith.constant 0 : i32
    %add3A_13 = arith.addi %mul3A_11, %add3A_12 : i32
    "tpu.region"() ({
      %run_scoped3A = tpu.sem_alloc : memref<!tpu.dma_semaphore, #tpu.memory_space<semaphore_mem>>
      %dma_start3A_140 = arith.constant 0 : i32
      %dma_start3A_141 = arith.constant 0 : i32
      %dma_start3A_142 = tpu.memref_slice %arg9[%dma_start3A_140, %dma_start3A_141] : memref<625x32xf32, #tpu.memory_space<vmem>> -> memref<128x32xf32, #tpu.memory_space<vmem>>
      %dma_start3A_143 = arith.constant 0 : i32
      %dma_start3A_144 = tpu.memref_slice %arg10[%add3A_13, %dma_start3A_143] : memref<10240x32xf32, #tpu.memory_space<vmem_shared>> -> memref<128x32xf32, #tpu.memory_space<vmem_shared>>
      %dma_start3A_145 = arith.constant 0 : i32
      %dma_start3A_146 = tpu.memref_slice %arg10[%add3A_13, %dma_start3A_145] : memref<10240x32xf32, #tpu.memory_space<vmem_shared>> -> memref<128x32xf32, #tpu.memory_space<vmem_shared>>
      %dma_start3A_147 = arith.constant 0 : i32
      %dma_start3A_148 = arith.constant 0 : i32
      %dma_start3A_149 = tpu.memref_slice %arg9[%dma_start3A_147, %dma_start3A_148] : memref<625x32xf32, #tpu.memory_space<vmem>> -> memref<128x32xf32, #tpu.memory_space<vmem>>
      tpu.enqueue_dma source(%dma_start3A_149 : memref<128x32xf32, #tpu.memory_space<vmem>>) target(%dma_start3A_146 : memref<128x32xf32, #tpu.memory_space<vmem_shared>>) target_semaphore(%run_scoped3A : memref<!tpu.dma_semaphore, #tpu.memory_space<semaphore_mem>>)
      %dma_wait3A = arith.constant 0 : i32
      %dma_wait3A_150 = arith.constant 0 : i32
      %dma_wait3A_151 = tpu.memref_slice %arg9[%dma_wait3A, %dma_wait3A_150] : memref<625x32xf32, #tpu.memory_space<vmem>> -> memref<128x32xf32, #tpu.memory_space<vmem>>
      %dma_wait3A_152 = arith.constant 0 : i32
      %dma_wait3A_153 = tpu.memref_slice %arg10[%add3A_13, %dma_wait3A_152] : memref<10240x32xf32, #tpu.memory_space<vmem_shared>> -> memref<128x32xf32, #tpu.memory_space<vmem_shared>>
      %dma_wait3A_154 = arith.constant 0 : i32
      %dma_wait3A_155 = tpu.memref_slice %arg10[%add3A_13, %dma_wait3A_154] : memref<10240x32xf32, #tpu.memory_space<vmem_shared>> -> memref<128x32xf32, #tpu.memory_space<vmem_shared>>
      %dma_wait3A_156 = arith.constant 0 : i32
      %dma_wait3A_157 = arith.constant 0 : i32
      %dma_wait3A_158 = tpu.memref_slice %arg9[%dma_wait3A_156, %dma_wait3A_157] : memref<625x32xf32, #tpu.memory_space<vmem>> -> memref<128x32xf32, #tpu.memory_space<vmem>>
      tpu.wait_dma2 semaphore(%run_scoped3A : memref<!tpu.dma_semaphore, #tpu.memory_space<semaphore_mem>>) src(%dma_wait3A_158 : memref<128x32xf32, #tpu.memory_space<vmem>>) dst(%dma_wait3A_155 : memref<128x32xf32, #tpu.memory_space<vmem_shared>>)
      tpu.yield
    }) : () -> ()
    %mul3A_14 = arith.constant 640 : i32
    %mul3A_15 = arith.muli %arg1, %mul3A_14 : i32
    %add3A_16 = arith.constant 128 : i32
    %add3A_17 = arith.addi %mul3A_15, %add3A_16 : i32
    "tpu.region"() ({
      %run_scoped3A = tpu.sem_alloc : memref<!tpu.dma_semaphore, #tpu.memory_space<semaphore_mem>>
      %dma_start3A_140 = arith.constant 0 : i32
      %dma_start3A_141 = arith.constant 0 : i32
      %dma_start3A_142 = tpu.memref_slice %arg9[%dma_start3A_140, %dma_start3A_141] : memref<625x32xf32, #tpu.memory_space<vmem>> -> memref<128x32xf32, #tpu.memory_space<vmem>>
      %dma_start3A_143 = arith.constant 0 : i32
      %dma_start3A_144 = tpu.memref_slice %arg10[%add3A_17, %dma_start3A_143] : memref<10240x32xf32, #tpu.memory_space<vmem_shared>> -> memref<128x32xf32, #tpu.memory_space<vmem_shared>>
      %dma_start3A_145 = arith.constant 0 : i32
      %dma_start3A_146 = tpu.memref_slice %arg10[%add3A_17, %dma_start3A_145] : memref<10240x32xf32, #tpu.memory_space<vmem_shared>> -> memref<128x32xf32, #tpu.memory_space<vmem_shared>>
      %dma_start3A_147 = arith.constant 0 : i32
      %dma_start3A_148 = arith.constant 0 : i32
      %dma_start3A_149 = tpu.memref_slice %arg9[%dma_start3A_147, %dma_start3A_148] : memref<625x32xf32, #tpu.memory_space<vmem>> -> memref<128x32xf32, #tpu.memory_space<vmem>>
      tpu.enqueue_dma source(%dma_start3A_149 : memref<128x32xf32, #tpu.memory_space<vmem>>) target(%dma_start3A_146 : memref<128x32xf32, #tpu.memory_space<vmem_shared>>) target_semaphore(%run_scoped3A : memref<!tpu.dma_semaphore, #tpu.memory_space<semaphore_mem>>)
      %dma_wait3A = arith.constant 0 : i32
      %dma_wait3A_150 = arith.constant 0 : i32
      %dma_wait3A_151 = tpu.memref_slice %arg9[%dma_wait3A, %dma_wait3A_150] : memref<625x32xf32, #tpu.memory_space<vmem>> -> memref<128x32xf32, #tpu.memory_space<vmem>>
      %dma_wait3A_152 = arith.constant 0 : i32
      %dma_wait3A_153 = tpu.memref_slice %arg10[%add3A_17, %dma_wait3A_152] : memref<10240x32xf32, #tpu.memory_space<vmem_shared>> -> memref<128x32xf32, #tpu.memory_space<vmem_shared>>
      %dma_wait3A_154 = arith.constant 0 : i32
      %dma_wait3A_155 = tpu.memref_slice %arg10[%add3A_17, %dma_wait3A_154] : memref<10240x32xf32, #tpu.memory_space<vmem_shared>> -> memref<128x32xf32, #tpu.memory_space<vmem_shared>>
      %dma_wait3A_156 = arith.constant 0 : i32
      %dma_wait3A_157 = arith.constant 0 : i32
      %dma_wait3A_158 = tpu.memref_slice %arg9[%dma_wait3A_156, %dma_wait3A_157] : memref<625x32xf32, #tpu.memory_space<vmem>> -> memref<128x32xf32, #tpu.memory_space<vmem>>
      tpu.wait_dma2 semaphore(%run_scoped3A : memref<!tpu.dma_semaphore, #tpu.memory_space<semaphore_mem>>) src(%dma_wait3A_158 : memref<128x32xf32, #tpu.memory_space<vmem>>) dst(%dma_wait3A_155 : memref<128x32xf32, #tpu.memory_space<vmem_shared>>)
      tpu.yield
    }) : () -> ()
    %mul3A_18 = arith.constant 640 : i32
    %mul3A_19 = arith.muli %arg1, %mul3A_18 : i32
    %add3A_20 = arith.constant 256 : i32
    %add3A_21 = arith.addi %mul3A_19, %add3A_20 : i32
    "tpu.region"() ({
      %run_scoped3A = tpu.sem_alloc : memref<!tpu.dma_semaphore, #tpu.memory_space<semaphore_mem>>
      %dma_start3A_140 = arith.constant 0 : i32
      %dma_start3A_141 = arith.constant 0 : i32
      %dma_start3A_142 = tpu.memref_slice %arg9[%dma_start3A_140, %dma_start3A_141] : memref<625x32xf32, #tpu.memory_space<vmem>> -> memref<128x32xf32, #tpu.memory_space<vmem>>
      %dma_start3A_143 = arith.constant 0 : i32
      %dma_start3A_144 = tpu.memref_slice %arg10[%add3A_21, %dma_start3A_143] : memref<10240x32xf32, #tpu.memory_space<vmem_shared>> -> memref<128x32xf32, #tpu.memory_space<vmem_shared>>
      %dma_start3A_145 = arith.constant 0 : i32
      %dma_start3A_146 = tpu.memref_slice %arg10[%add3A_21, %dma_start3A_145] : memref<10240x32xf32, #tpu.memory_space<vmem_shared>> -> memref<128x32xf32, #tpu.memory_space<vmem_shared>>
      %dma_start3A_147 = arith.constant 0 : i32
      %dma_start3A_148 = arith.constant 0 : i32
      %dma_start3A_149 = tpu.memref_slice %arg9[%dma_start3A_147, %dma_start3A_148] : memref<625x32xf32, #tpu.memory_space<vmem>> -> memref<128x32xf32, #tpu.memory_space<vmem>>
      tpu.enqueue_dma source(%dma_start3A_149 : memref<128x32xf32, #tpu.memory_space<vmem>>) target(%dma_start3A_146 : memref<128x32xf32, #tpu.memory_space<vmem_shared>>) target_semaphore(%run_scoped3A : memref<!tpu.dma_semaphore, #tpu.memory_space<semaphore_mem>>)
      %dma_wait3A = arith.constant 0 : i32
      %dma_wait3A_150 = arith.constant 0 : i32
      %dma_wait3A_151 = tpu.memref_slice %arg9[%dma_wait3A, %dma_wait3A_150] : memref<625x32xf32, #tpu.memory_space<vmem>> -> memref<128x32xf32, #tpu.memory_space<vmem>>
      %dma_wait3A_152 = arith.constant 0 : i32
      %dma_wait3A_153 = tpu.memref_slice %arg10[%add3A_21, %dma_wait3A_152] : memref<10240x32xf32, #tpu.memory_space<vmem_shared>> -> memref<128x32xf32, #tpu.memory_space<vmem_shared>>
      %dma_wait3A_154 = arith.constant 0 : i32
      %dma_wait3A_155 = tpu.memref_slice %arg10[%add3A_21, %dma_wait3A_154] : memref<10240x32xf32, #tpu.memory_space<vmem_shared>> -> memref<128x32xf32, #tpu.memory_space<vmem_shared>>
      %dma_wait3A_156 = arith.constant 0 : i32
      %dma_wait3A_157 = arith.constant 0 : i32
      %dma_wait3A_158 = tpu.memref_slice %arg9[%dma_wait3A_156, %dma_wait3A_157] : memref<625x32xf32, #tpu.memory_space<vmem>> -> memref<128x32xf32, #tpu.memory_space<vmem>>
      tpu.wait_dma2 semaphore(%run_scoped3A : memref<!tpu.dma_semaphore, #tpu.memory_space<semaphore_mem>>) src(%dma_wait3A_158 : memref<128x32xf32, #tpu.memory_space<vmem>>) dst(%dma_wait3A_155 : memref<128x32xf32, #tpu.memory_space<vmem_shared>>)
      tpu.yield
    }) : () -> ()
    %mul3A_22 = arith.constant 640 : i32
    %mul3A_23 = arith.muli %arg1, %mul3A_22 : i32
    %add3A_24 = arith.constant 384 : i32
    %add3A_25 = arith.addi %mul3A_23, %add3A_24 : i32
    "tpu.region"() ({
      %run_scoped3A = tpu.sem_alloc : memref<!tpu.dma_semaphore, #tpu.memory_space<semaphore_mem>>
      %dma_start3A_140 = arith.constant 0 : i32
      %dma_start3A_141 = arith.constant 0 : i32
      %dma_start3A_142 = tpu.memref_slice %arg9[%dma_start3A_140, %dma_start3A_141] : memref<625x32xf32, #tpu.memory_space<vmem>> -> memref<128x32xf32, #tpu.memory_space<vmem>>
      %dma_start3A_143 = arith.constant 0 : i32
      %dma_start3A_144 = tpu.memref_slice %arg10[%add3A_25, %dma_start3A_143] : memref<10240x32xf32, #tpu.memory_space<vmem_shared>> -> memref<128x32xf32, #tpu.memory_space<vmem_shared>>
      %dma_start3A_145 = arith.constant 0 : i32
      %dma_start3A_146 = tpu.memref_slice %arg10[%add3A_25, %dma_start3A_145] : memref<10240x32xf32, #tpu.memory_space<vmem_shared>> -> memref<128x32xf32, #tpu.memory_space<vmem_shared>>
      %dma_start3A_147 = arith.constant 0 : i32
      %dma_start3A_148 = arith.constant 0 : i32
      %dma_start3A_149 = tpu.memref_slice %arg9[%dma_start3A_147, %dma_start3A_148] : memref<625x32xf32, #tpu.memory_space<vmem>> -> memref<128x32xf32, #tpu.memory_space<vmem>>
      tpu.enqueue_dma source(%dma_start3A_149 : memref<128x32xf32, #tpu.memory_space<vmem>>) target(%dma_start3A_146 : memref<128x32xf32, #tpu.memory_space<vmem_shared>>) target_semaphore(%run_scoped3A : memref<!tpu.dma_semaphore, #tpu.memory_space<semaphore_mem>>)
      %dma_wait3A = arith.constant 0 : i32
      %dma_wait3A_150 = arith.constant 0 : i32
      %dma_wait3A_151 = tpu.memref_slice %arg9[%dma_wait3A, %dma_wait3A_150] : memref<625x32xf32, #tpu.memory_space<vmem>> -> memref<128x32xf32, #tpu.memory_space<vmem>>
      %dma_wait3A_152 = arith.constant 0 : i32
      %dma_wait3A_153 = tpu.memref_slice %arg10[%add3A_25, %dma_wait3A_152] : memref<10240x32xf32, #tpu.memory_space<vmem_shared>> -> memref<128x32xf32, #tpu.memory_space<vmem_shared>>
      %dma_wait3A_154 = arith.constant 0 : i32
      %dma_wait3A_155 = tpu.memref_slice %arg10[%add3A_25, %dma_wait3A_154] : memref<10240x32xf32, #tpu.memory_space<vmem_shared>> -> memref<128x32xf32, #tpu.memory_space<vmem_shared>>
      %dma_wait3A_156 = arith.constant 0 : i32
      %dma_wait3A_157 = arith.constant 0 : i32
      %dma_wait3A_158 = tpu.memref_slice %arg9[%dma_wait3A_156, %dma_wait3A_157] : memref<625x32xf32, #tpu.memory_space<vmem>> -> memref<128x32xf32, #tpu.memory_space<vmem>>
      tpu.wait_dma2 semaphore(%run_scoped3A : memref<!tpu.dma_semaphore, #tpu.memory_space<semaphore_mem>>) src(%dma_wait3A_158 : memref<128x32xf32, #tpu.memory_space<vmem>>) dst(%dma_wait3A_155 : memref<128x32xf32, #tpu.memory_space<vmem_shared>>)
      tpu.yield
    }) : () -> ()
    %mul3A_26 = arith.constant 640 : i32
    %mul3A_27 = arith.muli %arg1, %mul3A_26 : i32
    %add3A_28 = arith.constant 512 : i32
    %add3A_29 = arith.addi %mul3A_27, %add3A_28 : i32
    "tpu.region"() ({
      %run_scoped3A = tpu.sem_alloc : memref<!tpu.dma_semaphore, #tpu.memory_space<semaphore_mem>>
      %dma_start3A_140 = arith.constant 0 : i32
      %dma_start3A_141 = arith.constant 0 : i32
      %dma_start3A_142 = tpu.memref_slice %arg9[%dma_start3A_140, %dma_start3A_141] : memref<625x32xf32, #tpu.memory_space<vmem>> -> memref<128x32xf32, #tpu.memory_space<vmem>>
      %dma_start3A_143 = arith.constant 0 : i32
      %dma_start3A_144 = tpu.memref_slice %arg10[%add3A_29, %dma_start3A_143] : memref<10240x32xf32, #tpu.memory_space<vmem_shared>> -> memref<128x32xf32, #tpu.memory_space<vmem_shared>>
      %dma_start3A_145 = arith.constant 0 : i32
      %dma_start3A_146 = tpu.memref_slice %arg10[%add3A_29, %dma_start3A_145] : memref<10240x32xf32, #tpu.memory_space<vmem_shared>> -> memref<128x32xf32, #tpu.memory_space<vmem_shared>>
      %dma_start3A_147 = arith.constant 0 : i32
      %dma_start3A_148 = arith.constant 0 : i32
      %dma_start3A_149 = tpu.memref_slice %arg9[%dma_start3A_147, %dma_start3A_148] : memref<625x32xf32, #tpu.memory_space<vmem>> -> memref<128x32xf32, #tpu.memory_space<vmem>>
      tpu.enqueue_dma source(%dma_start3A_149 : memref<128x32xf32, #tpu.memory_space<vmem>>) target(%dma_start3A_146 : memref<128x32xf32, #tpu.memory_space<vmem_shared>>) target_semaphore(%run_scoped3A : memref<!tpu.dma_semaphore, #tpu.memory_space<semaphore_mem>>)
      %dma_wait3A = arith.constant 0 : i32
      %dma_wait3A_150 = arith.constant 0 : i32
      %dma_wait3A_151 = tpu.memref_slice %arg9[%dma_wait3A, %dma_wait3A_150] : memref<625x32xf32, #tpu.memory_space<vmem>> -> memref<128x32xf32, #tpu.memory_space<vmem>>
      %dma_wait3A_152 = arith.constant 0 : i32
      %dma_wait3A_153 = tpu.memref_slice %arg10[%add3A_29, %dma_wait3A_152] : memref<10240x32xf32, #tpu.memory_space<vmem_shared>> -> memref<128x32xf32, #tpu.memory_space<vmem_shared>>
      %dma_wait3A_154 = arith.constant 0 : i32
      %dma_wait3A_155 = tpu.memref_slice %arg10[%add3A_29, %dma_wait3A_154] : memref<10240x32xf32, #tpu.memory_space<vmem_shared>> -> memref<128x32xf32, #tpu.memory_space<vmem_shared>>
      %dma_wait3A_156 = arith.constant 0 : i32
      %dma_wait3A_157 = arith.constant 0 : i32
      %dma_wait3A_158 = tpu.memref_slice %arg9[%dma_wait3A_156, %dma_wait3A_157] : memref<625x32xf32, #tpu.memory_space<vmem>> -> memref<128x32xf32, #tpu.memory_space<vmem>>
      tpu.wait_dma2 semaphore(%run_scoped3A : memref<!tpu.dma_semaphore, #tpu.memory_space<semaphore_mem>>) src(%dma_wait3A_158 : memref<128x32xf32, #tpu.memory_space<vmem>>) dst(%dma_wait3A_155 : memref<128x32xf32, #tpu.memory_space<vmem_shared>>)
      tpu.yield
    }) : () -> ()
    "tpu.region"() ({
      %run_scoped3A = tpu.sem_alloc : memref<!tpu.dma_semaphore, #tpu.memory_space<semaphore_mem>>
      %dma_start3A_140 = arith.constant 0 : i32
      %dma_start3A_141 = arith.constant 0 : i32
      %dma_start3A_142 = tpu.memref_slice %arg2[%add3A, %dma_start3A_140, %dma_start3A_141] : memref<32x40x128xi32, #tpu.memory_space<hbm>> -> memref<1x40x128xi32, #tpu.memory_space<hbm>>
      %dma_start3A_143 = tpu.memref_squeeze %dma_start3A_142 : memref<1x40x128xi32, #tpu.memory_space<hbm>> -> memref<40x128xi32, #tpu.memory_space<hbm>>
      %dma_start3A_144 = arith.constant 0 : i32
      %dma_start3A_145 = arith.constant 0 : i32
      %dma_start3A_146 = tpu.memref_slice %arg2[%add3A, %dma_start3A_144, %dma_start3A_145] : memref<32x40x128xi32, #tpu.memory_space<hbm>> -> memref<1x40x128xi32, #tpu.memory_space<hbm>>
      %dma_start3A_147 = tpu.memref_squeeze %dma_start3A_146 : memref<1x40x128xi32, #tpu.memory_space<hbm>> -> memref<40x128xi32, #tpu.memory_space<hbm>>
      tpu.enqueue_dma source(%dma_start3A_147 : memref<40x128xi32, #tpu.memory_space<hbm>>) target(%arg6 : memref<40x128xi32, #tpu.memory_space<vmem>>) target_semaphore(%run_scoped3A : memref<!tpu.dma_semaphore, #tpu.memory_space<semaphore_mem>>)
      %dma_wait3A = arith.constant 0 : i32
      %dma_wait3A_148 = arith.constant 0 : i32
      %dma_wait3A_149 = tpu.memref_slice %arg2[%add3A, %dma_wait3A, %dma_wait3A_148] : memref<32x40x128xi32, #tpu.memory_space<hbm>> -> memref<1x40x128xi32, #tpu.memory_space<hbm>>
      %dma_wait3A_150 = tpu.memref_squeeze %dma_wait3A_149 : memref<1x40x128xi32, #tpu.memory_space<hbm>> -> memref<40x128xi32, #tpu.memory_space<hbm>>
      %dma_wait3A_151 = arith.constant 0 : i32
      %dma_wait3A_152 = arith.constant 0 : i32
      %dma_wait3A_153 = tpu.memref_slice %arg2[%add3A, %dma_wait3A_151, %dma_wait3A_152] : memref<32x40x128xi32, #tpu.memory_space<hbm>> -> memref<1x40x128xi32, #tpu.memory_space<hbm>>
      %dma_wait3A_154 = tpu.memref_squeeze %dma_wait3A_153 : memref<1x40x128xi32, #tpu.memory_space<hbm>> -> memref<40x128xi32, #tpu.memory_space<hbm>>
      tpu.wait_dma2 semaphore(%run_scoped3A : memref<!tpu.dma_semaphore, #tpu.memory_space<semaphore_mem>>) src(%dma_wait3A_154 : memref<40x128xi32, #tpu.memory_space<hbm>>) dst(%arg6 : memref<40x128xi32, #tpu.memory_space<vmem>>)
      tpu.yield
    }) : () -> ()
    "tpu.region"() ({
      %run_scoped3A = tpu.sem_alloc : memref<!tpu.dma_semaphore, #tpu.memory_space<semaphore_mem>>
      %dma_start3A_140 = arith.constant 0 : i32
      %dma_start3A_141 = arith.constant 0 : i32
      %dma_start3A_142 = tpu.memref_slice %arg3[%add3A, %dma_start3A_140, %dma_start3A_141] : memref<32x40x128xi32, #tpu.memory_space<hbm>> -> memref<1x40x128xi32, #tpu.memory_space<hbm>>
      %dma_start3A_143 = tpu.memref_squeeze %dma_start3A_142 : memref<1x40x128xi32, #tpu.memory_space<hbm>> -> memref<40x128xi32, #tpu.memory_space<hbm>>
      %dma_start3A_144 = arith.constant 0 : i32
      %dma_start3A_145 = arith.constant 0 : i32
      %dma_start3A_146 = tpu.memref_slice %arg3[%add3A, %dma_start3A_144, %dma_start3A_145] : memref<32x40x128xi32, #tpu.memory_space<hbm>> -> memref<1x40x128xi32, #tpu.memory_space<hbm>>
      %dma_start3A_147 = tpu.memref_squeeze %dma_start3A_146 : memref<1x40x128xi32, #tpu.memory_space<hbm>> -> memref<40x128xi32, #tpu.memory_space<hbm>>
      tpu.enqueue_dma source(%dma_start3A_147 : memref<40x128xi32, #tpu.memory_space<hbm>>) target(%arg7 : memref<40x128xi32, #tpu.memory_space<vmem>>) target_semaphore(%run_scoped3A : memref<!tpu.dma_semaphore, #tpu.memory_space<semaphore_mem>>)
      %dma_wait3A = arith.constant 0 : i32
      %dma_wait3A_148 = arith.constant 0 : i32
      %dma_wait3A_149 = tpu.memref_slice %arg3[%add3A, %dma_wait3A, %dma_wait3A_148] : memref<32x40x128xi32, #tpu.memory_space<hbm>> -> memref<1x40x128xi32, #tpu.memory_space<hbm>>
      %dma_wait3A_150 = tpu.memref_squeeze %dma_wait3A_149 : memref<1x40x128xi32, #tpu.memory_space<hbm>> -> memref<40x128xi32, #tpu.memory_space<hbm>>
      %dma_wait3A_151 = arith.constant 0 : i32
      %dma_wait3A_152 = arith.constant 0 : i32
      %dma_wait3A_153 = tpu.memref_slice %arg3[%add3A, %dma_wait3A_151, %dma_wait3A_152] : memref<32x40x128xi32, #tpu.memory_space<hbm>> -> memref<1x40x128xi32, #tpu.memory_space<hbm>>
      %dma_wait3A_154 = tpu.memref_squeeze %dma_wait3A_153 : memref<1x40x128xi32, #tpu.memory_space<hbm>> -> memref<40x128xi32, #tpu.memory_space<hbm>>
      tpu.wait_dma2 semaphore(%run_scoped3A : memref<!tpu.dma_semaphore, #tpu.memory_space<semaphore_mem>>) src(%dma_wait3A_154 : memref<40x128xi32, #tpu.memory_space<hbm>>) dst(%arg7 : memref<40x128xi32, #tpu.memory_space<vmem>>)
      tpu.yield
    }) : () -> ()
    %barrier3A = arith.constant 0 : index
    tpu.barrier barrier_id(%barrier3A)
    %dma_start3A = arith.constant 0 : i32
    %dma_start3A_30 = arith.constant 0 : i32
    %dma_start3A_31 = arith.constant 0 : i32
    %dma_start3A_32 = arith.constant 0 : i32
    %dma_start3A_33 = tpu.memref_slice %arg8[%dma_start3A_30, %dma_start3A_31, %dma_start3A_32] : memref<8x128x32xf32, #tpu.memory_space<vmem>> -> memref<1x128x32xf32, #tpu.memory_space<vmem>>
    %dma_start3A_34 = tpu.memref_squeeze %dma_start3A_33 : memref<1x128x32xf32, #tpu.memory_space<vmem>> -> memref<128x32xf32, #tpu.memory_space<vmem>>
    %dma_start3A_35 = arith.constant 0 : i32
    %dma_start3A_36 = tpu.memref_slice %arg6[%dma_start3A, %dma_start3A_35] : memref<40x128xi32, #tpu.memory_space<vmem>> -> memref<1x128xi32, #tpu.memory_space<vmem>>
    %dma_start3A_37 = tpu.memref_squeeze %dma_start3A_36 : memref<1x128xi32, #tpu.memory_space<vmem>> -> memref<128xi32, #tpu.memory_space<vmem>>
    %dma_start3A_38 = arith.constant 0 : i32
    %dma_start3A_39 = arith.constant 0 : i32
    %dma_start3A_40 = tpu.memref_slice %arg11[%dma_start3A_38, %dma_start3A_39] : memref<10000x32xf32, #tpu.memory_space<vmem_shared>> -> memref<10000x32xf32, #tpu.memory_space<vmem_shared>>
    tpu.enqueue_indirect_dma source(%dma_start3A_40 : memref<10000x32xf32, #tpu.memory_space<vmem_shared>>) target(%dma_start3A_34 : memref<128x32xf32, #tpu.memory_space<vmem>>) offsets(%dma_start3A_37 : memref<128xi32, #tpu.memory_space<vmem>>) semaphore(%arg12 : memref<!tpu.dma_semaphore, #tpu.memory_space<semaphore_mem>>)
    %dma_start3A_41 = arith.constant 1 : i32
    %dma_start3A_42 = arith.constant 1 : i32
    %dma_start3A_43 = arith.constant 0 : i32
    %dma_start3A_44 = arith.constant 0 : i32
    %dma_start3A_45 = tpu.memref_slice %arg8[%dma_start3A_42, %dma_start3A_43, %dma_start3A_44] : memref<8x128x32xf32, #tpu.memory_space<vmem>> -> memref<1x128x32xf32, #tpu.memory_space<vmem>>
    %dma_start3A_46 = tpu.memref_squeeze %dma_start3A_45 : memref<1x128x32xf32, #tpu.memory_space<vmem>> -> memref<128x32xf32, #tpu.memory_space<vmem>>
    %dma_start3A_47 = arith.constant 0 : i32
    %dma_start3A_48 = tpu.memref_slice %arg6[%dma_start3A_41, %dma_start3A_47] : memref<40x128xi32, #tpu.memory_space<vmem>> -> memref<1x128xi32, #tpu.memory_space<vmem>>
    %dma_start3A_49 = tpu.memref_squeeze %dma_start3A_48 : memref<1x128xi32, #tpu.memory_space<vmem>> -> memref<128xi32, #tpu.memory_space<vmem>>
    %dma_start3A_50 = arith.constant 0 : i32
    %dma_start3A_51 = arith.constant 0 : i32
    %dma_start3A_52 = tpu.memref_slice %arg11[%dma_start3A_50, %dma_start3A_51] : memref<10000x32xf32, #tpu.memory_space<vmem_shared>> -> memref<10000x32xf32, #tpu.memory_space<vmem_shared>>
    tpu.enqueue_indirect_dma source(%dma_start3A_52 : memref<10000x32xf32, #tpu.memory_space<vmem_shared>>) target(%dma_start3A_46 : memref<128x32xf32, #tpu.memory_space<vmem>>) offsets(%dma_start3A_49 : memref<128xi32, #tpu.memory_space<vmem>>) semaphore(%arg13 : memref<!tpu.dma_semaphore, #tpu.memory_space<semaphore_mem>>)
    %dma_start3A_53 = arith.constant 2 : i32
    %dma_start3A_54 = arith.constant 2 : i32
    %dma_start3A_55 = arith.constant 0 : i32
    %dma_start3A_56 = arith.constant 0 : i32
    %dma_start3A_57 = tpu.memref_slice %arg8[%dma_start3A_54, %dma_start3A_55, %dma_start3A_56] : memref<8x128x32xf32, #tpu.memory_space<vmem>> -> memref<1x128x32xf32, #tpu.memory_space<vmem>>
    %dma_start3A_58 = tpu.memref_squeeze %dma_start3A_57 : memref<1x128x32xf32, #tpu.memory_space<vmem>> -> memref<128x32xf32, #tpu.memory_space<vmem>>
    %dma_start3A_59 = arith.constant 0 : i32
    %dma_start3A_60 = tpu.memref_slice %arg6[%dma_start3A_53, %dma_start3A_59] : memref<40x128xi32, #tpu.memory_space<vmem>> -> memref<1x128xi32, #tpu.memory_space<vmem>>
    %dma_start3A_61 = tpu.memref_squeeze %dma_start3A_60 : memref<1x128xi32, #tpu.memory_space<vmem>> -> memref<128xi32, #tpu.memory_space<vmem>>
    %dma_start3A_62 = arith.constant 0 : i32
    %dma_start3A_63 = arith.constant 0 : i32
    %dma_start3A_64 = tpu.memref_slice %arg11[%dma_start3A_62, %dma_start3A_63] : memref<10000x32xf32, #tpu.memory_space<vmem_shared>> -> memref<10000x32xf32, #tpu.memory_space<vmem_shared>>
    tpu.enqueue_indirect_dma source(%dma_start3A_64 : memref<10000x32xf32, #tpu.memory_space<vmem_shared>>) target(%dma_start3A_58 : memref<128x32xf32, #tpu.memory_space<vmem>>) offsets(%dma_start3A_61 : memref<128xi32, #tpu.memory_space<vmem>>) semaphore(%arg14 : memref<!tpu.dma_semaphore, #tpu.memory_space<semaphore_mem>>)
    %dma_start3A_65 = arith.constant 3 : i32
    %dma_start3A_66 = arith.constant 3 : i32
    %dma_start3A_67 = arith.constant 0 : i32
    %dma_start3A_68 = arith.constant 0 : i32
    %dma_start3A_69 = tpu.memref_slice %arg8[%dma_start3A_66, %dma_start3A_67, %dma_start3A_68] : memref<8x128x32xf32, #tpu.memory_space<vmem>> -> memref<1x128x32xf32, #tpu.memory_space<vmem>>
    %dma_start3A_70 = tpu.memref_squeeze %dma_start3A_69 : memref<1x128x32xf32, #tpu.memory_space<vmem>> -> memref<128x32xf32, #tpu.memory_space<vmem>>
    %dma_start3A_71 = arith.constant 0 : i32
    %dma_start3A_72 = tpu.memref_slice %arg6[%dma_start3A_65, %dma_start3A_71] : memref<40x128xi32, #tpu.memory_space<vmem>> -> memref<1x128xi32, #tpu.memory_space<vmem>>
    %dma_start3A_73 = tpu.memref_squeeze %dma_start3A_72 : memref<1x128xi32, #tpu.memory_space<vmem>> -> memref<128xi32, #tpu.memory_space<vmem>>
    %dma_start3A_74 = arith.constant 0 : i32
    %dma_start3A_75 = arith.constant 0 : i32
    %dma_start3A_76 = tpu.memref_slice %arg11[%dma_start3A_74, %dma_start3A_75] : memref<10000x32xf32, #tpu.memory_space<vmem_shared>> -> memref<10000x32xf32, #tpu.memory_space<vmem_shared>>
    tpu.enqueue_indirect_dma source(%dma_start3A_76 : memref<10000x32xf32, #tpu.memory_space<vmem_shared>>) target(%dma_start3A_70 : memref<128x32xf32, #tpu.memory_space<vmem>>) offsets(%dma_start3A_73 : memref<128xi32, #tpu.memory_space<vmem>>) semaphore(%arg15 : memref<!tpu.dma_semaphore, #tpu.memory_space<semaphore_mem>>)
    %dma_start3A_77 = arith.constant 4 : i32
    %dma_start3A_78 = arith.constant 4 : i32
    %dma_start3A_79 = arith.constant 0 : i32
    %dma_start3A_80 = arith.constant 0 : i32
    %dma_start3A_81 = tpu.memref_slice %arg8[%dma_start3A_78, %dma_start3A_79, %dma_start3A_80] : memref<8x128x32xf32, #tpu.memory_space<vmem>> -> memref<1x128x32xf32, #tpu.memory_space<vmem>>
    %dma_start3A_82 = tpu.memref_squeeze %dma_start3A_81 : memref<1x128x32xf32, #tpu.memory_space<vmem>> -> memref<128x32xf32, #tpu.memory_space<vmem>>
    %dma_start3A_83 = arith.constant 0 : i32
    %dma_start3A_84 = tpu.memref_slice %arg6[%dma_start3A_77, %dma_start3A_83] : memref<40x128xi32, #tpu.memory_space<vmem>> -> memref<1x128xi32, #tpu.memory_space<vmem>>
    %dma_start3A_85 = tpu.memref_squeeze %dma_start3A_84 : memref<1x128xi32, #tpu.memory_space<vmem>> -> memref<128xi32, #tpu.memory_space<vmem>>
    %dma_start3A_86 = arith.constant 0 : i32
    %dma_start3A_87 = arith.constant 0 : i32
    %dma_start3A_88 = tpu.memref_slice %arg11[%dma_start3A_86, %dma_start3A_87] : memref<10000x32xf32, #tpu.memory_space<vmem_shared>> -> memref<10000x32xf32, #tpu.memory_space<vmem_shared>>
    tpu.enqueue_indirect_dma source(%dma_start3A_88 : memref<10000x32xf32, #tpu.memory_space<vmem_shared>>) target(%dma_start3A_82 : memref<128x32xf32, #tpu.memory_space<vmem>>) offsets(%dma_start3A_85 : memref<128xi32, #tpu.memory_space<vmem>>) semaphore(%arg16 : memref<!tpu.dma_semaphore, #tpu.memory_space<semaphore_mem>>)
    %dma_start3A_89 = arith.constant 5 : i32
    %dma_start3A_90 = arith.constant 5 : i32
    %dma_start3A_91 = arith.constant 0 : i32
    %dma_start3A_92 = arith.constant 0 : i32
    %dma_start3A_93 = tpu.memref_slice %arg8[%dma_start3A_90, %dma_start3A_91, %dma_start3A_92] : memref<8x128x32xf32, #tpu.memory_space<vmem>> -> memref<1x128x32xf32, #tpu.memory_space<vmem>>
    %dma_start3A_94 = tpu.memref_squeeze %dma_start3A_93 : memref<1x128x32xf32, #tpu.memory_space<vmem>> -> memref<128x32xf32, #tpu.memory_space<vmem>>
    %dma_start3A_95 = arith.constant 0 : i32
    %dma_start3A_96 = tpu.memref_slice %arg6[%dma_start3A_89, %dma_start3A_95] : memref<40x128xi32, #tpu.memory_space<vmem>> -> memref<1x128xi32, #tpu.memory_space<vmem>>
    %dma_start3A_97 = tpu.memref_squeeze %dma_start3A_96 : memref<1x128xi32, #tpu.memory_space<vmem>> -> memref<128xi32, #tpu.memory_space<vmem>>
    %dma_start3A_98 = arith.constant 0 : i32
    %dma_start3A_99 = arith.constant 0 : i32
    %dma_start3A_100 = tpu.memref_slice %arg11[%dma_start3A_98, %dma_start3A_99] : memref<10000x32xf32, #tpu.memory_space<vmem_shared>> -> memref<10000x32xf32, #tpu.memory_space<vmem_shared>>
    tpu.enqueue_indirect_dma source(%dma_start3A_100 : memref<10000x32xf32, #tpu.memory_space<vmem_shared>>) target(%dma_start3A_94 : memref<128x32xf32, #tpu.memory_space<vmem>>) offsets(%dma_start3A_97 : memref<128xi32, #tpu.memory_space<vmem>>) semaphore(%arg17 : memref<!tpu.dma_semaphore, #tpu.memory_space<semaphore_mem>>)
    %dma_start3A_101 = arith.constant 6 : i32
    %dma_start3A_102 = arith.constant 6 : i32
    %dma_start3A_103 = arith.constant 0 : i32
    %dma_start3A_104 = arith.constant 0 : i32
    %dma_start3A_105 = tpu.memref_slice %arg8[%dma_start3A_102, %dma_start3A_103, %dma_start3A_104] : memref<8x128x32xf32, #tpu.memory_space<vmem>> -> memref<1x128x32xf32, #tpu.memory_space<vmem>>
    %dma_start3A_106 = tpu.memref_squeeze %dma_start3A_105 : memref<1x128x32xf32, #tpu.memory_space<vmem>> -> memref<128x32xf32, #tpu.memory_space<vmem>>
    %dma_start3A_107 = arith.constant 0 : i32
    %dma_start3A_108 = tpu.memref_slice %arg6[%dma_start3A_101, %dma_start3A_107] : memref<40x128xi32, #tpu.memory_space<vmem>> -> memref<1x128xi32, #tpu.memory_space<vmem>>
    %dma_start3A_109 = tpu.memref_squeeze %dma_start3A_108 : memref<1x128xi32, #tpu.memory_space<vmem>> -> memref<128xi32, #tpu.memory_space<vmem>>
    %dma_start3A_110 = arith.constant 0 : i32
    %dma_start3A_111 = arith.constant 0 : i32
    %dma_start3A_112 = tpu.memref_slice %arg11[%dma_start3A_110, %dma_start3A_111] : memref<10000x32xf32, #tpu.memory_space<vmem_shared>> -> memref<10000x32xf32, #tpu.memory_space<vmem_shared>>
    tpu.enqueue_indirect_dma source(%dma_start3A_112 : memref<10000x32xf32, #tpu.memory_space<vmem_shared>>) target(%dma_start3A_106 : memref<128x32xf32, #tpu.memory_space<vmem>>) offsets(%dma_start3A_109 : memref<128xi32, #tpu.memory_space<vmem>>) semaphore(%arg18 : memref<!tpu.dma_semaphore, #tpu.memory_space<semaphore_mem>>)
    %dma_start3A_113 = arith.constant 7 : i32
    %dma_start3A_114 = arith.constant 7 : i32
    %dma_start3A_115 = arith.constant 0 : i32
    %dma_start3A_116 = arith.constant 0 : i32
    %dma_start3A_117 = tpu.memref_slice %arg8[%dma_start3A_114, %dma_start3A_115, %dma_start3A_116] : memref<8x128x32xf32, #tpu.memory_space<vmem>> -> memref<1x128x32xf32, #tpu.memory_space<vmem>>
    %dma_start3A_118 = tpu.memref_squeeze %dma_start3A_117 : memref<1x128x32xf32, #tpu.memory_space<vmem>> -> memref<128x32xf32, #tpu.memory_space<vmem>>
    %dma_start3A_119 = arith.constant 0 : i32
    %dma_start3A_120 = tpu.memref_slice %arg6[%dma_start3A_113, %dma_start3A_119] : memref<40x128xi32, #tpu.memory_space<vmem>> -> memref<1x128xi32, #tpu.memory_space<vmem>>
    %dma_start3A_121 = tpu.memref_squeeze %dma_start3A_120 : memref<1x128xi32, #tpu.memory_space<vmem>> -> memref<128xi32, #tpu.memory_space<vmem>>
    %dma_start3A_122 = arith.constant 0 : i32
    %dma_start3A_123 = arith.constant 0 : i32
    %dma_start3A_124 = tpu.memref_slice %arg11[%dma_start3A_122, %dma_start3A_123] : memref<10000x32xf32, #tpu.memory_space<vmem_shared>> -> memref<10000x32xf32, #tpu.memory_space<vmem_shared>>
    tpu.enqueue_indirect_dma source(%dma_start3A_124 : memref<10000x32xf32, #tpu.memory_space<vmem_shared>>) target(%dma_start3A_118 : memref<128x32xf32, #tpu.memory_space<vmem>>) offsets(%dma_start3A_121 : memref<128xi32, #tpu.memory_space<vmem>>) semaphore(%arg19 : memref<!tpu.dma_semaphore, #tpu.memory_space<semaphore_mem>>)
    %scan3A_125 = arith.constant 0 : i32
    %scan3A_126 = arith.constant 0 : i32
    %scan3A_127 = arith.constant 5 : i32
    %scan3A_128 = arith.addi %scan3A_126, %scan3A_127 : i32
    %scan3A_129 = arith.constant 1 : i32
    %scan3A_130 = scf.for %scan3A_140 = %scan3A_126 to %scan3A_128 step %scan3A_129 iter_args(%scan3A_141 = %scan3A_125) -> (i32)  : i32 {
      %mul3A_142 = arith.constant 8 : i32
      %mul3A_143 = arith.muli %mul3A_142, %scan3A_140 : i32
      %add3A_144 = arith.constant 0 : i32
      %add3A_145 = arith.addi %mul3A_143, %add3A_144 : i32
      %dma_wait3A = arith.constant 0 : i32
      %dma_wait3A_146 = arith.constant 0 : i32
      %dma_wait3A_147 = arith.constant 0 : i32
      %dma_wait3A_148 = tpu.memref_slice %arg8[%dma_wait3A, %dma_wait3A_146, %dma_wait3A_147] : memref<8x128x32xf32, #tpu.memory_space<vmem>> -> memref<1x128x32xf32, #tpu.memory_space<vmem>>
      %dma_wait3A_149 = tpu.memref_squeeze %dma_wait3A_148 : memref<1x128x32xf32, #tpu.memory_space<vmem>> -> memref<128x32xf32, #tpu.memory_space<vmem>>
      %dma_wait3A_150 = arith.constant 0 : i32
      %dma_wait3A_151 = tpu.memref_slice %arg6[%add3A_145, %dma_wait3A_150] : memref<40x128xi32, #tpu.memory_space<vmem>> -> memref<1x128xi32, #tpu.memory_space<vmem>>
      %dma_wait3A_152 = tpu.memref_squeeze %dma_wait3A_151 : memref<1x128xi32, #tpu.memory_space<vmem>> -> memref<128xi32, #tpu.memory_space<vmem>>
      %dma_wait3A_153 = arith.constant 0 : i32
      %dma_wait3A_154 = arith.constant 0 : i32
      %dma_wait3A_155 = tpu.memref_slice %arg11[%dma_wait3A_153, %dma_wait3A_154] : memref<10000x32xf32, #tpu.memory_space<vmem_shared>> -> memref<10000x32xf32, #tpu.memory_space<vmem_shared>>
      tpu.wait_indirect_dma semaphore(%arg12 : memref<!tpu.dma_semaphore, #tpu.memory_space<semaphore_mem>>) src(%dma_wait3A_155 : memref<10000x32xf32, #tpu.memory_space<vmem_shared>>) dst(%dma_wait3A_149 : memref<128x32xf32, #tpu.memory_space<vmem>>)
      %run_scoped3A = arith.constant 0 : i32
      "tpu.region"() ({
        %run_scoped3A_322 = tpu.sem_alloc : memref<!tpu.dma_semaphore, #tpu.memory_space<semaphore_mem>>
        %dma_start3A_323 = arith.constant 0 : i32
        %dma_start3A_324 = arith.constant 0 : i32
        %dma_start3A_325 = tpu.memref_slice %arg8[%run_scoped3A, %dma_start3A_323, %dma_start3A_324] : memref<8x128x32xf32, #tpu.memory_space<vmem>> -> memref<1x128x32xf32, #tpu.memory_space<vmem>>
        %dma_start3A_326 = tpu.memref_squeeze %dma_start3A_325 : memref<1x128x32xf32, #tpu.memory_space<vmem>> -> memref<128x32xf32, #tpu.memory_space<vmem>>
        %dma_start3A_327 = arith.constant 0 : i32
        %dma_start3A_328 = tpu.memref_slice %arg7[%add3A_145, %dma_start3A_327] : memref<40x128xi32, #tpu.memory_space<vmem>> -> memref<1x128xi32, #tpu.memory_space<vmem>>
        %dma_start3A_329 = tpu.memref_squeeze %dma_start3A_328 : memref<1x128xi32, #tpu.memory_space<vmem>> -> memref<128xi32, #tpu.memory_space<vmem>>
        %dma_start3A_330 = arith.constant 0 : i32
        %dma_start3A_331 = arith.constant 0 : i32
        %dma_start3A_332 = tpu.memref_slice %arg10[%dma_start3A_330, %dma_start3A_331] : memref<10240x32xf32, #tpu.memory_space<vmem_shared>> -> memref<10240x32xf32, #tpu.memory_space<vmem_shared>>
        tpu.enqueue_indirect_dma source(%dma_start3A_326 : memref<128x32xf32, #tpu.memory_space<vmem>>) target(%dma_start3A_332 : memref<10240x32xf32, #tpu.memory_space<vmem_shared>>) offsets(%dma_start3A_329 : memref<128xi32, #tpu.memory_space<vmem>>) semaphore(%run_scoped3A_322 : memref<!tpu.dma_semaphore, #tpu.memory_space<semaphore_mem>>) {add = true}
        %dma_wait3A_333 = arith.constant 0 : i32
        %dma_wait3A_334 = arith.constant 0 : i32
        %dma_wait3A_335 = tpu.memref_slice %arg8[%run_scoped3A, %dma_wait3A_333, %dma_wait3A_334] : memref<8x128x32xf32, #tpu.memory_space<vmem>> -> memref<1x128x32xf32, #tpu.memory_space<vmem>>
        %dma_wait3A_336 = tpu.memref_squeeze %dma_wait3A_335 : memref<1x128x32xf32, #tpu.memory_space<vmem>> -> memref<128x32xf32, #tpu.memory_space<vmem>>
        %dma_wait3A_337 = arith.constant 0 : i32
        %dma_wait3A_338 = tpu.memref_slice %arg7[%add3A_145, %dma_wait3A_337] : memref<40x128xi32, #tpu.memory_space<vmem>> -> memref<1x128xi32, #tpu.memory_space<vmem>>
        %dma_wait3A_339 = tpu.memref_squeeze %dma_wait3A_338 : memref<1x128xi32, #tpu.memory_space<vmem>> -> memref<128xi32, #tpu.memory_space<vmem>>
        %dma_wait3A_340 = arith.constant 0 : i32
        %dma_wait3A_341 = arith.constant 0 : i32
        %dma_wait3A_342 = tpu.memref_slice %arg10[%dma_wait3A_340, %dma_wait3A_341] : memref<10240x32xf32, #tpu.memory_space<vmem_shared>> -> memref<10240x32xf32, #tpu.memory_space<vmem_shared>>
        tpu.wait_indirect_dma semaphore(%run_scoped3A_322 : memref<!tpu.dma_semaphore, #tpu.memory_space<semaphore_mem>>) src(%dma_wait3A_336 : memref<128x32xf32, #tpu.memory_space<vmem>>) dst(%dma_wait3A_342 : memref<10240x32xf32, #tpu.memory_space<vmem_shared>>)
        tpu.yield
      }) : () -> ()
      %add3A_156 = arith.constant 8 : i32
      %add3A_157 = arith.addi %add3A_145, %add3A_156 : i32
      %lt3A = arith.constant 40 : i32
      %lt3A_158 = arith.cmpi slt, %add3A_157, %lt3A : i32
      %convert_element_type3A = arith.extui %lt3A_158 : i1 to i32
      %cond3A = arith.constant 0 : i32
      %cond3A_159 = arith.cmpi ne, %convert_element_type3A, %cond3A : i32
      scf.if %cond3A_159 {
        %add3A_322 = arith.constant 8 : i32
        %add3A_323 = arith.addi %add3A_145, %add3A_322 : i32
        %dma_start3A_324 = arith.constant 0 : i32
        %dma_start3A_325 = arith.constant 0 : i32
        %dma_start3A_326 = arith.constant 0 : i32
        %dma_start3A_327 = tpu.memref_slice %arg8[%dma_start3A_324, %dma_start3A_325, %dma_start3A_326] : memref<8x128x32xf32, #tpu.memory_space<vmem>> -> memref<1x128x32xf32, #tpu.memory_space<vmem>>
        %dma_start3A_328 = tpu.memref_squeeze %dma_start3A_327 : memref<1x128x32xf32, #tpu.memory_space<vmem>> -> memref<128x32xf32, #tpu.memory_space<vmem>>
        %dma_start3A_329 = arith.constant 0 : i32
        %dma_start3A_330 = tpu.memref_slice %arg6[%add3A_323, %dma_start3A_329] : memref<40x128xi32, #tpu.memory_space<vmem>> -> memref<1x128xi32, #tpu.memory_space<vmem>>
        %dma_start3A_331 = tpu.memref_squeeze %dma_start3A_330 : memref<1x128xi32, #tpu.memory_space<vmem>> -> memref<128xi32, #tpu.memory_space<vmem>>
        %dma_start3A_332 = arith.constant 0 : i32
        %dma_start3A_333 = arith.constant 0 : i32
        %dma_start3A_334 = tpu.memref_slice %arg11[%dma_start3A_332, %dma_start3A_333] : memref<10000x32xf32, #tpu.memory_space<vmem_shared>> -> memref<10000x32xf32, #tpu.memory_space<vmem_shared>>
        tpu.enqueue_indirect_dma source(%dma_start3A_334 : memref<10000x32xf32, #tpu.memory_space<vmem_shared>>) target(%dma_start3A_328 : memref<128x32xf32, #tpu.memory_space<vmem>>) offsets(%dma_start3A_331 : memref<128xi32, #tpu.memory_space<vmem>>) semaphore(%arg12 : memref<!tpu.dma_semaphore, #tpu.memory_space<semaphore_mem>>)
      } else {
      }
      %mul3A_160 = arith.constant 8 : i32
      %mul3A_161 = arith.muli %mul3A_160, %scan3A_140 : i32
      %add3A_162 = arith.constant 1 : i32
      %add3A_163 = arith.addi %mul3A_161, %add3A_162 : i32
      %dma_wait3A_164 = arith.constant 1 : i32
      %dma_wait3A_165 = arith.constant 0 : i32
      %dma_wait3A_166 = arith.constant 0 : i32
      %dma_wait3A_167 = tpu.memref_slice %arg8[%dma_wait3A_164, %dma_wait3A_165, %dma_wait3A_166] : memref<8x128x32xf32, #tpu.memory_space<vmem>> -> memref<1x128x32xf32, #tpu.memory_space<vmem>>
      %dma_wait3A_168 = tpu.memref_squeeze %dma_wait3A_167 : memref<1x128x32xf32, #tpu.memory_space<vmem>> -> memref<128x32xf32, #tpu.memory_space<vmem>>
      %dma_wait3A_169 = arith.constant 0 : i32
      %dma_wait3A_170 = tpu.memref_slice %arg6[%add3A_163, %dma_wait3A_169] : memref<40x128xi32, #tpu.memory_space<vmem>> -> memref<1x128xi32, #tpu.memory_space<vmem>>
      %dma_wait3A_171 = tpu.memref_squeeze %dma_wait3A_170 : memref<1x128xi32, #tpu.memory_space<vmem>> -> memref<128xi32, #tpu.memory_space<vmem>>
      %dma_wait3A_172 = arith.constant 0 : i32
      %dma_wait3A_173 = arith.constant 0 : i32
      %dma_wait3A_174 = tpu.memref_slice %arg11[%dma_wait3A_172, %dma_wait3A_173] : memref<10000x32xf32, #tpu.memory_space<vmem_shared>> -> memref<10000x32xf32, #tpu.memory_space<vmem_shared>>
      tpu.wait_indirect_dma semaphore(%arg13 : memref<!tpu.dma_semaphore, #tpu.memory_space<semaphore_mem>>) src(%dma_wait3A_174 : memref<10000x32xf32, #tpu.memory_space<vmem_shared>>) dst(%dma_wait3A_168 : memref<128x32xf32, #tpu.memory_space<vmem>>)
      %run_scoped3A_175 = arith.constant 1 : i32
      "tpu.region"() ({
        %run_scoped3A_322 = tpu.sem_alloc : memref<!tpu.dma_semaphore, #tpu.memory_space<semaphore_mem>>
        %dma_start3A_323 = arith.constant 0 : i32
        %dma_start3A_324 = arith.constant 0 : i32
        %dma_start3A_325 = tpu.memref_slice %arg8[%run_scoped3A_175, %dma_start3A_323, %dma_start3A_324] : memref<8x128x32xf32, #tpu.memory_space<vmem>> -> memref<1x128x32xf32, #tpu.memory_space<vmem>>
        %dma_start3A_326 = tpu.memref_squeeze %dma_start3A_325 : memref<1x128x32xf32, #tpu.memory_space<vmem>> -> memref<128x32xf32, #tpu.memory_space<vmem>>
        %dma_start3A_327 = arith.constant 0 : i32
        %dma_start3A_328 = tpu.memref_slice %arg7[%add3A_163, %dma_start3A_327] : memref<40x128xi32, #tpu.memory_space<vmem>> -> memref<1x128xi32, #tpu.memory_space<vmem>>
        %dma_start3A_329 = tpu.memref_squeeze %dma_start3A_328 : memref<1x128xi32, #tpu.memory_space<vmem>> -> memref<128xi32, #tpu.memory_space<vmem>>
        %dma_start3A_330 = arith.constant 0 : i32
        %dma_start3A_331 = arith.constant 0 : i32
        %dma_start3A_332 = tpu.memref_slice %arg10[%dma_start3A_330, %dma_start3A_331] : memref<10240x32xf32, #tpu.memory_space<vmem_shared>> -> memref<10240x32xf32, #tpu.memory_space<vmem_shared>>
        tpu.enqueue_indirect_dma source(%dma_start3A_326 : memref<128x32xf32, #tpu.memory_space<vmem>>) target(%dma_start3A_332 : memref<10240x32xf32, #tpu.memory_space<vmem_shared>>) offsets(%dma_start3A_329 : memref<128xi32, #tpu.memory_space<vmem>>) semaphore(%run_scoped3A_322 : memref<!tpu.dma_semaphore, #tpu.memory_space<semaphore_mem>>) {add = true}
        %dma_wait3A_333 = arith.constant 0 : i32
        %dma_wait3A_334 = arith.constant 0 : i32
        %dma_wait3A_335 = tpu.memref_slice %arg8[%run_scoped3A_175, %dma_wait3A_333, %dma_wait3A_334] : memref<8x128x32xf32, #tpu.memory_space<vmem>> -> memref<1x128x32xf32, #tpu.memory_space<vmem>>
        %dma_wait3A_336 = tpu.memref_squeeze %dma_wait3A_335 : memref<1x128x32xf32, #tpu.memory_space<vmem>> -> memref<128x32xf32, #tpu.memory_space<vmem>>
        %dma_wait3A_337 = arith.constant 0 : i32
        %dma_wait3A_338 = tpu.memref_slice %arg7[%add3A_163, %dma_wait3A_337] : memref<40x128xi32, #tpu.memory_space<vmem>> -> memref<1x128xi32, #tpu.memory_space<vmem>>
        %dma_wait3A_339 = tpu.memref_squeeze %dma_wait3A_338 : memref<1x128xi32, #tpu.memory_space<vmem>> -> memref<128xi32, #tpu.memory_space<vmem>>
        %dma_wait3A_340 = arith.constant 0 : i32
        %dma_wait3A_341 = arith.constant 0 : i32
        %dma_wait3A_342 = tpu.memref_slice %arg10[%dma_wait3A_340, %dma_wait3A_341] : memref<10240x32xf32, #tpu.memory_space<vmem_shared>> -> memref<10240x32xf32, #tpu.memory_space<vmem_shared>>
        tpu.wait_indirect_dma semaphore(%run_scoped3A_322 : memref<!tpu.dma_semaphore, #tpu.memory_space<semaphore_mem>>) src(%dma_wait3A_336 : memref<128x32xf32, #tpu.memory_space<vmem>>) dst(%dma_wait3A_342 : memref<10240x32xf32, #tpu.memory_space<vmem_shared>>)
        tpu.yield
      }) : () -> ()
      %add3A_176 = arith.constant 8 : i32
      %add3A_177 = arith.addi %add3A_163, %add3A_176 : i32
      %lt3A_178 = arith.constant 40 : i32
      %lt3A_179 = arith.cmpi slt, %add3A_177, %lt3A_178 : i32
      %convert_element_type3A_180 = arith.extui %lt3A_179 : i1 to i32
      %cond3A_181 = arith.constant 0 : i32
      %cond3A_182 = arith.cmpi ne, %convert_element_type3A_180, %cond3A_181 : i32
      scf.if %cond3A_182 {
        %add3A_322 = arith.constant 8 : i32
        %add3A_323 = arith.addi %add3A_163, %add3A_322 : i32
        %dma_start3A_324 = arith.constant 1 : i32
        %dma_start3A_325 = arith.constant 0 : i32
        %dma_start3A_326 = arith.constant 0 : i32
        %dma_start3A_327 = tpu.memref_slice %arg8[%dma_start3A_324, %dma_start3A_325, %dma_start3A_326] : memref<8x128x32xf32, #tpu.memory_space<vmem>> -> memref<1x128x32xf32, #tpu.memory_space<vmem>>
        %dma_start3A_328 = tpu.memref_squeeze %dma_start3A_327 : memref<1x128x32xf32, #tpu.memory_space<vmem>> -> memref<128x32xf32, #tpu.memory_space<vmem>>
        %dma_start3A_329 = arith.constant 0 : i32
        %dma_start3A_330 = tpu.memref_slice %arg6[%add3A_323, %dma_start3A_329] : memref<40x128xi32, #tpu.memory_space<vmem>> -> memref<1x128xi32, #tpu.memory_space<vmem>>
        %dma_start3A_331 = tpu.memref_squeeze %dma_start3A_330 : memref<1x128xi32, #tpu.memory_space<vmem>> -> memref<128xi32, #tpu.memory_space<vmem>>
        %dma_start3A_332 = arith.constant 0 : i32
        %dma_start3A_333 = arith.constant 0 : i32
        %dma_start3A_334 = tpu.memref_slice %arg11[%dma_start3A_332, %dma_start3A_333] : memref<10000x32xf32, #tpu.memory_space<vmem_shared>> -> memref<10000x32xf32, #tpu.memory_space<vmem_shared>>
        tpu.enqueue_indirect_dma source(%dma_start3A_334 : memref<10000x32xf32, #tpu.memory_space<vmem_shared>>) target(%dma_start3A_328 : memref<128x32xf32, #tpu.memory_space<vmem>>) offsets(%dma_start3A_331 : memref<128xi32, #tpu.memory_space<vmem>>) semaphore(%arg13 : memref<!tpu.dma_semaphore, #tpu.memory_space<semaphore_mem>>)
      } else {
      }
      %mul3A_183 = arith.constant 8 : i32
      %mul3A_184 = arith.muli %mul3A_183, %scan3A_140 : i32
      %add3A_185 = arith.constant 2 : i32
      %add3A_186 = arith.addi %mul3A_184, %add3A_185 : i32
      %dma_wait3A_187 = arith.constant 2 : i32
      %dma_wait3A_188 = arith.constant 0 : i32
      %dma_wait3A_189 = arith.constant 0 : i32
      %dma_wait3A_190 = tpu.memref_slice %arg8[%dma_wait3A_187, %dma_wait3A_188, %dma_wait3A_189] : memref<8x128x32xf32, #tpu.memory_space<vmem>> -> memref<1x128x32xf32, #tpu.memory_space<vmem>>
      %dma_wait3A_191 = tpu.memref_squeeze %dma_wait3A_190 : memref<1x128x32xf32, #tpu.memory_space<vmem>> -> memref<128x32xf32, #tpu.memory_space<vmem>>
      %dma_wait3A_192 = arith.constant 0 : i32
      %dma_wait3A_193 = tpu.memref_slice %arg6[%add3A_186, %dma_wait3A_192] : memref<40x128xi32, #tpu.memory_space<vmem>> -> memref<1x128xi32, #tpu.memory_space<vmem>>
      %dma_wait3A_194 = tpu.memref_squeeze %dma_wait3A_193 : memref<1x128xi32, #tpu.memory_space<vmem>> -> memref<128xi32, #tpu.memory_space<vmem>>
      %dma_wait3A_195 = arith.constant 0 : i32
      %dma_wait3A_196 = arith.constant 0 : i32
      %dma_wait3A_197 = tpu.memref_slice %arg11[%dma_wait3A_195, %dma_wait3A_196] : memref<10000x32xf32, #tpu.memory_space<vmem_shared>> -> memref<10000x32xf32, #tpu.memory_space<vmem_shared>>
      tpu.wait_indirect_dma semaphore(%arg14 : memref<!tpu.dma_semaphore, #tpu.memory_space<semaphore_mem>>) src(%dma_wait3A_197 : memref<10000x32xf32, #tpu.memory_space<vmem_shared>>) dst(%dma_wait3A_191 : memref<128x32xf32, #tpu.memory_space<vmem>>)
      %run_scoped3A_198 = arith.constant 2 : i32
      "tpu.region"() ({
        %run_scoped3A_322 = tpu.sem_alloc : memref<!tpu.dma_semaphore, #tpu.memory_space<semaphore_mem>>
        %dma_start3A_323 = arith.constant 0 : i32
        %dma_start3A_324 = arith.constant 0 : i32
        %dma_start3A_325 = tpu.memref_slice %arg8[%run_scoped3A_198, %dma_start3A_323, %dma_start3A_324] : memref<8x128x32xf32, #tpu.memory_space<vmem>> -> memref<1x128x32xf32, #tpu.memory_space<vmem>>
        %dma_start3A_326 = tpu.memref_squeeze %dma_start3A_325 : memref<1x128x32xf32, #tpu.memory_space<vmem>> -> memref<128x32xf32, #tpu.memory_space<vmem>>
        %dma_start3A_327 = arith.constant 0 : i32
        %dma_start3A_328 = tpu.memref_slice %arg7[%add3A_186, %dma_start3A_327] : memref<40x128xi32, #tpu.memory_space<vmem>> -> memref<1x128xi32, #tpu.memory_space<vmem>>
        %dma_start3A_329 = tpu.memref_squeeze %dma_start3A_328 : memref<1x128xi32, #tpu.memory_space<vmem>> -> memref<128xi32, #tpu.memory_space<vmem>>
        %dma_start3A_330 = arith.constant 0 : i32
        %dma_start3A_331 = arith.constant 0 : i32
        %dma_start3A_332 = tpu.memref_slice %arg10[%dma_start3A_330, %dma_start3A_331] : memref<10240x32xf32, #tpu.memory_space<vmem_shared>> -> memref<10240x32xf32, #tpu.memory_space<vmem_shared>>
        tpu.enqueue_indirect_dma source(%dma_start3A_326 : memref<128x32xf32, #tpu.memory_space<vmem>>) target(%dma_start3A_332 : memref<10240x32xf32, #tpu.memory_space<vmem_shared>>) offsets(%dma_start3A_329 : memref<128xi32, #tpu.memory_space<vmem>>) semaphore(%run_scoped3A_322 : memref<!tpu.dma_semaphore, #tpu.memory_space<semaphore_mem>>) {add = true}
        %dma_wait3A_333 = arith.constant 0 : i32
        %dma_wait3A_334 = arith.constant 0 : i32
        %dma_wait3A_335 = tpu.memref_slice %arg8[%run_scoped3A_198, %dma_wait3A_333, %dma_wait3A_334] : memref<8x128x32xf32, #tpu.memory_space<vmem>> -> memref<1x128x32xf32, #tpu.memory_space<vmem>>
        %dma_wait3A_336 = tpu.memref_squeeze %dma_wait3A_335 : memref<1x128x32xf32, #tpu.memory_space<vmem>> -> memref<128x32xf32, #tpu.memory_space<vmem>>
        %dma_wait3A_337 = arith.constant 0 : i32
        %dma_wait3A_338 = tpu.memref_slice %arg7[%add3A_186, %dma_wait3A_337] : memref<40x128xi32, #tpu.memory_space<vmem>> -> memref<1x128xi32, #tpu.memory_space<vmem>>
        %dma_wait3A_339 = tpu.memref_squeeze %dma_wait3A_338 : memref<1x128xi32, #tpu.memory_space<vmem>> -> memref<128xi32, #tpu.memory_space<vmem>>
        %dma_wait3A_340 = arith.constant 0 : i32
        %dma_wait3A_341 = arith.constant 0 : i32
        %dma_wait3A_342 = tpu.memref_slice %arg10[%dma_wait3A_340, %dma_wait3A_341] : memref<10240x32xf32, #tpu.memory_space<vmem_shared>> -> memref<10240x32xf32, #tpu.memory_space<vmem_shared>>
        tpu.wait_indirect_dma semaphore(%run_scoped3A_322 : memref<!tpu.dma_semaphore, #tpu.memory_space<semaphore_mem>>) src(%dma_wait3A_336 : memref<128x32xf32, #tpu.memory_space<vmem>>) dst(%dma_wait3A_342 : memref<10240x32xf32, #tpu.memory_space<vmem_shared>>)
        tpu.yield
      }) : () -> ()
      %add3A_199 = arith.constant 8 : i32
      %add3A_200 = arith.addi %add3A_186, %add3A_199 : i32
      %lt3A_201 = arith.constant 40 : i32
      %lt3A_202 = arith.cmpi slt, %add3A_200, %lt3A_201 : i32
      %convert_element_type3A_203 = arith.extui %lt3A_202 : i1 to i32
      %cond3A_204 = arith.constant 0 : i32
      %cond3A_205 = arith.cmpi ne, %convert_element_type3A_203, %cond3A_204 : i32
      scf.if %cond3A_205 {
        %add3A_322 = arith.constant 8 : i32
        %add3A_323 = arith.addi %add3A_186, %add3A_322 : i32
        %dma_start3A_324 = arith.constant 2 : i32
        %dma_start3A_325 = arith.constant 0 : i32
        %dma_start3A_326 = arith.constant 0 : i32
        %dma_start3A_327 = tpu.memref_slice %arg8[%dma_start3A_324, %dma_start3A_325, %dma_start3A_326] : memref<8x128x32xf32, #tpu.memory_space<vmem>> -> memref<1x128x32xf32, #tpu.memory_space<vmem>>
        %dma_start3A_328 = tpu.memref_squeeze %dma_start3A_327 : memref<1x128x32xf32, #tpu.memory_space<vmem>> -> memref<128x32xf32, #tpu.memory_space<vmem>>
        %dma_start3A_329 = arith.constant 0 : i32
        %dma_start3A_330 = tpu.memref_slice %arg6[%add3A_323, %dma_start3A_329] : memref<40x128xi32, #tpu.memory_space<vmem>> -> memref<1x128xi32, #tpu.memory_space<vmem>>
        %dma_start3A_331 = tpu.memref_squeeze %dma_start3A_330 : memref<1x128xi32, #tpu.memory_space<vmem>> -> memref<128xi32, #tpu.memory_space<vmem>>
        %dma_start3A_332 = arith.constant 0 : i32
        %dma_start3A_333 = arith.constant 0 : i32
        %dma_start3A_334 = tpu.memref_slice %arg11[%dma_start3A_332, %dma_start3A_333] : memref<10000x32xf32, #tpu.memory_space<vmem_shared>> -> memref<10000x32xf32, #tpu.memory_space<vmem_shared>>
        tpu.enqueue_indirect_dma source(%dma_start3A_334 : memref<10000x32xf32, #tpu.memory_space<vmem_shared>>) target(%dma_start3A_328 : memref<128x32xf32, #tpu.memory_space<vmem>>) offsets(%dma_start3A_331 : memref<128xi32, #tpu.memory_space<vmem>>) semaphore(%arg14 : memref<!tpu.dma_semaphore, #tpu.memory_space<semaphore_mem>>)
      } else {
      }
      %mul3A_206 = arith.constant 8 : i32
      %mul3A_207 = arith.muli %mul3A_206, %scan3A_140 : i32
      %add3A_208 = arith.constant 3 : i32
      %add3A_209 = arith.addi %mul3A_207, %add3A_208 : i32
      %dma_wait3A_210 = arith.constant 3 : i32
      %dma_wait3A_211 = arith.constant 0 : i32
      %dma_wait3A_212 = arith.constant 0 : i32
      %dma_wait3A_213 = tpu.memref_slice %arg8[%dma_wait3A_210, %dma_wait3A_211, %dma_wait3A_212] : memref<8x128x32xf32, #tpu.memory_space<vmem>> -> memref<1x128x32xf32, #tpu.memory_space<vmem>>
      %dma_wait3A_214 = tpu.memref_squeeze %dma_wait3A_213 : memref<1x128x32xf32, #tpu.memory_space<vmem>> -> memref<128x32xf32, #tpu.memory_space<vmem>>
      %dma_wait3A_215 = arith.constant 0 : i32
      %dma_wait3A_216 = tpu.memref_slice %arg6[%add3A_209, %dma_wait3A_215] : memref<40x128xi32, #tpu.memory_space<vmem>> -> memref<1x128xi32, #tpu.memory_space<vmem>>
      %dma_wait3A_217 = tpu.memref_squeeze %dma_wait3A_216 : memref<1x128xi32, #tpu.memory_space<vmem>> -> memref<128xi32, #tpu.memory_space<vmem>>
      %dma_wait3A_218 = arith.constant 0 : i32
      %dma_wait3A_219 = arith.constant 0 : i32
      %dma_wait3A_220 = tpu.memref_slice %arg11[%dma_wait3A_218, %dma_wait3A_219] : memref<10000x32xf32, #tpu.memory_space<vmem_shared>> -> memref<10000x32xf32, #tpu.memory_space<vmem_shared>>
      tpu.wait_indirect_dma semaphore(%arg15 : memref<!tpu.dma_semaphore, #tpu.memory_space<semaphore_mem>>) src(%dma_wait3A_220 : memref<10000x32xf32, #tpu.memory_space<vmem_shared>>) dst(%dma_wait3A_214 : memref<128x32xf32, #tpu.memory_space<vmem>>)
      %run_scoped3A_221 = arith.constant 3 : i32
      "tpu.region"() ({
        %run_scoped3A_322 = tpu.sem_alloc : memref<!tpu.dma_semaphore, #tpu.memory_space<semaphore_mem>>
        %dma_start3A_323 = arith.constant 0 : i32
        %dma_start3A_324 = arith.constant 0 : i32
        %dma_start3A_325 = tpu.memref_slice %arg8[%run_scoped3A_221, %dma_start3A_323, %dma_start3A_324] : memref<8x128x32xf32, #tpu.memory_space<vmem>> -> memref<1x128x32xf32, #tpu.memory_space<vmem>>
        %dma_start3A_326 = tpu.memref_squeeze %dma_start3A_325 : memref<1x128x32xf32, #tpu.memory_space<vmem>> -> memref<128x32xf32, #tpu.memory_space<vmem>>
        %dma_start3A_327 = arith.constant 0 : i32
        %dma_start3A_328 = tpu.memref_slice %arg7[%add3A_209, %dma_start3A_327] : memref<40x128xi32, #tpu.memory_space<vmem>> -> memref<1x128xi32, #tpu.memory_space<vmem>>
        %dma_start3A_329 = tpu.memref_squeeze %dma_start3A_328 : memref<1x128xi32, #tpu.memory_space<vmem>> -> memref<128xi32, #tpu.memory_space<vmem>>
        %dma_start3A_330 = arith.constant 0 : i32
        %dma_start3A_331 = arith.constant 0 : i32
        %dma_start3A_332 = tpu.memref_slice %arg10[%dma_start3A_330, %dma_start3A_331] : memref<10240x32xf32, #tpu.memory_space<vmem_shared>> -> memref<10240x32xf32, #tpu.memory_space<vmem_shared>>
        tpu.enqueue_indirect_dma source(%dma_start3A_326 : memref<128x32xf32, #tpu.memory_space<vmem>>) target(%dma_start3A_332 : memref<10240x32xf32, #tpu.memory_space<vmem_shared>>) offsets(%dma_start3A_329 : memref<128xi32, #tpu.memory_space<vmem>>) semaphore(%run_scoped3A_322 : memref<!tpu.dma_semaphore, #tpu.memory_space<semaphore_mem>>) {add = true}
        %dma_wait3A_333 = arith.constant 0 : i32
        %dma_wait3A_334 = arith.constant 0 : i32
        %dma_wait3A_335 = tpu.memref_slice %arg8[%run_scoped3A_221, %dma_wait3A_333, %dma_wait3A_334] : memref<8x128x32xf32, #tpu.memory_space<vmem>> -> memref<1x128x32xf32, #tpu.memory_space<vmem>>
        %dma_wait3A_336 = tpu.memref_squeeze %dma_wait3A_335 : memref<1x128x32xf32, #tpu.memory_space<vmem>> -> memref<128x32xf32, #tpu.memory_space<vmem>>
        %dma_wait3A_337 = arith.constant 0 : i32
        %dma_wait3A_338 = tpu.memref_slice %arg7[%add3A_209, %dma_wait3A_337] : memref<40x128xi32, #tpu.memory_space<vmem>> -> memref<1x128xi32, #tpu.memory_space<vmem>>
        %dma_wait3A_339 = tpu.memref_squeeze %dma_wait3A_338 : memref<1x128xi32, #tpu.memory_space<vmem>> -> memref<128xi32, #tpu.memory_space<vmem>>
        %dma_wait3A_340 = arith.constant 0 : i32
        %dma_wait3A_341 = arith.constant 0 : i32
        %dma_wait3A_342 = tpu.memref_slice %arg10[%dma_wait3A_340, %dma_wait3A_341] : memref<10240x32xf32, #tpu.memory_space<vmem_shared>> -> memref<10240x32xf32, #tpu.memory_space<vmem_shared>>
        tpu.wait_indirect_dma semaphore(%run_scoped3A_322 : memref<!tpu.dma_semaphore, #tpu.memory_space<semaphore_mem>>) src(%dma_wait3A_336 : memref<128x32xf32, #tpu.memory_space<vmem>>) dst(%dma_wait3A_342 : memref<10240x32xf32, #tpu.memory_space<vmem_shared>>)
        tpu.yield
      }) : () -> ()
      %add3A_222 = arith.constant 8 : i32
      %add3A_223 = arith.addi %add3A_209, %add3A_222 : i32
      %lt3A_224 = arith.constant 40 : i32
      %lt3A_225 = arith.cmpi slt, %add3A_223, %lt3A_224 : i32
      %convert_element_type3A_226 = arith.extui %lt3A_225 : i1 to i32
      %cond3A_227 = arith.constant 0 : i32
      %cond3A_228 = arith.cmpi ne, %convert_element_type3A_226, %cond3A_227 : i32
      scf.if %cond3A_228 {
        %add3A_322 = arith.constant 8 : i32
        %add3A_323 = arith.addi %add3A_209, %add3A_322 : i32
        %dma_start3A_324 = arith.constant 3 : i32
        %dma_start3A_325 = arith.constant 0 : i32
        %dma_start3A_326 = arith.constant 0 : i32
        %dma_start3A_327 = tpu.memref_slice %arg8[%dma_start3A_324, %dma_start3A_325, %dma_start3A_326] : memref<8x128x32xf32, #tpu.memory_space<vmem>> -> memref<1x128x32xf32, #tpu.memory_space<vmem>>
        %dma_start3A_328 = tpu.memref_squeeze %dma_start3A_327 : memref<1x128x32xf32, #tpu.memory_space<vmem>> -> memref<128x32xf32, #tpu.memory_space<vmem>>
        %dma_start3A_329 = arith.constant 0 : i32
        %dma_start3A_330 = tpu.memref_slice %arg6[%add3A_323, %dma_start3A_329] : memref<40x128xi32, #tpu.memory_space<vmem>> -> memref<1x128xi32, #tpu.memory_space<vmem>>
        %dma_start3A_331 = tpu.memref_squeeze %dma_start3A_330 : memref<1x128xi32, #tpu.memory_space<vmem>> -> memref<128xi32, #tpu.memory_space<vmem>>
        %dma_start3A_332 = arith.constant 0 : i32
        %dma_start3A_333 = arith.constant 0 : i32
        %dma_start3A_334 = tpu.memref_slice %arg11[%dma_start3A_332, %dma_start3A_333] : memref<10000x32xf32, #tpu.memory_space<vmem_shared>> -> memref<10000x32xf32, #tpu.memory_space<vmem_shared>>
        tpu.enqueue_indirect_dma source(%dma_start3A_334 : memref<10000x32xf32, #tpu.memory_space<vmem_shared>>) target(%dma_start3A_328 : memref<128x32xf32, #tpu.memory_space<vmem>>) offsets(%dma_start3A_331 : memref<128xi32, #tpu.memory_space<vmem>>) semaphore(%arg15 : memref<!tpu.dma_semaphore, #tpu.memory_space<semaphore_mem>>)
      } else {
      }
      %mul3A_229 = arith.constant 8 : i32
      %mul3A_230 = arith.muli %mul3A_229, %scan3A_140 : i32
      %add3A_231 = arith.constant 4 : i32
      %add3A_232 = arith.addi %mul3A_230, %add3A_231 : i32
      %dma_wait3A_233 = arith.constant 4 : i32
      %dma_wait3A_234 = arith.constant 0 : i32
      %dma_wait3A_235 = arith.constant 0 : i32
      %dma_wait3A_236 = tpu.memref_slice %arg8[%dma_wait3A_233, %dma_wait3A_234, %dma_wait3A_235] : memref<8x128x32xf32, #tpu.memory_space<vmem>> -> memref<1x128x32xf32, #tpu.memory_space<vmem>>
      %dma_wait3A_237 = tpu.memref_squeeze %dma_wait3A_236 : memref<1x128x32xf32, #tpu.memory_space<vmem>> -> memref<128x32xf32, #tpu.memory_space<vmem>>
      %dma_wait3A_238 = arith.constant 0 : i32
      %dma_wait3A_239 = tpu.memref_slice %arg6[%add3A_232, %dma_wait3A_238] : memref<40x128xi32, #tpu.memory_space<vmem>> -> memref<1x128xi32, #tpu.memory_space<vmem>>
      %dma_wait3A_240 = tpu.memref_squeeze %dma_wait3A_239 : memref<1x128xi32, #tpu.memory_space<vmem>> -> memref<128xi32, #tpu.memory_space<vmem>>
      %dma_wait3A_241 = arith.constant 0 : i32
      %dma_wait3A_242 = arith.constant 0 : i32
      %dma_wait3A_243 = tpu.memref_slice %arg11[%dma_wait3A_241, %dma_wait3A_242] : memref<10000x32xf32, #tpu.memory_space<vmem_shared>> -> memref<10000x32xf32, #tpu.memory_space<vmem_shared>>
      tpu.wait_indirect_dma semaphore(%arg16 : memref<!tpu.dma_semaphore, #tpu.memory_space<semaphore_mem>>) src(%dma_wait3A_243 : memref<10000x32xf32, #tpu.memory_space<vmem_shared>>) dst(%dma_wait3A_237 : memref<128x32xf32, #tpu.memory_space<vmem>>)
      %run_scoped3A_244 = arith.constant 4 : i32
      "tpu.region"() ({
        %run_scoped3A_322 = tpu.sem_alloc : memref<!tpu.dma_semaphore, #tpu.memory_space<semaphore_mem>>
        %dma_start3A_323 = arith.constant 0 : i32
        %dma_start3A_324 = arith.constant 0 : i32
        %dma_start3A_325 = tpu.memref_slice %arg8[%run_scoped3A_244, %dma_start3A_323, %dma_start3A_324] : memref<8x128x32xf32, #tpu.memory_space<vmem>> -> memref<1x128x32xf32, #tpu.memory_space<vmem>>
        %dma_start3A_326 = tpu.memref_squeeze %dma_start3A_325 : memref<1x128x32xf32, #tpu.memory_space<vmem>> -> memref<128x32xf32, #tpu.memory_space<vmem>>
        %dma_start3A_327 = arith.constant 0 : i32
        %dma_start3A_328 = tpu.memref_slice %arg7[%add3A_232, %dma_start3A_327] : memref<40x128xi32, #tpu.memory_space<vmem>> -> memref<1x128xi32, #tpu.memory_space<vmem>>
        %dma_start3A_329 = tpu.memref_squeeze %dma_start3A_328 : memref<1x128xi32, #tpu.memory_space<vmem>> -> memref<128xi32, #tpu.memory_space<vmem>>
        %dma_start3A_330 = arith.constant 0 : i32
        %dma_start3A_331 = arith.constant 0 : i32
        %dma_start3A_332 = tpu.memref_slice %arg10[%dma_start3A_330, %dma_start3A_331] : memref<10240x32xf32, #tpu.memory_space<vmem_shared>> -> memref<10240x32xf32, #tpu.memory_space<vmem_shared>>
        tpu.enqueue_indirect_dma source(%dma_start3A_326 : memref<128x32xf32, #tpu.memory_space<vmem>>) target(%dma_start3A_332 : memref<10240x32xf32, #tpu.memory_space<vmem_shared>>) offsets(%dma_start3A_329 : memref<128xi32, #tpu.memory_space<vmem>>) semaphore(%run_scoped3A_322 : memref<!tpu.dma_semaphore, #tpu.memory_space<semaphore_mem>>) {add = true}
        %dma_wait3A_333 = arith.constant 0 : i32
        %dma_wait3A_334 = arith.constant 0 : i32
        %dma_wait3A_335 = tpu.memref_slice %arg8[%run_scoped3A_244, %dma_wait3A_333, %dma_wait3A_334] : memref<8x128x32xf32, #tpu.memory_space<vmem>> -> memref<1x128x32xf32, #tpu.memory_space<vmem>>
        %dma_wait3A_336 = tpu.memref_squeeze %dma_wait3A_335 : memref<1x128x32xf32, #tpu.memory_space<vmem>> -> memref<128x32xf32, #tpu.memory_space<vmem>>
        %dma_wait3A_337 = arith.constant 0 : i32
        %dma_wait3A_338 = tpu.memref_slice %arg7[%add3A_232, %dma_wait3A_337] : memref<40x128xi32, #tpu.memory_space<vmem>> -> memref<1x128xi32, #tpu.memory_space<vmem>>
        %dma_wait3A_339 = tpu.memref_squeeze %dma_wait3A_338 : memref<1x128xi32, #tpu.memory_space<vmem>> -> memref<128xi32, #tpu.memory_space<vmem>>
        %dma_wait3A_340 = arith.constant 0 : i32
        %dma_wait3A_341 = arith.constant 0 : i32
        %dma_wait3A_342 = tpu.memref_slice %arg10[%dma_wait3A_340, %dma_wait3A_341] : memref<10240x32xf32, #tpu.memory_space<vmem_shared>> -> memref<10240x32xf32, #tpu.memory_space<vmem_shared>>
        tpu.wait_indirect_dma semaphore(%run_scoped3A_322 : memref<!tpu.dma_semaphore, #tpu.memory_space<semaphore_mem>>) src(%dma_wait3A_336 : memref<128x32xf32, #tpu.memory_space<vmem>>) dst(%dma_wait3A_342 : memref<10240x32xf32, #tpu.memory_space<vmem_shared>>)
        tpu.yield
      }) : () -> ()
      %add3A_245 = arith.constant 8 : i32
      %add3A_246 = arith.addi %add3A_232, %add3A_245 : i32
      %lt3A_247 = arith.constant 40 : i32
      %lt3A_248 = arith.cmpi slt, %add3A_246, %lt3A_247 : i32
      %convert_element_type3A_249 = arith.extui %lt3A_248 : i1 to i32
      %cond3A_250 = arith.constant 0 : i32
      %cond3A_251 = arith.cmpi ne, %convert_element_type3A_249, %cond3A_250 : i32
      scf.if %cond3A_251 {
        %add3A_322 = arith.constant 8 : i32
        %add3A_323 = arith.addi %add3A_232, %add3A_322 : i32
        %dma_start3A_324 = arith.constant 4 : i32
        %dma_start3A_325 = arith.constant 0 : i32
        %dma_start3A_326 = arith.constant 0 : i32
        %dma_start3A_327 = tpu.memref_slice %arg8[%dma_start3A_324, %dma_start3A_325, %dma_start3A_326] : memref<8x128x32xf32, #tpu.memory_space<vmem>> -> memref<1x128x32xf32, #tpu.memory_space<vmem>>
        %dma_start3A_328 = tpu.memref_squeeze %dma_start3A_327 : memref<1x128x32xf32, #tpu.memory_space<vmem>> -> memref<128x32xf32, #tpu.memory_space<vmem>>
        %dma_start3A_329 = arith.constant 0 : i32
        %dma_start3A_330 = tpu.memref_slice %arg6[%add3A_323, %dma_start3A_329] : memref<40x128xi32, #tpu.memory_space<vmem>> -> memref<1x128xi32, #tpu.memory_space<vmem>>
        %dma_start3A_331 = tpu.memref_squeeze %dma_start3A_330 : memref<1x128xi32, #tpu.memory_space<vmem>> -> memref<128xi32, #tpu.memory_space<vmem>>
        %dma_start3A_332 = arith.constant 0 : i32
        %dma_start3A_333 = arith.constant 0 : i32
        %dma_start3A_334 = tpu.memref_slice %arg11[%dma_start3A_332, %dma_start3A_333] : memref<10000x32xf32, #tpu.memory_space<vmem_shared>> -> memref<10000x32xf32, #tpu.memory_space<vmem_shared>>
        tpu.enqueue_indirect_dma source(%dma_start3A_334 : memref<10000x32xf32, #tpu.memory_space<vmem_shared>>) target(%dma_start3A_328 : memref<128x32xf32, #tpu.memory_space<vmem>>) offsets(%dma_start3A_331 : memref<128xi32, #tpu.memory_space<vmem>>) semaphore(%arg16 : memref<!tpu.dma_semaphore, #tpu.memory_space<semaphore_mem>>)
      } else {
      }
      %mul3A_252 = arith.constant 8 : i32
      %mul3A_253 = arith.muli %mul3A_252, %scan3A_140 : i32
      %add3A_254 = arith.constant 5 : i32
      %add3A_255 = arith.addi %mul3A_253, %add3A_254 : i32
      %dma_wait3A_256 = arith.constant 5 : i32
      %dma_wait3A_257 = arith.constant 0 : i32
      %dma_wait3A_258 = arith.constant 0 : i32
      %dma_wait3A_259 = tpu.memref_slice %arg8[%dma_wait3A_256, %dma_wait3A_257, %dma_wait3A_258] : memref<8x128x32xf32, #tpu.memory_space<vmem>> -> memref<1x128x32xf32, #tpu.memory_space<vmem>>
      %dma_wait3A_260 = tpu.memref_squeeze %dma_wait3A_259 : memref<1x128x32xf32, #tpu.memory_space<vmem>> -> memref<128x32xf32, #tpu.memory_space<vmem>>
      %dma_wait3A_261 = arith.constant 0 : i32
      %dma_wait3A_262 = tpu.memref_slice %arg6[%add3A_255, %dma_wait3A_261] : memref<40x128xi32, #tpu.memory_space<vmem>> -> memref<1x128xi32, #tpu.memory_space<vmem>>
      %dma_wait3A_263 = tpu.memref_squeeze %dma_wait3A_262 : memref<1x128xi32, #tpu.memory_space<vmem>> -> memref<128xi32, #tpu.memory_space<vmem>>
      %dma_wait3A_264 = arith.constant 0 : i32
      %dma_wait3A_265 = arith.constant 0 : i32
      %dma_wait3A_266 = tpu.memref_slice %arg11[%dma_wait3A_264, %dma_wait3A_265] : memref<10000x32xf32, #tpu.memory_space<vmem_shared>> -> memref<10000x32xf32, #tpu.memory_space<vmem_shared>>
      tpu.wait_indirect_dma semaphore(%arg17 : memref<!tpu.dma_semaphore, #tpu.memory_space<semaphore_mem>>) src(%dma_wait3A_266 : memref<10000x32xf32, #tpu.memory_space<vmem_shared>>) dst(%dma_wait3A_260 : memref<128x32xf32, #tpu.memory_space<vmem>>)
      %run_scoped3A_267 = arith.constant 5 : i32
      "tpu.region"() ({
        %run_scoped3A_322 = tpu.sem_alloc : memref<!tpu.dma_semaphore, #tpu.memory_space<semaphore_mem>>
        %dma_start3A_323 = arith.constant 0 : i32
        %dma_start3A_324 = arith.constant 0 : i32
        %dma_start3A_325 = tpu.memref_slice %arg8[%run_scoped3A_267, %dma_start3A_323, %dma_start3A_324] : memref<8x128x32xf32, #tpu.memory_space<vmem>> -> memref<1x128x32xf32, #tpu.memory_space<vmem>>
        %dma_start3A_326 = tpu.memref_squeeze %dma_start3A_325 : memref<1x128x32xf32, #tpu.memory_space<vmem>> -> memref<128x32xf32, #tpu.memory_space<vmem>>
        %dma_start3A_327 = arith.constant 0 : i32
        %dma_start3A_328 = tpu.memref_slice %arg7[%add3A_255, %dma_start3A_327] : memref<40x128xi32, #tpu.memory_space<vmem>> -> memref<1x128xi32, #tpu.memory_space<vmem>>
        %dma_start3A_329 = tpu.memref_squeeze %dma_start3A_328 : memref<1x128xi32, #tpu.memory_space<vmem>> -> memref<128xi32, #tpu.memory_space<vmem>>
        %dma_start3A_330 = arith.constant 0 : i32
        %dma_start3A_331 = arith.constant 0 : i32
        %dma_start3A_332 = tpu.memref_slice %arg10[%dma_start3A_330, %dma_start3A_331] : memref<10240x32xf32, #tpu.memory_space<vmem_shared>> -> memref<10240x32xf32, #tpu.memory_space<vmem_shared>>
        tpu.enqueue_indirect_dma source(%dma_start3A_326 : memref<128x32xf32, #tpu.memory_space<vmem>>) target(%dma_start3A_332 : memref<10240x32xf32, #tpu.memory_space<vmem_shared>>) offsets(%dma_start3A_329 : memref<128xi32, #tpu.memory_space<vmem>>) semaphore(%run_scoped3A_322 : memref<!tpu.dma_semaphore, #tpu.memory_space<semaphore_mem>>) {add = true}
        %dma_wait3A_333 = arith.constant 0 : i32
        %dma_wait3A_334 = arith.constant 0 : i32
        %dma_wait3A_335 = tpu.memref_slice %arg8[%run_scoped3A_267, %dma_wait3A_333, %dma_wait3A_334] : memref<8x128x32xf32, #tpu.memory_space<vmem>> -> memref<1x128x32xf32, #tpu.memory_space<vmem>>
        %dma_wait3A_336 = tpu.memref_squeeze %dma_wait3A_335 : memref<1x128x32xf32, #tpu.memory_space<vmem>> -> memref<128x32xf32, #tpu.memory_space<vmem>>
        %dma_wait3A_337 = arith.constant 0 : i32
        %dma_wait3A_338 = tpu.memref_slice %arg7[%add3A_255, %dma_wait3A_337] : memref<40x128xi32, #tpu.memory_space<vmem>> -> memref<1x128xi32, #tpu.memory_space<vmem>>
        %dma_wait3A_339 = tpu.memref_squeeze %dma_wait3A_338 : memref<1x128xi32, #tpu.memory_space<vmem>> -> memref<128xi32, #tpu.memory_space<vmem>>
        %dma_wait3A_340 = arith.constant 0 : i32
        %dma_wait3A_341 = arith.constant 0 : i32
        %dma_wait3A_342 = tpu.memref_slice %arg10[%dma_wait3A_340, %dma_wait3A_341] : memref<10240x32xf32, #tpu.memory_space<vmem_shared>> -> memref<10240x32xf32, #tpu.memory_space<vmem_shared>>
        tpu.wait_indirect_dma semaphore(%run_scoped3A_322 : memref<!tpu.dma_semaphore, #tpu.memory_space<semaphore_mem>>) src(%dma_wait3A_336 : memref<128x32xf32, #tpu.memory_space<vmem>>) dst(%dma_wait3A_342 : memref<10240x32xf32, #tpu.memory_space<vmem_shared>>)
        tpu.yield
      }) : () -> ()
      %add3A_268 = arith.constant 8 : i32
      %add3A_269 = arith.addi %add3A_255, %add3A_268 : i32
      %lt3A_270 = arith.constant 40 : i32
      %lt3A_271 = arith.cmpi slt, %add3A_269, %lt3A_270 : i32
      %convert_element_type3A_272 = arith.extui %lt3A_271 : i1 to i32
      %cond3A_273 = arith.constant 0 : i32
      %cond3A_274 = arith.cmpi ne, %convert_element_type3A_272, %cond3A_273 : i32
      scf.if %cond3A_274 {
        %add3A_322 = arith.constant 8 : i32
        %add3A_323 = arith.addi %add3A_255, %add3A_322 : i32
        %dma_start3A_324 = arith.constant 5 : i32
        %dma_start3A_325 = arith.constant 0 : i32
        %dma_start3A_326 = arith.constant 0 : i32
        %dma_start3A_327 = tpu.memref_slice %arg8[%dma_start3A_324, %dma_start3A_325, %dma_start3A_326] : memref<8x128x32xf32, #tpu.memory_space<vmem>> -> memref<1x128x32xf32, #tpu.memory_space<vmem>>
        %dma_start3A_328 = tpu.memref_squeeze %dma_start3A_327 : memref<1x128x32xf32, #tpu.memory_space<vmem>> -> memref<128x32xf32, #tpu.memory_space<vmem>>
        %dma_start3A_329 = arith.constant 0 : i32
        %dma_start3A_330 = tpu.memref_slice %arg6[%add3A_323, %dma_start3A_329] : memref<40x128xi32, #tpu.memory_space<vmem>> -> memref<1x128xi32, #tpu.memory_space<vmem>>
        %dma_start3A_331 = tpu.memref_squeeze %dma_start3A_330 : memref<1x128xi32, #tpu.memory_space<vmem>> -> memref<128xi32, #tpu.memory_space<vmem>>
        %dma_start3A_332 = arith.constant 0 : i32
        %dma_start3A_333 = arith.constant 0 : i32
        %dma_start3A_334 = tpu.memref_slice %arg11[%dma_start3A_332, %dma_start3A_333] : memref<10000x32xf32, #tpu.memory_space<vmem_shared>> -> memref<10000x32xf32, #tpu.memory_space<vmem_shared>>
        tpu.enqueue_indirect_dma source(%dma_start3A_334 : memref<10000x32xf32, #tpu.memory_space<vmem_shared>>) target(%dma_start3A_328 : memref<128x32xf32, #tpu.memory_space<vmem>>) offsets(%dma_start3A_331 : memref<128xi32, #tpu.memory_space<vmem>>) semaphore(%arg17 : memref<!tpu.dma_semaphore, #tpu.memory_space<semaphore_mem>>)
      } else {
      }
      %mul3A_275 = arith.constant 8 : i32
      %mul3A_276 = arith.muli %mul3A_275, %scan3A_140 : i32
      %add3A_277 = arith.constant 6 : i32
      %add3A_278 = arith.addi %mul3A_276, %add3A_277 : i32
      %dma_wait3A_279 = arith.constant 6 : i32
      %dma_wait3A_280 = arith.constant 0 : i32
      %dma_wait3A_281 = arith.constant 0 : i32
      %dma_wait3A_282 = tpu.memref_slice %arg8[%dma_wait3A_279, %dma_wait3A_280, %dma_wait3A_281] : memref<8x128x32xf32, #tpu.memory_space<vmem>> -> memref<1x128x32xf32, #tpu.memory_space<vmem>>
      %dma_wait3A_283 = tpu.memref_squeeze %dma_wait3A_282 : memref<1x128x32xf32, #tpu.memory_space<vmem>> -> memref<128x32xf32, #tpu.memory_space<vmem>>
      %dma_wait3A_284 = arith.constant 0 : i32
      %dma_wait3A_285 = tpu.memref_slice %arg6[%add3A_278, %dma_wait3A_284] : memref<40x128xi32, #tpu.memory_space<vmem>> -> memref<1x128xi32, #tpu.memory_space<vmem>>
      %dma_wait3A_286 = tpu.memref_squeeze %dma_wait3A_285 : memref<1x128xi32, #tpu.memory_space<vmem>> -> memref<128xi32, #tpu.memory_space<vmem>>
      %dma_wait3A_287 = arith.constant 0 : i32
      %dma_wait3A_288 = arith.constant 0 : i32
      %dma_wait3A_289 = tpu.memref_slice %arg11[%dma_wait3A_287, %dma_wait3A_288] : memref<10000x32xf32, #tpu.memory_space<vmem_shared>> -> memref<10000x32xf32, #tpu.memory_space<vmem_shared>>
      tpu.wait_indirect_dma semaphore(%arg18 : memref<!tpu.dma_semaphore, #tpu.memory_space<semaphore_mem>>) src(%dma_wait3A_289 : memref<10000x32xf32, #tpu.memory_space<vmem_shared>>) dst(%dma_wait3A_283 : memref<128x32xf32, #tpu.memory_space<vmem>>)
      %run_scoped3A_290 = arith.constant 6 : i32
      "tpu.region"() ({
        %run_scoped3A_322 = tpu.sem_alloc : memref<!tpu.dma_semaphore, #tpu.memory_space<semaphore_mem>>
        %dma_start3A_323 = arith.constant 0 : i32
        %dma_start3A_324 = arith.constant 0 : i32
        %dma_start3A_325 = tpu.memref_slice %arg8[%run_scoped3A_290, %dma_start3A_323, %dma_start3A_324] : memref<8x128x32xf32, #tpu.memory_space<vmem>> -> memref<1x128x32xf32, #tpu.memory_space<vmem>>
        %dma_start3A_326 = tpu.memref_squeeze %dma_start3A_325 : memref<1x128x32xf32, #tpu.memory_space<vmem>> -> memref<128x32xf32, #tpu.memory_space<vmem>>
        %dma_start3A_327 = arith.constant 0 : i32
        %dma_start3A_328 = tpu.memref_slice %arg7[%add3A_278, %dma_start3A_327] : memref<40x128xi32, #tpu.memory_space<vmem>> -> memref<1x128xi32, #tpu.memory_space<vmem>>
        %dma_start3A_329 = tpu.memref_squeeze %dma_start3A_328 : memref<1x128xi32, #tpu.memory_space<vmem>> -> memref<128xi32, #tpu.memory_space<vmem>>
        %dma_start3A_330 = arith.constant 0 : i32
        %dma_start3A_331 = arith.constant 0 : i32
        %dma_start3A_332 = tpu.memref_slice %arg10[%dma_start3A_330, %dma_start3A_331] : memref<10240x32xf32, #tpu.memory_space<vmem_shared>> -> memref<10240x32xf32, #tpu.memory_space<vmem_shared>>
        tpu.enqueue_indirect_dma source(%dma_start3A_326 : memref<128x32xf32, #tpu.memory_space<vmem>>) target(%dma_start3A_332 : memref<10240x32xf32, #tpu.memory_space<vmem_shared>>) offsets(%dma_start3A_329 : memref<128xi32, #tpu.memory_space<vmem>>) semaphore(%run_scoped3A_322 : memref<!tpu.dma_semaphore, #tpu.memory_space<semaphore_mem>>) {add = true}
        %dma_wait3A_333 = arith.constant 0 : i32
        %dma_wait3A_334 = arith.constant 0 : i32
        %dma_wait3A_335 = tpu.memref_slice %arg8[%run_scoped3A_290, %dma_wait3A_333, %dma_wait3A_334] : memref<8x128x32xf32, #tpu.memory_space<vmem>> -> memref<1x128x32xf32, #tpu.memory_space<vmem>>
        %dma_wait3A_336 = tpu.memref_squeeze %dma_wait3A_335 : memref<1x128x32xf32, #tpu.memory_space<vmem>> -> memref<128x32xf32, #tpu.memory_space<vmem>>
        %dma_wait3A_337 = arith.constant 0 : i32
        %dma_wait3A_338 = tpu.memref_slice %arg7[%add3A_278, %dma_wait3A_337] : memref<40x128xi32, #tpu.memory_space<vmem>> -> memref<1x128xi32, #tpu.memory_space<vmem>>
        %dma_wait3A_339 = tpu.memref_squeeze %dma_wait3A_338 : memref<1x128xi32, #tpu.memory_space<vmem>> -> memref<128xi32, #tpu.memory_space<vmem>>
        %dma_wait3A_340 = arith.constant 0 : i32
        %dma_wait3A_341 = arith.constant 0 : i32
        %dma_wait3A_342 = tpu.memref_slice %arg10[%dma_wait3A_340, %dma_wait3A_341] : memref<10240x32xf32, #tpu.memory_space<vmem_shared>> -> memref<10240x32xf32, #tpu.memory_space<vmem_shared>>
        tpu.wait_indirect_dma semaphore(%run_scoped3A_322 : memref<!tpu.dma_semaphore, #tpu.memory_space<semaphore_mem>>) src(%dma_wait3A_336 : memref<128x32xf32, #tpu.memory_space<vmem>>) dst(%dma_wait3A_342 : memref<10240x32xf32, #tpu.memory_space<vmem_shared>>)
        tpu.yield
      }) : () -> ()
      %add3A_291 = arith.constant 8 : i32
      %add3A_292 = arith.addi %add3A_278, %add3A_291 : i32
      %lt3A_293 = arith.constant 40 : i32
      %lt3A_294 = arith.cmpi slt, %add3A_292, %lt3A_293 : i32
      %convert_element_type3A_295 = arith.extui %lt3A_294 : i1 to i32
      %cond3A_296 = arith.constant 0 : i32
      %cond3A_297 = arith.cmpi ne, %convert_element_type3A_295, %cond3A_296 : i32
      scf.if %cond3A_297 {
        %add3A_322 = arith.constant 8 : i32
        %add3A_323 = arith.addi %add3A_278, %add3A_322 : i32
        %dma_start3A_324 = arith.constant 6 : i32
        %dma_start3A_325 = arith.constant 0 : i32
        %dma_start3A_326 = arith.constant 0 : i32
        %dma_start3A_327 = tpu.memref_slice %arg8[%dma_start3A_324, %dma_start3A_325, %dma_start3A_326] : memref<8x128x32xf32, #tpu.memory_space<vmem>> -> memref<1x128x32xf32, #tpu.memory_space<vmem>>
        %dma_start3A_328 = tpu.memref_squeeze %dma_start3A_327 : memref<1x128x32xf32, #tpu.memory_space<vmem>> -> memref<128x32xf32, #tpu.memory_space<vmem>>
        %dma_start3A_329 = arith.constant 0 : i32
        %dma_start3A_330 = tpu.memref_slice %arg6[%add3A_323, %dma_start3A_329] : memref<40x128xi32, #tpu.memory_space<vmem>> -> memref<1x128xi32, #tpu.memory_space<vmem>>
        %dma_start3A_331 = tpu.memref_squeeze %dma_start3A_330 : memref<1x128xi32, #tpu.memory_space<vmem>> -> memref<128xi32, #tpu.memory_space<vmem>>
        %dma_start3A_332 = arith.constant 0 : i32
        %dma_start3A_333 = arith.constant 0 : i32
        %dma_start3A_334 = tpu.memref_slice %arg11[%dma_start3A_332, %dma_start3A_333] : memref<10000x32xf32, #tpu.memory_space<vmem_shared>> -> memref<10000x32xf32, #tpu.memory_space<vmem_shared>>
        tpu.enqueue_indirect_dma source(%dma_start3A_334 : memref<10000x32xf32, #tpu.memory_space<vmem_shared>>) target(%dma_start3A_328 : memref<128x32xf32, #tpu.memory_space<vmem>>) offsets(%dma_start3A_331 : memref<128xi32, #tpu.memory_space<vmem>>) semaphore(%arg18 : memref<!tpu.dma_semaphore, #tpu.memory_space<semaphore_mem>>)
      } else {
      }
      %mul3A_298 = arith.constant 8 : i32
      %mul3A_299 = arith.muli %mul3A_298, %scan3A_140 : i32
      %add3A_300 = arith.constant 7 : i32
      %add3A_301 = arith.addi %mul3A_299, %add3A_300 : i32
      %dma_wait3A_302 = arith.constant 7 : i32
      %dma_wait3A_303 = arith.constant 0 : i32
      %dma_wait3A_304 = arith.constant 0 : i32
      %dma_wait3A_305 = tpu.memref_slice %arg8[%dma_wait3A_302, %dma_wait3A_303, %dma_wait3A_304] : memref<8x128x32xf32, #tpu.memory_space<vmem>> -> memref<1x128x32xf32, #tpu.memory_space<vmem>>
      %dma_wait3A_306 = tpu.memref_squeeze %dma_wait3A_305 : memref<1x128x32xf32, #tpu.memory_space<vmem>> -> memref<128x32xf32, #tpu.memory_space<vmem>>
      %dma_wait3A_307 = arith.constant 0 : i32
      %dma_wait3A_308 = tpu.memref_slice %arg6[%add3A_301, %dma_wait3A_307] : memref<40x128xi32, #tpu.memory_space<vmem>> -> memref<1x128xi32, #tpu.memory_space<vmem>>
      %dma_wait3A_309 = tpu.memref_squeeze %dma_wait3A_308 : memref<1x128xi32, #tpu.memory_space<vmem>> -> memref<128xi32, #tpu.memory_space<vmem>>
      %dma_wait3A_310 = arith.constant 0 : i32
      %dma_wait3A_311 = arith.constant 0 : i32
      %dma_wait3A_312 = tpu.memref_slice %arg11[%dma_wait3A_310, %dma_wait3A_311] : memref<10000x32xf32, #tpu.memory_space<vmem_shared>> -> memref<10000x32xf32, #tpu.memory_space<vmem_shared>>
      tpu.wait_indirect_dma semaphore(%arg19 : memref<!tpu.dma_semaphore, #tpu.memory_space<semaphore_mem>>) src(%dma_wait3A_312 : memref<10000x32xf32, #tpu.memory_space<vmem_shared>>) dst(%dma_wait3A_306 : memref<128x32xf32, #tpu.memory_space<vmem>>)
      %run_scoped3A_313 = arith.constant 7 : i32
      "tpu.region"() ({
        %run_scoped3A_322 = tpu.sem_alloc : memref<!tpu.dma_semaphore, #tpu.memory_space<semaphore_mem>>
        %dma_start3A_323 = arith.constant 0 : i32
        %dma_start3A_324 = arith.constant 0 : i32
        %dma_start3A_325 = tpu.memref_slice %arg8[%run_scoped3A_313, %dma_start3A_323, %dma_start3A_324] : memref<8x128x32xf32, #tpu.memory_space<vmem>> -> memref<1x128x32xf32, #tpu.memory_space<vmem>>
        %dma_start3A_326 = tpu.memref_squeeze %dma_start3A_325 : memref<1x128x32xf32, #tpu.memory_space<vmem>> -> memref<128x32xf32, #tpu.memory_space<vmem>>
        %dma_start3A_327 = arith.constant 0 : i32
        %dma_start3A_328 = tpu.memref_slice %arg7[%add3A_301, %dma_start3A_327] : memref<40x128xi32, #tpu.memory_space<vmem>> -> memref<1x128xi32, #tpu.memory_space<vmem>>
        %dma_start3A_329 = tpu.memref_squeeze %dma_start3A_328 : memref<1x128xi32, #tpu.memory_space<vmem>> -> memref<128xi32, #tpu.memory_space<vmem>>
        %dma_start3A_330 = arith.constant 0 : i32
        %dma_start3A_331 = arith.constant 0 : i32
        %dma_start3A_332 = tpu.memref_slice %arg10[%dma_start3A_330, %dma_start3A_331] : memref<10240x32xf32, #tpu.memory_space<vmem_shared>> -> memref<10240x32xf32, #tpu.memory_space<vmem_shared>>
        tpu.enqueue_indirect_dma source(%dma_start3A_326 : memref<128x32xf32, #tpu.memory_space<vmem>>) target(%dma_start3A_332 : memref<10240x32xf32, #tpu.memory_space<vmem_shared>>) offsets(%dma_start3A_329 : memref<128xi32, #tpu.memory_space<vmem>>) semaphore(%run_scoped3A_322 : memref<!tpu.dma_semaphore, #tpu.memory_space<semaphore_mem>>) {add = true}
        %dma_wait3A_333 = arith.constant 0 : i32
        %dma_wait3A_334 = arith.constant 0 : i32
        %dma_wait3A_335 = tpu.memref_slice %arg8[%run_scoped3A_313, %dma_wait3A_333, %dma_wait3A_334] : memref<8x128x32xf32, #tpu.memory_space<vmem>> -> memref<1x128x32xf32, #tpu.memory_space<vmem>>
        %dma_wait3A_336 = tpu.memref_squeeze %dma_wait3A_335 : memref<1x128x32xf32, #tpu.memory_space<vmem>> -> memref<128x32xf32, #tpu.memory_space<vmem>>
        %dma_wait3A_337 = arith.constant 0 : i32
        %dma_wait3A_338 = tpu.memref_slice %arg7[%add3A_301, %dma_wait3A_337] : memref<40x128xi32, #tpu.memory_space<vmem>> -> memref<1x128xi32, #tpu.memory_space<vmem>>
        %dma_wait3A_339 = tpu.memref_squeeze %dma_wait3A_338 : memref<1x128xi32, #tpu.memory_space<vmem>> -> memref<128xi32, #tpu.memory_space<vmem>>
        %dma_wait3A_340 = arith.constant 0 : i32
        %dma_wait3A_341 = arith.constant 0 : i32
        %dma_wait3A_342 = tpu.memref_slice %arg10[%dma_wait3A_340, %dma_wait3A_341] : memref<10240x32xf32, #tpu.memory_space<vmem_shared>> -> memref<10240x32xf32, #tpu.memory_space<vmem_shared>>
        tpu.wait_indirect_dma semaphore(%run_scoped3A_322 : memref<!tpu.dma_semaphore, #tpu.memory_space<semaphore_mem>>) src(%dma_wait3A_336 : memref<128x32xf32, #tpu.memory_space<vmem>>) dst(%dma_wait3A_342 : memref<10240x32xf32, #tpu.memory_space<vmem_shared>>)
        tpu.yield
      }) : () -> ()
      %add3A_314 = arith.constant 8 : i32
      %add3A_315 = arith.addi %add3A_301, %add3A_314 : i32
      %lt3A_316 = arith.constant 40 : i32
      %lt3A_317 = arith.cmpi slt, %add3A_315, %lt3A_316 : i32
      %convert_element_type3A_318 = arith.extui %lt3A_317 : i1 to i32
      %cond3A_319 = arith.constant 0 : i32
      %cond3A_320 = arith.cmpi ne, %convert_element_type3A_318, %cond3A_319 : i32
      scf.if %cond3A_320 {
        %add3A_322 = arith.constant 8 : i32
        %add3A_323 = arith.addi %add3A_301, %add3A_322 : i32
        %dma_start3A_324 = arith.constant 7 : i32
        %dma_start3A_325 = arith.constant 0 : i32
        %dma_start3A_326 = arith.constant 0 : i32
        %dma_start3A_327 = tpu.memref_slice %arg8[%dma_start3A_324, %dma_start3A_325, %dma_start3A_326] : memref<8x128x32xf32, #tpu.memory_space<vmem>> -> memref<1x128x32xf32, #tpu.memory_space<vmem>>
        %dma_start3A_328 = tpu.memref_squeeze %dma_start3A_327 : memref<1x128x32xf32, #tpu.memory_space<vmem>> -> memref<128x32xf32, #tpu.memory_space<vmem>>
        %dma_start3A_329 = arith.constant 0 : i32
        %dma_start3A_330 = tpu.memref_slice %arg6[%add3A_323, %dma_start3A_329] : memref<40x128xi32, #tpu.memory_space<vmem>> -> memref<1x128xi32, #tpu.memory_space<vmem>>
        %dma_start3A_331 = tpu.memref_squeeze %dma_start3A_330 : memref<1x128xi32, #tpu.memory_space<vmem>> -> memref<128xi32, #tpu.memory_space<vmem>>
        %dma_start3A_332 = arith.constant 0 : i32
        %dma_start3A_333 = arith.constant 0 : i32
        %dma_start3A_334 = tpu.memref_slice %arg11[%dma_start3A_332, %dma_start3A_333] : memref<10000x32xf32, #tpu.memory_space<vmem_shared>> -> memref<10000x32xf32, #tpu.memory_space<vmem_shared>>
        tpu.enqueue_indirect_dma source(%dma_start3A_334 : memref<10000x32xf32, #tpu.memory_space<vmem_shared>>) target(%dma_start3A_328 : memref<128x32xf32, #tpu.memory_space<vmem>>) offsets(%dma_start3A_331 : memref<128xi32, #tpu.memory_space<vmem>>) semaphore(%arg19 : memref<!tpu.dma_semaphore, #tpu.memory_space<semaphore_mem>>)
      } else {
      }
      %scan3A_321 = arith.constant 0 : i32
      scf.yield %scan3A_321 : i32
    }
    %scan3A_131 = arith.constant 5 : i32
    %barrier3A_132 = arith.constant 0 : index
    tpu.barrier barrier_id(%barrier3A_132)
    %mul3A_133 = arith.constant 625 : i32
    %mul3A_134 = arith.muli %arg1, %mul3A_133 : i32
    "tpu.region"() ({
      %run_scoped3A = tpu.sem_alloc : memref<!tpu.dma_semaphore, #tpu.memory_space<semaphore_mem>>
      %dma_start3A_140 = arith.constant 0 : i32
      %dma_start3A_141 = tpu.memref_slice %arg10[%mul3A_134, %dma_start3A_140] : memref<10240x32xf32, #tpu.memory_space<vmem_shared>> -> memref<625x32xf32, #tpu.memory_space<vmem_shared>>
      %dma_start3A_142 = arith.constant 0 : i32
      %dma_start3A_143 = tpu.memref_slice %arg10[%mul3A_134, %dma_start3A_142] : memref<10240x32xf32, #tpu.memory_space<vmem_shared>> -> memref<625x32xf32, #tpu.memory_space<vmem_shared>>
      tpu.enqueue_dma source(%dma_start3A_143 : memref<625x32xf32, #tpu.memory_space<vmem_shared>>) target(%arg9 : memref<625x32xf32, #tpu.memory_space<vmem>>) target_semaphore(%run_scoped3A : memref<!tpu.dma_semaphore, #tpu.memory_space<semaphore_mem>>)
      %dma_wait3A = arith.constant 0 : i32
      %dma_wait3A_144 = tpu.memref_slice %arg10[%mul3A_134, %dma_wait3A] : memref<10240x32xf32, #tpu.memory_space<vmem_shared>> -> memref<625x32xf32, #tpu.memory_space<vmem_shared>>
      %dma_wait3A_145 = arith.constant 0 : i32
      %dma_wait3A_146 = tpu.memref_slice %arg10[%mul3A_134, %dma_wait3A_145] : memref<10240x32xf32, #tpu.memory_space<vmem_shared>> -> memref<625x32xf32, #tpu.memory_space<vmem_shared>>
      tpu.wait_dma2 semaphore(%run_scoped3A : memref<!tpu.dma_semaphore, #tpu.memory_space<semaphore_mem>>) src(%dma_wait3A_146 : memref<625x32xf32, #tpu.memory_space<vmem_shared>>) dst(%arg9 : memref<625x32xf32, #tpu.memory_space<vmem>>)
      tpu.yield
    }) : () -> ()
    %mul3A_135 = arith.constant 10000 : i32
    %mul3A_136 = arith.muli %arg0, %mul3A_135 : i32
    %mul3A_137 = arith.constant 625 : i32
    %mul3A_138 = arith.muli %arg1, %mul3A_137 : i32
    %add3A_139 = arith.addi %mul3A_136, %mul3A_138 : i32
    "tpu.region"() ({
      %run_scoped3A = tpu.sem_alloc : memref<!tpu.dma_semaphore, #tpu.memory_space<semaphore_mem>>
      %dma_start3A_140 = arith.constant 0 : i32
      %dma_start3A_141 = tpu.memref_slice %arg5[%add3A_139, %dma_start3A_140] : memref<20000x32xf32, #tpu.memory_space<hbm>> -> memref<625x32xf32, #tpu.memory_space<hbm>>
      %dma_start3A_142 = arith.constant 0 : i32
      %dma_start3A_143 = tpu.memref_slice %arg5[%add3A_139, %dma_start3A_142] : memref<20000x32xf32, #tpu.memory_space<hbm>> -> memref<625x32xf32, #tpu.memory_space<hbm>>
      tpu.enqueue_dma source(%arg9 : memref<625x32xf32, #tpu.memory_space<vmem>>) target(%dma_start3A_143 : memref<625x32xf32, #tpu.memory_space<hbm>>) target_semaphore(%run_scoped3A : memref<!tpu.dma_semaphore, #tpu.memory_space<semaphore_mem>>)
      %dma_wait3A = arith.constant 0 : i32
      %dma_wait3A_144 = tpu.memref_slice %arg5[%add3A_139, %dma_wait3A] : memref<20000x32xf32, #tpu.memory_space<hbm>> -> memref<625x32xf32, #tpu.memory_space<hbm>>
      %dma_wait3A_145 = arith.constant 0 : i32
      %dma_wait3A_146 = tpu.memref_slice %arg5[%add3A_139, %dma_wait3A_145] : memref<20000x32xf32, #tpu.memory_space<hbm>> -> memref<625x32xf32, #tpu.memory_space<hbm>>
      tpu.wait_dma2 semaphore(%run_scoped3A : memref<!tpu.dma_semaphore, #tpu.memory_space<semaphore_mem>>) src(%arg9 : memref<625x32xf32, #tpu.memory_space<vmem>>) dst(%dma_wait3A_146 : memref<625x32xf32, #tpu.memory_space<hbm>>)
      tpu.yield
    }) : () -> ()
    return
  }
}

module attributes {stable_mosaic.version = 14 : i64} {
  func.func @body(%arg0: i32, %arg1: memref<1000x256xf32, #tpu.memory_space<vmem>>, %arg2: memref<256x32xf32, #tpu.memory_space<vmem>>, %arg3: memref<1000x32xf32, #tpu.memory_space<vmem>>) attributes {dimension_semantics = [#tpu.dimension_semantics<arbitrary>], iteration_bounds = array<i64: 10>, scalar_prefetch = 0 : i64, scratch_operands = 0 : i64, tpu.core_type = #tpu.core_type<tc>, window_params = [{transform_indices = @transform_0, window_bounds = array<i64: 1000, 256>}, {pipeline_mode = #tpu.pipeline_mode<synchronous>, transform_indices = @transform_1, window_bounds = array<i64: 256, 32>}, {transform_indices = @transform_2, window_bounds = array<i64: 1000, 32>}]} {
    %get3A = arith.constant 0 : index
    %get3A_0 = arith.constant 0 : index
    %get3A_1 = vector.load %arg1[%get3A, %get3A_0] : memref<1000x256xf32, #tpu.memory_space<vmem>>, vector<1000x256xf32>
    %get3A_2 = arith.constant 0 : index
    %get3A_3 = arith.constant 0 : index
    %get3A_4 = vector.load %arg2[%get3A_2, %get3A_3] : memref<256x32xf32, #tpu.memory_space<vmem>>, vector<256x32xf32>
    %dot_general3A = arith.constant dense<0.000000e+00> : vector<1000x32xf32>
    %dot_general3A_5 = tpu.matmul %get3A_1, %get3A_4, %dot_general3A {dimension_numbers = #tpu.dot_dimension_numbers<[1], [0], [0], [1], [0, 0, 1, 1], [], []>, transpose_lhs_hint = false} : vector<1000x256xf32>, vector<256x32xf32>, vector<1000x32xf32> -> vector<1000x32xf32>
    %swap3A = arith.constant 0 : index
    %swap3A_6 = arith.constant 0 : index
    %swap3A_7 = vector.load %arg3[%swap3A, %swap3A_6] : memref<1000x32xf32, #tpu.memory_space<vmem>>, vector<1000x32xf32>
    tpu.vector_store %arg3[%swap3A, %swap3A_6], %dot_general3A_5 {strides = array<i32>} : memref<1000x32xf32, #tpu.memory_space<vmem>>, vector<1000x32xf32>,
    return
  }
  func.func @transform_0(%arg0: i32) -> (i32, i32) {
    %c0_i32 = arith.constant 0 : i32
    %c0_i32_0 = arith.constant 0 : i32
    return %arg0, %c0_i32 : i32, i32
  }
  func.func @transform_1(%arg0: i32) -> (i32, i32) {
    %c0_i32 = arith.constant 0 : i32
    %c0_i32_0 = arith.constant 0 : i32
    %c0_i32_1 = arith.constant 0 : i32
    return %c0_i32, %c0_i32_0 : i32, i32
  }
  func.func @transform_2(%arg0: i32) -> (i32, i32) {
    %c0_i32 = arith.constant 0 : i32
    %c0_i32_0 = arith.constant 0 : i32
    return %arg0, %c0_i32 : i32, i32
  }
}

module attributes {stable_mosaic.version = 14 : i64} {
  func.func @body(%arg0: i32, %arg1: memref<10000x32xf32, #tpu.memory_space<vmem>>, %arg2: memref<10000x8xf32, #tpu.memory_space<vmem>>, %arg3: memref<10000x8xf32, #tpu.memory_space<vmem>>, %arg4: memref<10000x32xf32, #tpu.memory_space<vmem>>) attributes {dimension_semantics = [#tpu.dimension_semantics<arbitrary>], iteration_bounds = array<i64: 1>, scalar_prefetch = 0 : i64, scratch_operands = 0 : i64, tpu.core_type = #tpu.core_type<tc>, window_params = [{pipeline_mode = #tpu.pipeline_mode<synchronous>, transform_indices = @transform_0, window_bounds = array<i64: 10000, 32>}, {transform_indices = @transform_1, window_bounds = array<i64: 10000, 8>}, {transform_indices = @transform_2, window_bounds = array<i64: 10000, 8>}, {pipeline_mode = #tpu.pipeline_mode<synchronous>, transform_indices = @transform_3, window_bounds = array<i64: 10000, 32>}]} {
    %iota3A = tpu.iota {dimensions = array<i32: 0>} : vector<10000x1xi32>
    %eq3A = arith.constant 0 : i32
    %eq3A_0 = vector.broadcast %eq3A : i32 to vector<10000x1xi32>
    %eq3A_1 = arith.cmpi eq, %iota3A, %eq3A_0 : vector<10000x1xi32>
    %convert_element_type3A = arith.extui %eq3A_1 : vector<10000x1xi1> to vector<10000x1xi32>
    %convert_element_type3A_2 = arith.sitofp %convert_element_type3A : vector<10000x1xi32> to vector<10000x1xf32>
    %get3A = arith.constant 0 : index
    %get3A_3 = arith.constant 0 : index
    %get3A_4 = vector.load %arg2[%get3A, %get3A_3] : memref<10000x8xf32, #tpu.memory_space<vmem>>, vector<10000x1xf32>
    %get3A_5 = vector.shape_cast %get3A_4 : vector<10000x1xf32> to vector<10000xf32>
    %get3A_6 = arith.constant 0 : index
    %get3A_7 = arith.constant 0 : index
    %get3A_8 = vector.load %arg3[%get3A_6, %get3A_7] : memref<10000x8xf32, #tpu.memory_space<vmem>>, vector<10000x1xf32>
    %get3A_9 = vector.shape_cast %get3A_8 : vector<10000x1xf32> to vector<10000xf32>
    %add3A = arith.addf %get3A_5, %get3A_9 : vector<10000xf32>
    %add3A_10 = arith.constant 1.000000e+00 : f32
    %add3A_11 = vector.broadcast %add3A_10 : f32 to vector<10000xf32>
    %add3A_12 = arith.addf %add3A, %add3A_11 : vector<10000xf32>
    %squeeze3A = vector.shape_cast %convert_element_type3A_2 : vector<10000x1xf32> to vector<10000xf32>
    %mul3A = arith.constant 3.840000e+03 : f32
    %mul3A_13 = vector.broadcast %mul3A : f32 to vector<10000xf32>
    %mul3A_14 = arith.mulf %squeeze3A, %mul3A_13 : vector<10000xf32>
    %sub3A = arith.subf %add3A_12, %mul3A_14 : vector<10000xf32>
    %get3A_15 = arith.constant 0 : index
    %get3A_16 = arith.constant 0 : index
    %get3A_17 = vector.load %arg1[%get3A_15, %get3A_16] : memref<10000x32xf32, #tpu.memory_space<vmem>>, vector<10000x32xf32>
    %rsqrt3A = math.rsqrt %sub3A : vector<10000xf32>
    %broadcast_in_dim3A = vector.shape_cast %rsqrt3A : vector<10000xf32> to vector<10000x1xf32>
    %mul3A_18 = vector.broadcast %broadcast_in_dim3A : vector<10000x1xf32> to vector<10000x32xf32>
    %mul3A_19 = arith.mulf %get3A_17, %mul3A_18 : vector<10000x32xf32>
    %swap3A = arith.constant 0 : index
    %swap3A_20 = arith.constant 0 : index
    %swap3A_21 = vector.load %arg4[%swap3A, %swap3A_20] : memref<10000x32xf32, #tpu.memory_space<vmem>>, vector<10000x32xf32>
    tpu.vector_store %arg4[%swap3A, %swap3A_20], %mul3A_19 {strides = array<i32>} : memref<10000x32xf32, #tpu.memory_space<vmem>>, vector<10000x32xf32>,
    return
  }
  func.func @transform_0(%arg0: i32) -> (i32, i32) {
    %c0_i32 = arith.constant 0 : i32
    %c0_i32_0 = arith.constant 0 : i32
    %c0_i32_1 = arith.constant 0 : i32
    return %c0_i32, %c0_i32_0 : i32, i32
  }
  func.func @transform_1(%arg0: i32) -> (i32, i32) {
    %c0_i32 = arith.constant 0 : i32
    %c0_i32_0 = arith.constant 0 : i32
    %c0_i32_1 = arith.constant 0 : i32
    return %c0_i32, %c0_i32_0 : i32, i32
  }
  func.func @transform_2(%arg0: i32) -> (i32, i32) {
    %c1_i32 = arith.constant 1 : i32
    %c0_i32 = arith.constant 0 : i32
    %c0_i32_0 = arith.constant 0 : i32
    return %c1_i32, %c0_i32 : i32, i32
  }
  func.func @transform_3(%arg0: i32) -> (i32, i32) {
    %c0_i32 = arith.constant 0 : i32
    %c0_i32_0 = arith.constant 0 : i32
    %c0_i32_1 = arith.constant 0 : i32
    return %c0_i32, %c0_i32_0 : i32, i32
  }
}

module attributes {stable_mosaic.version = 14 : i64} {
  func.func @body(%arg0: i32, %arg1: memref<10000x32xf32, #tpu.memory_space<vmem>>, %arg2: memref<10000x32xf32, #tpu.memory_space<vmem>>, %arg3: memref<10000x32xf32, #tpu.memory_space<vmem>>, %arg4: memref<10000x8xf32, #tpu.memory_space<vmem>>, %arg5: memref<10000x8xf32, #tpu.memory_space<vmem>>, %arg6: memref<1x16xf32, #tpu.memory_space<vmem>>, %arg7: memref<1x16xf32, #tpu.memory_space<vmem>>, %arg8: memref<10000x16xf32, #tpu.memory_space<vmem>>, %arg9: memref<10000x16xf32, #tpu.memory_space<vmem>>) attributes {dimension_semantics = [#tpu.dimension_semantics<arbitrary>], iteration_bounds = array<i64: 1>, scalar_prefetch = 0 : i64, scratch_operands = 0 : i64, tpu.core_type = #tpu.core_type<tc>, window_params = [{transform_indices = @transform_0, window_bounds = array<i64: 10000, 32>}, {transform_indices = @transform_1, window_bounds = array<i64: 10000, 32>}, {pipeline_mode = #tpu.pipeline_mode<synchronous>, transform_indices = @transform_2, window_bounds = array<i64: 10000, 32>}, {transform_indices = @transform_3, window_bounds = array<i64: 10000, 8>}, {transform_indices = @transform_4, window_bounds = array<i64: 10000, 8>}, {pipeline_mode = #tpu.pipeline_mode<synchronous>, transform_indices = @transform_5, window_bounds = array<i64: 1, 16>}, {pipeline_mode = #tpu.pipeline_mode<synchronous>, transform_indices = @transform_6, window_bounds = array<i64: 1, 16>}, {pipeline_mode = #tpu.pipeline_mode<synchronous>, transform_indices = @transform_7, window_bounds = array<i64: 10000, 16>}, {pipeline_mode = #tpu.pipeline_mode<synchronous>, transform_indices = @transform_8, window_bounds = array<i64: 10000, 16>}]} {
    %iota3A = tpu.iota {dimensions = array<i32: 0>} : vector<10000x1xi32>
    %eq3A = arith.constant 0 : i32
    %eq3A_0 = vector.broadcast %eq3A : i32 to vector<10000x1xi32>
    %eq3A_1 = arith.cmpi eq, %iota3A, %eq3A_0 : vector<10000x1xi32>
    %convert_element_type3A = arith.extui %eq3A_1 : vector<10000x1xi1> to vector<10000x1xi32>
    %convert_element_type3A_2 = arith.sitofp %convert_element_type3A : vector<10000x1xi32> to vector<10000x1xf32>
    %get3A = arith.constant 0 : index
    %get3A_3 = arith.constant 0 : index
    %get3A_4 = vector.load %arg4[%get3A, %get3A_3] : memref<10000x8xf32, #tpu.memory_space<vmem>>, vector<10000x1xf32>
    %get3A_5 = vector.shape_cast %get3A_4 : vector<10000x1xf32> to vector<10000xf32>
    %get3A_6 = arith.constant 0 : index
    %get3A_7 = arith.constant 0 : index
    %get3A_8 = vector.load %arg5[%get3A_6, %get3A_7] : memref<10000x8xf32, #tpu.memory_space<vmem>>, vector<10000x1xf32>
    %get3A_9 = vector.shape_cast %get3A_8 : vector<10000x1xf32> to vector<10000xf32>
    %add3A = arith.addf %get3A_5, %get3A_9 : vector<10000xf32>
    %add3A_10 = arith.constant 1.000000e+00 : f32
    %add3A_11 = vector.broadcast %add3A_10 : f32 to vector<10000xf32>
    %add3A_12 = arith.addf %add3A, %add3A_11 : vector<10000xf32>
    %squeeze3A = vector.shape_cast %convert_element_type3A_2 : vector<10000x1xf32> to vector<10000xf32>
    %mul3A = arith.constant 3.840000e+03 : f32
    %mul3A_13 = vector.broadcast %mul3A : f32 to vector<10000xf32>
    %mul3A_14 = arith.mulf %squeeze3A, %mul3A_13 : vector<10000xf32>
    %sub3A = arith.subf %add3A_12, %mul3A_14 : vector<10000xf32>
    %rsqrt3A = math.rsqrt %sub3A : vector<10000xf32>
    %get3A_15 = arith.constant 0 : index
    %get3A_16 = arith.constant 0 : index
    %get3A_17 = vector.load %arg3[%get3A_15, %get3A_16] : memref<10000x32xf32, #tpu.memory_space<vmem>>, vector<10000x32xf32>
    %get3A_18 = arith.constant 0 : index
    %get3A_19 = arith.constant 0 : index
    %get3A_20 = vector.load %arg1[%get3A_18, %get3A_19] : memref<10000x32xf32, #tpu.memory_space<vmem>>, vector<10000x32xf32>
    %get3A_21 = arith.constant 0 : index
    %get3A_22 = arith.constant 0 : index
    %get3A_23 = vector.load %arg2[%get3A_21, %get3A_22] : memref<10000x32xf32, #tpu.memory_space<vmem>>, vector<10000x32xf32>
    %add3A_24 = arith.addf %get3A_20, %get3A_23 : vector<10000x32xf32>
    %add3A_25 = arith.addf %add3A_24, %get3A_17 : vector<10000x32xf32>
    %slice3A = vector.extract_strided_slice %get3A_17 {offsets = [0, 0], sizes = [1, 32], strides = [1, 1]} : vector<10000x32xf32> to vector<1x32xf32>
    %mul3A_26 = arith.constant 3.840000e+03 : f32
    %mul3A_27 = vector.broadcast %mul3A_26 : f32 to vector<1x32xf32>
    %mul3A_28 = arith.mulf %mul3A_27, %slice3A : vector<1x32xf32>
    %mul3A_29 = vector.broadcast %convert_element_type3A_2 : vector<10000x1xf32> to vector<10000x32xf32>
    %mul3A_30 = vector.broadcast %mul3A_28 : vector<1x32xf32> to vector<10000x32xf32>
    %mul3A_31 = arith.mulf %mul3A_29, %mul3A_30 : vector<10000x32xf32>
    %sub3A_32 = arith.subf %add3A_25, %mul3A_31 : vector<10000x32xf32>
    %broadcast_in_dim3A = vector.shape_cast %rsqrt3A : vector<10000xf32> to vector<10000x1xf32>
    %mul3A_33 = vector.broadcast %broadcast_in_dim3A : vector<10000x1xf32> to vector<10000x32xf32>
    %mul3A_34 = arith.mulf %sub3A_32, %mul3A_33 : vector<10000x32xf32>
    %slice3A_35 = vector.extract_strided_slice %mul3A_34 {offsets = [0, 0], sizes = [10000, 16], strides = [1, 1]} : vector<10000x32xf32> to vector<10000x16xf32>
    %get3A_36 = arith.constant 0 : index
    %get3A_37 = arith.constant 0 : index
    %get3A_38 = vector.load %arg6[%get3A_36, %get3A_37] : memref<1x16xf32, #tpu.memory_space<vmem>>, vector<1x16xf32>
    %add3A_39 = vector.broadcast %get3A_38 : vector<1x16xf32> to vector<10000x16xf32>
    %add3A_40 = arith.addf %slice3A_35, %add3A_39 : vector<10000x16xf32>
    %swap3A = arith.constant 0 : index
    %swap3A_41 = arith.constant 0 : index
    %swap3A_42 = vector.load %arg8[%swap3A, %swap3A_41] : memref<10000x16xf32, #tpu.memory_space<vmem>>, vector<10000x16xf32>
    tpu.vector_store %arg8[%swap3A, %swap3A_41], %add3A_40 {strides = array<i32>} : memref<10000x16xf32, #tpu.memory_space<vmem>>, vector<10000x16xf32>,
    %slice3A_43 = vector.extract_strided_slice %mul3A_34 {offsets = [0, 16], sizes = [10000, 16], strides = [1, 1]} : vector<10000x32xf32> to vector<10000x16xf32>
    %get3A_44 = arith.constant 0 : index
    %get3A_45 = arith.constant 0 : index
    %get3A_46 = vector.load %arg7[%get3A_44, %get3A_45] : memref<1x16xf32, #tpu.memory_space<vmem>>, vector<1x16xf32>
    %add3A_47 = vector.broadcast %get3A_46 : vector<1x16xf32> to vector<10000x16xf32>
    %add3A_48 = arith.addf %slice3A_43, %add3A_47 : vector<10000x16xf32>
    %swap3A_49 = arith.constant 0 : index
    %swap3A_50 = arith.constant 0 : index
    %swap3A_51 = vector.load %arg9[%swap3A_49, %swap3A_50] : memref<10000x16xf32, #tpu.memory_space<vmem>>, vector<10000x16xf32>
    tpu.vector_store %arg9[%swap3A_49, %swap3A_50], %add3A_48 {strides = array<i32>} : memref<10000x16xf32, #tpu.memory_space<vmem>>, vector<10000x16xf32>,
    return
  }
  func.func @transform_0(%arg0: i32) -> (i32, i32) {
    %c0_i32 = arith.constant 0 : i32
    %c0_i32_0 = arith.constant 0 : i32
    %c0_i32_1 = arith.constant 0 : i32
    return %c0_i32, %c0_i32_0 : i32, i32
  }
  func.func @transform_1(%arg0: i32) -> (i32, i32) {
    %c1_i32 = arith.constant 1 : i32
    %c0_i32 = arith.constant 0 : i32
    %c0_i32_0 = arith.constant 0 : i32
    return %c1_i32, %c0_i32 : i32, i32
  }
  func.func @transform_2(%arg0: i32) -> (i32, i32) {
    %c0_i32 = arith.constant 0 : i32
    %c0_i32_0 = arith.constant 0 : i32
    %c0_i32_1 = arith.constant 0 : i32
    return %c0_i32, %c0_i32_0 : i32, i32
  }
  func.func @transform_3(%arg0: i32) -> (i32, i32) {
    %c0_i32 = arith.constant 0 : i32
    %c0_i32_0 = arith.constant 0 : i32
    %c0_i32_1 = arith.constant 0 : i32
    return %c0_i32, %c0_i32_0 : i32, i32
  }
  func.func @transform_4(%arg0: i32) -> (i32, i32) {
    %c1_i32 = arith.constant 1 : i32
    %c0_i32 = arith.constant 0 : i32
    %c0_i32_0 = arith.constant 0 : i32
    return %c1_i32, %c0_i32 : i32, i32
  }
  func.func @transform_5(%arg0: i32) -> (i32, i32) {
    %c0_i32 = arith.constant 0 : i32
    %c0_i32_0 = arith.constant 0 : i32
    %c0_i32_1 = arith.constant 0 : i32
    return %c0_i32, %c0_i32_0 : i32, i32
  }
  func.func @transform_6(%arg0: i32) -> (i32, i32) {
    %c0_i32 = arith.constant 0 : i32
    %c0_i32_0 = arith.constant 0 : i32
    %c0_i32_1 = arith.constant 0 : i32
    return %c0_i32, %c0_i32_0 : i32, i32
  }
  func.func @transform_7(%arg0: i32) -> (i32, i32) {
    %c0_i32 = arith.constant 0 : i32
    %c0_i32_0 = arith.constant 0 : i32
    %c0_i32_1 = arith.constant 0 : i32
    return %c0_i32, %c0_i32_0 : i32, i32
  }
  func.func @transform_8(%arg0: i32) -> (i32, i32) {
    %c0_i32 = arith.constant 0 : i32
    %c0_i32_0 = arith.constant 0 : i32
    %c0_i32_1 = arith.constant 0 : i32
    return %c0_i32, %c0_i32_0 : i32, i32
  }
}

</mosaic_0001>

<sc_bundles>
// kernel: kernel.10.cloned.1.call-start
scs
__scs_entry_jumppad:
0x0: {  	(pc) =	sbr.rel $0x88, $3  }
0x1: {  	(tag) =	ssettag $0x0;
	lr =	simm.s32 $0x1  }
0x2: {  	[smem:$0x3F9B] =	sst lr;
	_ =	strace $0xD0000000  }
0x3: {  	_ = 	snop  }
0x4: {  	_ = 	snop  }
0x5: {  	_ = 	snop  }
0x6: {  	_ = 	snop  }
0x7: {  	_ = 	snop  }
__scs_overlays_trampoline_lowered:
0x8: {  	[smem:$0x3FAA] =	sst s0  }
0x9: {  	[smem:$0x3FAB] =	sst s1  }
0xa: {  	[smem:$0x3FAC] =	sst s2  }
0xb: {  	[smem:$0x3FAD] =	sst s3  }
0xc: {  	[smem:$0x3FAE] =	sst s4  }
0xd: {  	[smem:$0x3FAF] =	sst s5  }
0xe: {  	[smem:$0x3FB0] =	sst s6  }
0xf: {  	[smem:$0x3FB1] =	sst s7  }
0x10: {  	[smem:$0x3FB2] =	sst s8  }
0x11: {  	[smem:$0x3FB3] =	sst s9;
	s0 =	simm.s32 @!p0 $0x0  }
0x12: {  	s1 =	sld [smem:$0x3F99];
	s0 =	simm.s32 @p0 $0x1  }
0x13: {  	[smem:$0x3FB4] =	sst s0;
	s0 =	simm.s32 @!p1 $0x0  }
0x14: {  	s2 =	sld [smem:$0x3F98];
	s0 =	simm.s32 @p1 $0x1  }
0x15: {  	[smem:$0x3FB5] =	sst s0;
	s0 =	simm.s32 @!p2 $0x0  }
0x16: {  	s3 =	sld [smem:$0x3FDB];
	s0 =	simm.s32 @p2 $0x1  }
0x17: {  	s4 =	simm.s32 $0x1BF5;
	[smem:$0x3FB7] =	sst s0  }
0x18: {  	s0 =	sld [smem:$0x3F9A];
	_ =	swait.ge [sflag:s4], $0x0  }
0x19: {  	s7 =	sld [smem:$0x3F9B]  }
0x1a: {  	s8 =	sadd.s32 $0xFFFFE003, lr  }
0x1b: {  	s9 =	sadd.s32 $0xFFFFFEF7, lr;
	s5 =	simm.s32 $0xFFFFFFFF;
	p2 =	slt.u32 s8, $0xFFFFF086  }
0x1c: {  	p1 =	slt.u32 s9, $0xF7A;
	s5 =	simm.s32 @!p2 $0x0  }
0x1d: {  	s5 =	simm.s32 @p1 $0x1;
	p0 =	seq.s32 s7, s2  }
0x1e: {  	s7 =	smul.u32 @!p0 $0xF7A, s2;
	p2 =	seq.s32 @!p0 s5, $0x0  }
0x1f: {  	s9 =	smul.u32 $0xF7A, s1;
	s8 =	simm.s32 @!p0 $0x1BF5;
	p2 =	por !p2, p0  }
0x20: {  	[sflag:s8] =	ssyncset.s32 @!p0 $0xFFFFF086;
	s6 =	sadd.s32 @!p0 s3, s7;
	s7 =	simm.s32 @!p0 $0x108  }
0x21: {  	s3 =	sadd.s32 s3, s9;
	s6 =	sadd.s32 @!p0 $0x88, s6;
	s7 =	simm.s32 @p2 $0x1082  }
0x22: {  	[simem:s7], [sflag:s8] =	dma.local @!p0 [hbm:s6], $0xF7A  }
0x23: {  	s9 =	sor.u32 $0xD0000000, s2;
	s6 =	simm.s32 $0x108;
	_ =	swait.ge @!p0 [sflag:s8], $0x0  }
0x24: {  	s3 =	sadd.s32 $0x88, s3;
	s6 =	simm.s32 @!p1 $0x1082;
	[sflag:s4] =	ssyncset.s32 $0xFFFFF086  }
0x25: {  	[simem:s6], [sflag:s4] =	dma.local [hbm:s3], $0xF7A  }
0x26: {  	[smem:$0x3F9B] =	sst s1;
	(tag) =	ssettag s2;
	_ =	strace s9  }
0x27: {  	s1 =	sld [smem:$0x3FAB]  }
0x28: {  	s2 =	sld [smem:$0x3FAC]  }
0x29: {  	s4 =	sld [smem:$0x3FAE]  }
0x2a: {  	p0 =	seq.s32 s5, $0x0;
	s5 =	sld [smem:$0x3FAF]  }
0x2b: {  	s6 =	sld [smem:$0x3FB0]  }
0x2c: {  	s7 =	sld [smem:$0x3FB1]  }
0x2d: {  	s3 =	simm.s32 $0x108;
	s8 =	sld [smem:$0x3FB2]  }
0x2e: {  	s3 =	simm.s32 @!p0 $0x1082;
	s9 =	sld [smem:$0x3FB3]  }
0x2f: {  	lr =	sadd.s32 s0, s3;
	s0 =	sld [smem:$0x3FAA]  }
0x30: {  	s3 =	sld [smem:$0x3FAD]  }
0x31: {  	[smem:$0x3FB6] =	sst s10  }
0x32: {  	s10 =	sld [smem:$0x3FB4];
	_ =	sdelay $0x3  }
0x33: {  	p0 =	seq.s32 s10, $0x1;
	s10 =	sld [smem:$0x3FB6];
	_ =	sdelay $0x3  }
0x34: {  	[smem:$0x3FB6] =	sst s10  }
0x35: {  	s10 =	sld [smem:$0x3FB5];
	_ =	sdelay $0x3  }
0x36: {  	p1 =	seq.s32 s10, $0x1;
	s10 =	sld [smem:$0x3FB6];
	_ =	sdelay $0x3  }
0x37: {  	[smem:$0x3FB6] =	sst s10  }
0x38: {  	s10 =	sld [smem:$0x3FB7]  }
0x39: {  	_ = 	snop;
	(pc) =	sbr.ind lr, $3  }
0x3a: {  	_ = 	snop  }
0x3b: {  	_ = 	snop  }
0x3c: {  	p2 =	seq.s32 s10, $0x1;
	s10 =	sld [smem:$0x3FB6]  }
0x3d: {  	_ =	shalt  }
0x3e: {  	_ =	shalt  }
0x3f: {  	_ =	shalt  }
0x40: {  	_ =	shalt  }
0x41: {  	_ =	shalt  }
0x42: {  	_ =	shalt  }
0x43: {  	_ =	shalt  }
0x44: {  	_ =	shalt  }
0x45: {  	_ =	shalt  }
0x46: {  	_ =	shalt  }
0x47: {  	_ =	shalt  }
0x48: {  	_ =	shalt  }
0x49: {  	_ =	shalt  }
0x4a: {  	_ =	shalt  }
0x4b: {  	_ =	shalt  }
0x4c: {  	_ =	shalt  }
0x4d: {  	_ =	shalt  }
0x4e: {  	_ =	shalt  }
0x4f: {  	_ =	shalt  }
0x50: {  	_ =	shalt  }
0x51: {  	_ =	shalt  }
0x52: {  	_ =	shalt  }
0x53: {  	_ =	shalt  }
0x54: {  	_ =	shalt  }
0x55: {  	_ =	shalt  }
0x56: {  	_ =	shalt  }
0x57: {  	_ =	shalt  }
0x58: {  	_ =	shalt  }
0x59: {  	_ =	shalt  }
0x5a: {  	_ =	shalt  }
0x5b: {  	_ =	shalt  }
0x5c: {  	_ =	shalt  }
0x5d: {  	_ =	shalt  }
0x5e: {  	_ =	shalt  }
0x5f: {  	_ =	shalt  }
0x60: {  	_ =	shalt  }
0x61: {  	_ =	shalt  }
0x62: {  	_ =	shalt  }
0x63: {  	_ =	shalt  }
0x64: {  	_ =	shalt  }
0x65: {  	_ =	shalt  }
0x66: {  	_ =	shalt  }
0x67: {  	_ =	shalt  }
0x68: {  	_ =	shalt  }
0x69: {  	_ =	shalt  }
0x6a: {  	_ =	shalt  }
0x6b: {  	_ =	shalt  }
0x6c: {  	_ =	shalt  }
0x6d: {  	_ =	shalt  }
0x6e: {  	_ =	shalt  }
0x6f: {  	_ =	shalt  }
0x70: {  	_ =	shalt  }
0x71: {  	_ =	shalt  }
0x72: {  	_ =	shalt  }
0x73: {  	_ =	shalt  }
0x74: {  	_ =	shalt  }
0x75: {  	_ =	shalt  }
0x76: {  	_ =	shalt  }
0x77: {  	_ =	shalt  }
0x78: {  	_ =	shalt  }
0x79: {  	_ =	shalt  }
0x7a: {  	_ =	shalt  }
0x7b: {  	_ =	shalt  }
0x7c: {  	_ =	shalt  }
0x7d: {  	_ =	shalt  }
0x7e: {  	_ =	shalt  }
0x7f: {  	_ =	shalt  }
0x80: {  	_ =	shalt  }
0x81: {  	_ =	shalt  }
0x82: {  	_ =	shalt  }
0x83: {  	_ =	shalt  }
0x84: {  	_ =	shalt  }
0x85: {  	_ =	shalt  }
0x86: {  	_ =	shalt  }
0x87: {  	_ =	shalt  }
.Lfunc_end0:
.L_simem_size_0:
called_computation.1_lowered:
.L_overlay_start_0:
0x88: {  	s2 =	sld [smem:$0x3FD9]  }
0x89: {  	s3 =	sld [smem:$0x3FFE];
	_ =	sdelay $0x1  }
0x8a: {  	s1 =	srdreg.scid  }
0x8b: {  	s0 =	sand.u32 $0x1, s1  }
0x8c: {  	s16 =	sshll.u32 s0, $0xA;
	s2 =	sadd.s32 s3, s2  }
0x8d: {  	s2 =	sadd.s32 s2, s16  }
0x8e: {  	[smem:$0x3FC2] =	sst s2  }
0x8f: {  	_ = 	snop  }
0x90: {  	(tm) =	ssettm $0x1  }
0x91: {  	s17 =	sld [smem:$0x3FFB];
	_ =	sdelay $0x3  }
0x92: {  	_ =	strace s17  }
0x93: {  	s2 =	sld [smem:$0x3FFC];
	_ =	sdelay $0x3  }
0x94: {  	_ =	strace s2  }
0x95: {  	s2 =	sld [smem:$0x3FFD];
	_ =	sdelay $0x3  }
0x96: {  	_ =	strace s2  }
0x97: {  	_ =	strace $0x8FFFFFFF  }
0x98: {  	s18 =	sld [smem:$0x3FDB];
	_ =	sdelay $0x1  }
0x99: {  	s19 =	simm.s32 $_scs_section_size  }
0x9a: {  	s4 =	simm.s32 $_size__tile_overlayer_lowered;
	s5 =	simm.s32 $_tile_overlayer_lowered  }
0x9b: {  	s22 =	simm.s32 $0x1BFF;
	s21 =	sshll.u32 s5, $0x1;
	s2 =	sadd.s32 s19, s18  }
0x9c: {  	s6 =	simm.s32 $0x0;
	s20 =	sshll.u32 s4, $0x1;
	s4 =	sadd.s32 s21, s2  }
0x9d: {  	[timem:s6], [sflag:s22] =	dma.local [hbm:s4], s20  }
0x9e: {  	_ =	swait.ge [sflag:s22], s20  }
0x9f: {  	s3 =	ssub.s32 $0x0, s20;
	[sflag:s22] =	ssyncset.done $0x0  }
0xa0: {  	[sflag:s22] =	ssyncadd.s32 s3;
	_ =	sdelay $0x1  }
0xa1: {  	s23 =	simm.s32 $0x1B8B  }
0xa2: {  	_ =	swait.ge [sflag:s23], $0x1  }
0xa3: {  	[sflag:s23] =	ssyncset.done $0x0  }
0xa4: {  	s25 =	simm.s32 $0x1B8E;
	s24 =	sld [smem:$0x3FFE];
	[sflag:s23] =	ssyncadd.s32 $0xFFFFFFFF  }
0xa5: {  	s26 =	simm.s32 $execute0_lowered;
	[smem:$0x3FD2] =	sst s25  }
0xa6: {  	s4 =	sshll.u32 s26, $0x1;
	_ =	strace $0x80000049;
	[dreg:$0x1] =	wrdreg $0xFFFFFFFF  }
0xa7: {  	s28 =	simm.s32 $_size_execute0_lowered;
	s2 =	sadd.s32 s2, s4;
	[dreg:$0x0] =	wrdreg $0x0  }
0xa8: {  	s4 =	sshll.u32 s28, $0x1;
	[dreg:$0x2] =	wrdreg s2  }
0xa9: {  	[dreg:$0x3] =	wrdreg s4  }
0xaa: {  	[dreg:$0x4] =	wrdreg $0xC0  }
0xab: {  	_ =	task [dreg:s6], $0x5FFFF  }
0xac: {  	[dreg:$0x1] =	wrdreg $0xFFFFFFFF  }
0xad: {  	[dreg:$0x0] =	wrdreg $0x60  }
0xae: {  	[dreg:$0x2] =	wrdreg s24  }
0xaf: {  	[dreg:$0x3] =	wrdreg $0x146200  }
0xb0: {  	[dreg:$0x4] =	wrdreg $0xF6200  }
0xb1: {  	[dreg:$0x5] =	wrdreg $0x9  }
0xb2: {  	_ =	task.clear_ibuf [dreg:s6], $0x6FFFF;
	_ =	strace $0x90000049  }
0xb3: {  	s29 =	simm.s32 $0x9;
	_ =	strace $0x8000004B  }
0xb4: {  	_ =	swait.ge [sflag:s29], $0x1  }
0xb5: {  	[sflag:s29] =	ssyncadd.s32 $0xFFFFFFFF  }
0xb6: {  	_ =	strace $0x9000004B  }
0xb7: {  	_ =	sfence  }
0xb8: {  	s30 =	sld [smem:$0x0];
	_ =	sdelay $0x2  }
0xb9: {  	s31 =	sshll.u32 s1, $0xD;
	s1 =	sshrl.u32 s1, $0x2  }
0xba: {  	s3 =	sand.u32 $0x4000, s31;
	s1 =	sadd.s32 s1, s30  }
0xbb: {  	s0 =	sor.u32 s3, s0;
	s1 =	sshll.u32 s1, $0x11  }
0xbc: {  	s0 =	sor.u32 s1, s0  }
0xbd: {  	s0 =	sadd.s32 $0x8F2B, s0  }
0xbe: {  	[sflag:s0] =	ssyncadd.remote.s32 $0x1  }
0xbf: {  	_ =	sfence.sel $0xFFFF  }
0xc0: {  	[dreg:$0x0] =	wrdreg $0xFFFFFFFF;
	(pc) =	sbr.abs _section_cstart, $3  }
0xc1: {  	[dreg:$0x1] =	wrdreg $0xFFFFFFFF  }
0xc2: {  	_ =	task.clear_ibuf [dreg:s6], $0x2FFFF;
	_ =	strace $0x9FFFFFFF  }
0xc3: {  	(tm) =	ssettm $0x7FFFFFFF  }
tec
execute0_lowered:
.L_overlay_start_1:
0x0: {  	(tag) =	ssettag $0x1  }
0x1: {  	s0 =	srdreg.scid;
	s1 =	rddreg [dreg:$0x0]  }
0x2: {  	s9 =	stileid.u32;
	s2 =	rddreg [dreg:$0x1];
	s10 =	simm.s32 $0x0  }
0x3: {  	s17 =	simm.s32 $0xA800;
	s18 =	simm.s32 $0x9;
	s29 =	simm.s32 $0x6800  }
0x4: {  	s28 =	simm.s32 $0x7;
	s30 =	simm.s32 $0x8;
	s5 =	smul.u32 $0x4E20, s9  }
0x5: {  	s31 =	simm.s32 $0x0;
	s0 =	sand.u32 $0x1, s0;
	s6 =	smul.u32 $0x9C4, s9  }
0x6: {  	s3 =	sshll.u32 s9, $0x1;
	[smem:$0x7FF] =	sst s10;
	s9 =	smul.u32 $0x14000, s9  }
0x7: {  	s4 =	sor.u32 s0, s3;
	s3 =	rddreg [dreg:$0x2];
	s7 =	smul.u32 $0x9C40, s0  }
0x8: {  	_ =	strace $0x8000004A;
	s0 =	ssub.s32 $0x2, s0;
	s4 =	smul.u32 $0x280, s4  }
0x9: {  	s8 =	sshrl.u32 s5, $0x3;
	s19 =	sshrl.u32 s0, $0x1;
	s20 =	sshrl.u32 s9, $0x2  }
0xa: {  	s22 =	sadd.s32 s5, s2;
	s14 =	sadd.s32 s5, s3;
	s8 =	sadd.s32 s8, s1  }
0xb: {  	s6 =	sadd.s32 s6, s7;
	s0 =	ssub.s32 s0, s19;
	[dreg:$0x5] =	wrdreg s22  }
0xc: {  	s7 =	sadd.s32 s20, s3;
	s4 =	sadd.s32 s4, s1;
	s21 =	sadd.s32 $0x81000, s8  }
0xd: {  	s1 =	sadd.s32 s6, s1;
	s6 =	sadd.s32 $0x1000, s7;
	[dreg:$0x4] =	wrdreg s21  }
0xe: {  	s20 =	simm.s32 $0x80;
	s23 =	sadd.s32 $0x2000, s7;
	[dreg:$0x6] =	wrdreg s6  }
0xf: {  	s22 =	simm.s32 $0x9800;
	s24 =	sadd.s32 $0x3000, s7;
	[dreg:$0x7] =	wrdreg s23  }
.Ltmp0:
0x10: {  	s25 =	sadd.s32 $0x4000, s7;
	[dreg:$0x8] =	wrdreg s24;
	(pc) =	sbr.rel .LBB2_1-.Ltmp0, $4  }
0x11: {  	s16 =	smax.u32 s0, $0x1;
	s0 =	simm.s32 $0x8800;
	[dreg:$0x9] =	wrdreg s25  }
0x12: {  	s26 =	sadd.s32 $0x6C00, s4;
	s13 =	sadd.s32 $0x1C00, s4;
	s15 =	sadd.s32 $0x8AE00, s1  }
0x13: {  	s21 =	simm.s32 $0x2800;
	s24 =	simm.s32 $0x4800;
	s23 =	simm.s32 $0x1  }
0x14: {  	v0 =	vimm.f32 $0.0e+00;
	s25 =	simm.s32 $0x3;
	[dreg:$0xa] =	wrdreg s26;
	s26 =	simm.s32 $0x5  }
.LBB2_6:
0x15: {  	_ =	swait.ge [sflag:s30], $0x1000  }
0x16: {  	[sflag:s30] =	ssyncset.done $0x0  }
0x17: {  	[sflag:s30] =	ssyncadd.s32 $0xFFFFF000  }
0x18: {  	[spmem:s3] =	stream.indirect.scatter.add.f32 [tilespmem:s22], [sflag:$0x9], $0x20, s4, s20, $0xb8;
	[tilespmem:$0x19440] =	vst v63  }
0x19: {  	_ =	swait.ge [sflag:s18], $0x1000  }
0x1a: {  	[sflag:s18] =	ssyncset.done $0x0  }
0x1b: {  	[sflag:s18] =	ssyncadd.s32 $0xFFFFF000  }
0x1c: {  	[bflag:$0x0] =	sbarrier.arrive $0xFFFF  }
0x1d: {  	[tilespmem:s17], [sflag:$0x9] =	stream.linear.gather [spmem:s14], $0x4E20, $0x38;
	[tilespmem:$0x19440] =	vst v63  }
0x1e: {  	s31 =	sadd.s32 $0x1, s31;
	_ =	swait.ge [sflag:s18], $0x4E20  }
0x1f: {  	p0 =	sne.s32 s31, s16;
	[sflag:s18] =	ssyncset.done $0x0  }
.Ltmp1:
0x20: {  	s10 =	simm.s32 $0x0;
	[sflag:s18] =	ssyncadd.s32 $0xFFFFB1E0;
	(pc) =	sbr.rel @!p0 .LBB2_7-.Ltmp1, $4  }
0x21: {  	[hbm4b:s15+s10] =	stream.linear.scatter [tilespmem:s17], [sflag:$0x9], $0x4E20, $0x38;
	[tilespmem:$0x19440] =	vst v63  }
0x22: {  	_ =	swait.ge [sflag:s18], $0x4E20  }
0x23: {  	[sflag:s18] =	ssyncset.done $0x0  }
0x24: {  	[sflag:s18] =	ssyncadd.s32 $0xFFFFB1E0  }
.LBB2_1:
0x25: {  	s1 =	rddreg [dreg:$0x4]  }
0x26: {  	[tilespmem:s17], [sflag:$0x9] =	stream.linear.gather [hbm4b:s1+s10], $0x4E20, $0x38;
	[tilespmem:$0x19440] =	vst v63  }
0x27: {  	_ =	swait.ge [sflag:s18], $0x4E20  }
0x28: {  	[sflag:s18] =	ssyncset.done $0x0  }
0x29: {  	s19 =	rddreg [dreg:$0x5];
	[sflag:s18] =	ssyncadd.s32 $0xFFFFB1E0  }
0x2a: {  	[spmem:s19] =	stream.linear.scatter [tilespmem:s17], [sflag:$0x9], $0x4E20, $0x38;
	[tilespmem:$0x19440] =	vst v63  }
0x2b: {  	_ =	swait.ge [sflag:s18], $0x4E20  }
0x2c: {  	[sflag:s18] =	ssyncset.done $0x0  }
0x2d: {  	s4 =	simm.s32 $0x0;
	s1 =	simm.s32 $0x80;
	[sflag:s18] =	ssyncadd.s32 $0xFFFFB1E0  }
.LBB2_2:
0x2e: {  	p0 =	sne.s32 s1, $0x3F80;
	[tilespmem:s4+$0xA800] =	vst v0;
	s5 =	smov.u32 s1;
	s1 =	sadd.s32 $0x80, s1  }
.Ltmp2:
0x2f: {  	[tilespmem:s4+$0xA810] =	vst v0;
	(pc) =	sbr.rel @p0 .LBB2_2-.Ltmp2, $2  }
0x30: {  	_ =	sdelay $0x2  }
0x31: {  	s4 =	sshra.s32 s5, $0x2  }
0x32: {  	[tilespmem:s4+$0xA800] =	vst v0  }
0x33: {  	[tilespmem:s4+$0xA810] =	vst v0  }
0x34: {  	[spmem:s7] =	stream.linear.scatter [tilespmem:s17], [sflag:$0x9], $0x1000, $0x38;
	[tilespmem:$0x19440] =	vst v63  }
0x35: {  	_ =	swait.ge [sflag:s18], $0x1000  }
0x36: {  	[sflag:s18] =	ssyncset.done $0x0  }
0x37: {  	s1 =	rddreg [dreg:$0x6];
	[sflag:s18] =	ssyncadd.s32 $0xFFFFF000  }
0x38: {  	[spmem:s1] =	stream.linear.scatter [tilespmem:s17], [sflag:$0x9], $0x1000, $0x38;
	[tilespmem:$0x19440] =	vst v63  }
0x39: {  	_ =	swait.ge [sflag:s18], $0x1000  }
0x3a: {  	[sflag:s18] =	ssyncset.done $0x0  }
0x3b: {  	s9 =	rddreg [dreg:$0x7];
	[sflag:s18] =	ssyncadd.s32 $0xFFFFF000  }
0x3c: {  	[spmem:s9] =	stream.linear.scatter [tilespmem:s17], [sflag:$0x9], $0x1000, $0x38;
	[tilespmem:$0x19440] =	vst v63  }
0x3d: {  	_ =	swait.ge [sflag:s18], $0x1000  }
0x3e: {  	[sflag:s18] =	ssyncset.done $0x0  }
0x3f: {  	s10 =	rddreg [dreg:$0x8];
	[sflag:s18] =	ssyncadd.s32 $0xFFFFF000  }
0x40: {  	[spmem:s10] =	stream.linear.scatter [tilespmem:s17], [sflag:$0x9], $0x1000, $0x38;
	[tilespmem:$0x19440] =	vst v63  }
0x41: {  	_ =	swait.ge [sflag:s18], $0x1000  }
0x42: {  	[sflag:s18] =	ssyncset.done $0x0  }
0x43: {  	s11 =	rddreg [dreg:$0x9];
	[sflag:s18] =	ssyncadd.s32 $0xFFFFF000  }
0x44: {  	[spmem:s11] =	stream.linear.scatter [tilespmem:s17], [sflag:$0x9], $0x1000, $0x38;
	[tilespmem:$0x19440] =	vst v63  }
0x45: {  	_ =	swait.ge [sflag:s18], $0x1000  }
0x46: {  	[sflag:s18] =	ssyncset.done $0x0  }
0x47: {  	s1 =	simm.s32 $0x0;
	s12 =	rddreg [dreg:$0xa];
	[sflag:s18] =	ssyncadd.s32 $0xFFFFF000  }
0x48: {  	[tilespmem:s1], [sflag:$0x9] =	stream.linear.gather [hbm4b:s12+s1], $0x1400, $0x38;
	[tilespmem:$0x19440] =	vst v63  }
0x49: {  	_ =	swait.ge [sflag:s18], $0x1400  }
0x4a: {  	[sflag:s18] =	ssyncset.done $0x0  }
0x4b: {  	s19 =	simm.s32 $0x1400;
	[sflag:s18] =	ssyncadd.s32 $0xFFFFEC00  }
0x4c: {  	[tilespmem:s19], [sflag:$0x9] =	stream.linear.gather [hbm4b:s13+s1], $0x1400, $0x38;
	[tilespmem:$0x19440] =	vst v63  }
0x4d: {  	_ =	swait.ge [sflag:s18], $0x1400  }
0x4e: {  	[sflag:s18] =	ssyncset.done $0x0  }
0x4f: {  	[sflag:s18] =	ssyncadd.s32 $0xFFFFEC00  }
0x50: {  	[bflag:$0x0] =	sbarrier.arrive $0xFFFF  }
0x51: {  	[tilespmem:s21], [sflag:$0x1] =	stream.indirect.gather [spmem:s2], $0x20, s1, s20, $0xb8;
	[tilespmem:$0x19440] =	vst v63  }
0x52: {  	s5 =	simm.s32 $0x3800  }
0x53: {  	[tilespmem:s5], [sflag:$0x2] =	stream.indirect.gather [spmem:s2], $0x20, s20, s20, $0xb8;
	[tilespmem:$0x19440] =	vst v63  }
0x54: {  	s6 =	simm.s32 $0x100  }
0x55: {  	[tilespmem:s24], [sflag:$0x3] =	stream.indirect.gather [spmem:s2], $0x20, s6, s20, $0xb8;
	[tilespmem:$0x19440] =	vst v63  }
0x56: {  	s8 =	simm.s32 $0x180;
	s5 =	simm.s32 $0x5800  }
0x57: {  	[tilespmem:s5], [sflag:$0x4] =	stream.indirect.gather [spmem:s2], $0x20, s8, s20, $0xb8;
	[tilespmem:$0x19440] =	vst v63  }
0x58: {  	s9 =	simm.s32 $0x200  }
0x59: {  	[tilespmem:s29], [sflag:$0x5] =	stream.indirect.gather [spmem:s2], $0x20, s9, s20, $0xb8;
	[tilespmem:$0x19440] =	vst v63  }
0x5a: {  	s10 =	simm.s32 $0x280;
	s11 =	simm.s32 $0x7800  }
0x5b: {  	[tilespmem:s11], [sflag:$0x6] =	stream.indirect.gather [spmem:s2], $0x20, s10, s20, $0xb8;
	[tilespmem:$0x19440] =	vst v63  }
0x5c: {  	s12 =	simm.s32 $0x300  }
0x5d: {  	[tilespmem:s0], [sflag:$0x7] =	stream.indirect.gather [spmem:s2], $0x20, s12, s20, $0xb8;
	[tilespmem:$0x19440] =	vst v63  }
0x5e: {  	s19 =	simm.s32 $0x380  }
0x5f: {  	[tilespmem:s22], [sflag:$0x8] =	stream.indirect.gather [spmem:s2], $0x20, s19, s20, $0xb8;
	[tilespmem:$0x19440] =	vst v63  }
.LBB2_4:
0x60: {  	_ =	swait.ge [sflag:s23], $0x1000  }
0x61: {  	s19 =	sshra.s32 s1, $0x2;
	[sflag:s23] =	ssyncset.done $0x0  }
0x62: {  	s4 =	sadd.s32 $0x1400, s19;
	[sflag:s23] =	ssyncadd.s32 $0xFFFFF000  }
0x63: {  	[spmem:s3] =	stream.indirect.scatter.add.f32 [tilespmem:s21], [sflag:$0x9], $0x20, s4, s20, $0xb8;
	[tilespmem:$0x19440] =	vst v63  }
0x64: {  	_ =	swait.ge [sflag:s18], $0x1000  }
0x65: {  	p0 =	seq.s32 s1, $0x4000;
	[sflag:s18] =	ssyncset.done $0x0  }
0x66: {  	s4 =	simm.s32 @p0 $0x2;
	[sflag:s18] =	ssyncadd.s32 $0xFFFFF000  }
0x67: {  	s6 =	sshra.s32 @p0 s1, $0x2;
	_ =	swait.ge @p0 [sflag:s4], $0x1000  }
0x68: {  	s8 =	simm.s32 @p0 $0x80;
	s5 =	simm.s32 @p0 $0x3800;
	[sflag:s4] =	ssyncset.done @p0 $0x0  }
0x69: {  	s9 =	simm.s32 @p0 $0x9;
	[sflag:s4] =	ssyncadd.s32 @p0 $0xFFFFF000;
	s4 =	sadd.s32 @p0 $0x1480, s6  }
0x6a: {  	[spmem:s3] =	stream.indirect.scatter.add.f32 @p0 [tilespmem:s5], [sflag:$0x9], $0x20, s4, s8, $0xb8;
	[tilespmem:$0x19440] =	vst v63  }
0x6b: {  	_ =	swait.ge @p0 [sflag:s9], $0x1000  }
0x6c: {  	s11 =	simm.s32 @!p0 $0x2800;
	s4 =	sshra.s32 @!p0 s1, $0x2;
	[sflag:s9] =	ssyncset.done @p0 $0x0  }
0x6d: {  	s5 =	simm.s32 @!p0 $0x80;
	s10 =	sadd.s32 @!p0 $0x400, s4;
	[sflag:s9] =	ssyncadd.s32 @p0 $0xFFFFF000  }
0x6e: {  	[tilespmem:s11], [sflag:$0x1] =	stream.indirect.gather @!p0 [spmem:s2], $0x20, s10, s5, $0xb8;
	[tilespmem:$0x19440] =	vst v63  }
0x6f: {  	s10 =	simm.s32 @!p0 $0x2  }
0x70: {  	_ =	swait.ge @!p0 [sflag:s10], $0x1000  }
0x71: {  	[sflag:s10] =	ssyncset.done @!p0 $0x0  }
0x72: {  	s11 =	simm.s32 @!p0 $0x3800;
	[sflag:s10] =	ssyncadd.s32 @!p0 $0xFFFFF000;
	s10 =	sadd.s32 @!p0 $0x1480, s4  }
0x73: {  	[spmem:s3] =	stream.indirect.scatter.add.f32 @!p0 [tilespmem:s11], [sflag:$0x9], $0x20, s10, s5, $0xb8;
	[tilespmem:$0x19440] =	vst v63  }
0x74: {  	s10 =	simm.s32 @!p0 $0x9  }
0x75: {  	_ =	swait.ge @!p0 [sflag:s10], $0x1000  }
0x76: {  	[sflag:s10] =	ssyncset.done @!p0 $0x0  }
0x77: {  	s12 =	sadd.s32 @!p0 $0x480, s4;
	[sflag:s10] =	ssyncadd.s32 @!p0 $0xFFFFF000  }
0x78: {  	[tilespmem:s11], [sflag:$0x2] =	stream.indirect.gather @!p0 [spmem:s2], $0x20, s12, s5, $0xb8;
	[tilespmem:$0x19440] =	vst v63  }
0x79: {  	_ =	swait.ge [sflag:s25], $0x1000  }
0x7a: {  	[sflag:s25] =	ssyncset.done $0x0  }
0x7b: {  	s12 =	sadd.s32 $0x1500, s19;
	[sflag:s25] =	ssyncadd.s32 $0xFFFFF000  }
0x7c: {  	[spmem:s3] =	stream.indirect.scatter.add.f32 [tilespmem:s24], [sflag:$0x9], $0x20, s12, s20, $0xb8;
	[tilespmem:$0x19440] =	vst v63  }
0x7d: {  	_ =	swait.ge [sflag:s18], $0x1000  }
0x7e: {  	[sflag:s18] =	ssyncset.done $0x0  }
0x7f: {  	s11 =	simm.s32 @p0 $0x4;
	[sflag:s18] =	ssyncadd.s32 $0xFFFFF000  }
0x80: {  	_ =	swait.ge @p0 [sflag:s11], $0x1000  }
0x81: {  	[sflag:s11] =	ssyncset.done @p0 $0x0  }
0x82: {  	s12 =	simm.s32 @p0 $0x5800;
	[sflag:s11] =	ssyncadd.s32 @p0 $0xFFFFF000;
	s11 =	sadd.s32 @p0 $0x1580, s6  }
0x83: {  	[spmem:s3] =	stream.indirect.scatter.add.f32 @p0 [tilespmem:s12], [sflag:$0x9], $0x20, s11, s8, $0xb8;
	[tilespmem:$0x19440] =	vst v63  }
0x84: {  	_ =	swait.ge @p0 [sflag:s9], $0x1000  }
0x85: {  	[sflag:s9] =	ssyncset.done @p0 $0x0  }
0x86: {  	s11 =	sadd.s32 @!p0 $0x500, s4;
	s12 =	simm.s32 @!p0 $0x4800;
	[sflag:s9] =	ssyncadd.s32 @p0 $0xFFFFF000  }
0x87: {  	[tilespmem:s12], [sflag:$0x3] =	stream.indirect.gather @!p0 [spmem:s2], $0x20, s11, s5, $0xb8;
	[tilespmem:$0x19440] =	vst v63  }
0x88: {  	s11 =	simm.s32 @!p0 $0x4  }
0x89: {  	_ =	swait.ge @!p0 [sflag:s11], $0x1000  }
0x8a: {  	[sflag:s11] =	ssyncset.done @!p0 $0x0  }
0x8b: {  	s12 =	simm.s32 @!p0 $0x5800;
	[sflag:s11] =	ssyncadd.s32 @!p0 $0xFFFFF000;
	s11 =	sadd.s32 @!p0 $0x1580, s4  }
0x8c: {  	[spmem:s3] =	stream.indirect.scatter.add.f32 @!p0 [tilespmem:s12], [sflag:$0x9], $0x20, s11, s5, $0xb8;
	[tilespmem:$0x19440] =	vst v63  }
0x8d: {  	_ =	swait.ge @!p0 [sflag:s10], $0x1000  }
0x8e: {  	[sflag:s10] =	ssyncset.done @!p0 $0x0  }
0x8f: {  	s11 =	sadd.s32 @!p0 $0x580, s4;
	[sflag:s10] =	ssyncadd.s32 @!p0 $0xFFFFF000  }
0x90: {  	[tilespmem:s12], [sflag:$0x4] =	stream.indirect.gather @!p0 [spmem:s2], $0x20, s11, s5, $0xb8;
	[tilespmem:$0x19440] =	vst v63  }
0x91: {  	_ =	swait.ge [sflag:s26], $0x1000  }
0x92: {  	[sflag:s26] =	ssyncset.done $0x0  }
0x93: {  	s12 =	sadd.s32 $0x1600, s19;
	[sflag:s26] =	ssyncadd.s32 $0xFFFFF000  }
0x94: {  	[spmem:s3] =	stream.indirect.scatter.add.f32 [tilespmem:s29], [sflag:$0x9], $0x20, s12, s20, $0xb8;
	[tilespmem:$0x19440] =	vst v63  }
0x95: {  	_ =	swait.ge [sflag:s18], $0x1000  }
0x96: {  	[sflag:s18] =	ssyncset.done $0x0  }
0x97: {  	s11 =	simm.s32 @p0 $0x6;
	[sflag:s18] =	ssyncadd.s32 $0xFFFFF000  }
0x98: {  	_ =	swait.ge @p0 [sflag:s11], $0x1000  }
0x99: {  	[sflag:s11] =	ssyncset.done @p0 $0x0  }
0x9a: {  	s6 =	sadd.s32 @p0 $0x1680, s6;
	[sflag:s11] =	ssyncadd.s32 @p0 $0xFFFFF000;
	s11 =	simm.s32 @p0 $0x7800  }
0x9b: {  	[spmem:s3] =	stream.indirect.scatter.add.f32 @p0 [tilespmem:s11], [sflag:$0x9], $0x20, s6, s8, $0xb8;
	[tilespmem:$0x19440] =	vst v63  }
0x9c: {  	_ =	swait.ge @p0 [sflag:s9], $0x1000  }
0x9d: {  	[sflag:s9] =	ssyncset.done @p0 $0x0  }
0x9e: {  	s6 =	sadd.s32 @!p0 $0x600, s4;
	s8 =	simm.s32 @!p0 $0x6800;
	[sflag:s9] =	ssyncadd.s32 @p0 $0xFFFFF000  }
0x9f: {  	[tilespmem:s8], [sflag:$0x5] =	stream.indirect.gather @!p0 [spmem:s2], $0x20, s6, s5, $0xb8;
	[tilespmem:$0x19440] =	vst v63  }
0xa0: {  	s6 =	simm.s32 @!p0 $0x6  }
0xa1: {  	_ =	swait.ge @!p0 [sflag:s6], $0x1000  }
0xa2: {  	[sflag:s6] =	ssyncset.done @!p0 $0x0  }
0xa3: {  	s8 =	simm.s32 @!p0 $0x7800;
	[sflag:s6] =	ssyncadd.s32 @!p0 $0xFFFFF000;
	s6 =	sadd.s32 @!p0 $0x1680, s4  }
0xa4: {  	[spmem:s3] =	stream.indirect.scatter.add.f32 @!p0 [tilespmem:s8], [sflag:$0x9], $0x20, s6, s5, $0xb8;
	[tilespmem:$0x19440] =	vst v63  }
0xa5: {  	_ =	swait.ge @!p0 [sflag:s10], $0x1000  }
0xa6: {  	[sflag:s10] =	ssyncset.done @!p0 $0x0  }
0xa7: {  	s4 =	sadd.s32 @!p0 $0x680, s4;
	[sflag:s10] =	ssyncadd.s32 @!p0 $0xFFFFF000  }
0xa8: {  	[tilespmem:s8], [sflag:$0x6] =	stream.indirect.gather @!p0 [spmem:s2], $0x20, s4, s5, $0xb8;
	[tilespmem:$0x19440] =	vst v63  }
0xa9: {  	_ =	swait.ge [sflag:s28], $0x1000  }
0xaa: {  	[sflag:s28] =	ssyncset.done $0x0  }
.Ltmp3:
0xab: {  	s12 =	sadd.s32 $0x1700, s19;
	[sflag:s28] =	ssyncadd.s32 $0xFFFFF000;
	(pc) =	sbr.rel @p0 .LBB2_6-.Ltmp3, $4  }
0xac: {  	[spmem:s3] =	stream.indirect.scatter.add.f32 [tilespmem:s0], [sflag:$0x9], $0x20, s12, s20, $0xb8;
	[tilespmem:$0x19440] =	vst v63  }
0xad: {  	_ =	swait.ge [sflag:s18], $0x1000  }
0xae: {  	[sflag:s18] =	ssyncset.done $0x0  }
0xaf: {  	s4 =	sadd.s32 $0x1780, s19;
	[sflag:s18] =	ssyncadd.s32 $0xFFFFF000  }
0xb0: {  	s5 =	sadd.s32 $0x700, s19  }
0xb1: {  	[tilespmem:s0], [sflag:$0x7] =	stream.indirect.gather [spmem:s2], $0x20, s5, s20, $0xb8;
	[tilespmem:$0x19440] =	vst v63  }
0xb2: {  	_ =	swait.ge [sflag:s30], $0x1000  }
0xb3: {  	[sflag:s30] =	ssyncset.done $0x0  }
0xb4: {  	[sflag:s30] =	ssyncadd.s32 $0xFFFFF000  }
0xb5: {  	[spmem:s3] =	stream.indirect.scatter.add.f32 [tilespmem:s22], [sflag:$0x9], $0x20, s4, s20, $0xb8;
	[tilespmem:$0x19440] =	vst v63  }
.Ltmp4:
0xb6: {  	_ = 	snop;
	(pc) =	sbr.rel .LBB2_4-.Ltmp4, $4  }
0xb7: {  	_ =	swait.ge [sflag:s18], $0x1000  }
0xb8: {  	[sflag:s18] =	ssyncset.done $0x0  }
0xb9: {  	s19 =	sadd.s32 $0x780, s19;
	s1 =	sadd.s32 $0x1000, s1;
	[sflag:s18] =	ssyncadd.s32 $0xFFFFF000  }
0xba: {  	[tilespmem:s22], [sflag:$0x8] =	stream.indirect.gather [spmem:s2], $0x20, s19, s20, $0xb8;
	[tilespmem:$0x19440] =	vst v63  }
.LBB2_7:
0xbb: {  	_ =	sfence.sel $0x180000  }
0xbc: {  	[bflag:$0x0] =	sbarrier.arrive $0xFFFF  }
0xbd: {  	_ =	strace $0x9000004A  }
0xbe: {  	s0 =	stileid.u32;
	[bflag:$0x2] =	sbarrier.arrive $0xFFFF  }
0xbf: {  	p0 =	sne.s32 s0, $0x0;
	s0 =	rddreg [dreg:$0x3]  }
0xc0: {  	s0 =	sadd.s32 @!p0 $0x100000, s0  }
0xc1: {  	[sflag:s0] =	ssyncadd.tile.s32 @!p0 $0x1;
	_ =	shalt  }
.Lfunc_end2:
_tile_overlayer_lowered:
.L_overlay_start_2:
0xc2: {  	(tag) =	ssettag $0x2  }
0xc3: {  	s0 =	rddreg [dreg:$0x0];
	s2 =	stileid.u32  }
0xc4: {  	s1 =	rddreg [dreg:$0x1];
	p0 =	sne.s32 s2, $0x0  }
0xc5: {  	s3 =	rddreg [dreg:$0x2];
	[bflag:$0x3] =	sbarrier.arrive $0xFFFF;
	s2 =	simm.s32 @!p0 $0x1C09  }
0xc6: {  	[timem:s3], [sflag:s2] =	dma.local @!p0 [hbm:s0], s1  }
0xc7: {  	s0 =	simm.s32 @!p0 $0x9  }
0xc8: {  	_ =	swait.ge @!p0 [sflag:s0], s1  }
0xc9: {  	s1 =	ssub.s32 @!p0 $0x0, s1;
	[sflag:s0] =	ssyncset.done @!p0 $0x0  }
0xca: {  	[sflag:s0] =	ssyncadd.s32 @!p0 s1  }
0xcb: {  	[bflag:$0x3] =	sbarrier.arrive $0xFFFF  }
0xcc: {  	_ =	shalt  }

// kernel: kernel.7.cloned.1.call-start
scs
__scs_entry_jumppad:
0x0: {  	(pc) =	sbr.rel $0x88, $3  }
0x1: {  	(tag) =	ssettag $0x0;
	lr =	simm.s32 $0x1  }
0x2: {  	[smem:$0x3F9B] =	sst lr;
	_ =	strace $0xD0000000  }
0x3: {  	_ = 	snop  }
0x4: {  	_ = 	snop  }
0x5: {  	_ = 	snop  }
0x6: {  	_ = 	snop  }
0x7: {  	_ = 	snop  }
__scs_overlays_trampoline_lowered:
0x8: {  	[smem:$0x3FAA] =	sst s0  }
0x9: {  	[smem:$0x3FAB] =	sst s1  }
0xa: {  	[smem:$0x3FAC] =	sst s2  }
0xb: {  	[smem:$0x3FAD] =	sst s3  }
0xc: {  	[smem:$0x3FAE] =	sst s4  }
0xd: {  	[smem:$0x3FAF] =	sst s5  }
0xe: {  	[smem:$0x3FB0] =	sst s6  }
0xf: {  	[smem:$0x3FB1] =	sst s7  }
0x10: {  	[smem:$0x3FB2] =	sst s8  }
0x11: {  	[smem:$0x3FB3] =	sst s9;
	s0 =	simm.s32 @!p0 $0x0  }
0x12: {  	s1 =	sld [smem:$0x3F99];
	s0 =	simm.s32 @p0 $0x1  }
0x13: {  	[smem:$0x3FB4] =	sst s0;
	s0 =	simm.s32 @!p1 $0x0  }
0x14: {  	s2 =	sld [smem:$0x3F98];
	s0 =	simm.s32 @p1 $0x1  }
0x15: {  	[smem:$0x3FB5] =	sst s0;
	s0 =	simm.s32 @!p2 $0x0  }
0x16: {  	s3 =	sld [smem:$0x3FDB];
	s0 =	simm.s32 @p2 $0x1  }
0x17: {  	s4 =	simm.s32 $0x1BF5;
	[smem:$0x3FB7] =	sst s0  }
0x18: {  	s0 =	sld [smem:$0x3F9A];
	_ =	swait.ge [sflag:s4], $0x0  }
0x19: {  	s7 =	sld [smem:$0x3F9B]  }
0x1a: {  	s8 =	sadd.s32 $0xFFFFE003, lr  }
0x1b: {  	s9 =	sadd.s32 $0xFFFFFEF7, lr;
	s5 =	simm.s32 $0xFFFFFFFF;
	p2 =	slt.u32 s8, $0xFFFFF086  }
0x1c: {  	p1 =	slt.u32 s9, $0xF7A;
	s5 =	simm.s32 @!p2 $0x0  }
0x1d: {  	s5 =	simm.s32 @p1 $0x1;
	p0 =	seq.s32 s7, s2  }
0x1e: {  	s7 =	smul.u32 @!p0 $0xF7A, s2;
	p2 =	seq.s32 @!p0 s5, $0x0  }
0x1f: {  	s9 =	smul.u32 $0xF7A, s1;
	s8 =	simm.s32 @!p0 $0x1BF5;
	p2 =	por !p2, p0  }
0x20: {  	[sflag:s8] =	ssyncset.s32 @!p0 $0xFFFFF086;
	s6 =	sadd.s32 @!p0 s3, s7;
	s7 =	simm.s32 @!p0 $0x108  }
0x21: {  	s3 =	sadd.s32 s3, s9;
	s6 =	sadd.s32 @!p0 $0x88, s6;
	s7 =	simm.s32 @p2 $0x1082  }
0x22: {  	[simem:s7], [sflag:s8] =	dma.local @!p0 [hbm:s6], $0xF7A  }
0x23: {  	s9 =	sor.u32 $0xD0000000, s2;
	s6 =	simm.s32 $0x108;
	_ =	swait.ge @!p0 [sflag:s8], $0x0  }
0x24: {  	s3 =	sadd.s32 $0x88, s3;
	s6 =	simm.s32 @!p1 $0x1082;
	[sflag:s4] =	ssyncset.s32 $0xFFFFF086  }
0x25: {  	[simem:s6], [sflag:s4] =	dma.local [hbm:s3], $0xF7A  }
0x26: {  	[smem:$0x3F9B] =	sst s1;
	(tag) =	ssettag s2;
	_ =	strace s9  }
0x27: {  	s1 =	sld [smem:$0x3FAB]  }
0x28: {  	s2 =	sld [smem:$0x3FAC]  }
0x29: {  	s4 =	sld [smem:$0x3FAE]  }
0x2a: {  	p0 =	seq.s32 s5, $0x0;
	s5 =	sld [smem:$0x3FAF]  }
0x2b: {  	s6 =	sld [smem:$0x3FB0]  }
0x2c: {  	s7 =	sld [smem:$0x3FB1]  }
0x2d: {  	s3 =	simm.s32 $0x108;
	s8 =	sld [smem:$0x3FB2]  }
0x2e: {  	s3 =	simm.s32 @!p0 $0x1082;
	s9 =	sld [smem:$0x3FB3]  }
0x2f: {  	lr =	sadd.s32 s0, s3;
	s0 =	sld [smem:$0x3FAA]  }
0x30: {  	s3 =	sld [smem:$0x3FAD]  }
0x31: {  	[smem:$0x3FB6] =	sst s10  }
0x32: {  	s10 =	sld [smem:$0x3FB4];
	_ =	sdelay $0x3  }
0x33: {  	p0 =	seq.s32 s10, $0x1;
	s10 =	sld [smem:$0x3FB6];
	_ =	sdelay $0x3  }
0x34: {  	[smem:$0x3FB6] =	sst s10  }
0x35: {  	s10 =	sld [smem:$0x3FB5];
	_ =	sdelay $0x3  }
0x36: {  	p1 =	seq.s32 s10, $0x1;
	s10 =	sld [smem:$0x3FB6];
	_ =	sdelay $0x3  }
0x37: {  	[smem:$0x3FB6] =	sst s10  }
0x38: {  	s10 =	sld [smem:$0x3FB7]  }
0x39: {  	_ = 	snop;
	(pc) =	sbr.ind lr, $3  }
0x3a: {  	_ = 	snop  }
0x3b: {  	_ = 	snop  }
0x3c: {  	p2 =	seq.s32 s10, $0x1;
	s10 =	sld [smem:$0x3FB6]  }
0x3d: {  	_ =	shalt  }
0x3e: {  	_ =	shalt  }
0x3f: {  	_ =	shalt  }
0x40: {  	_ =	shalt  }
0x41: {  	_ =	shalt  }
0x42: {  	_ =	shalt  }
0x43: {  	_ =	shalt  }
0x44: {  	_ =	shalt  }
0x45: {  	_ =	shalt  }
0x46: {  	_ =	shalt  }
0x47: {  	_ =	shalt  }
0x48: {  	_ =	shalt  }
0x49: {  	_ =	shalt  }
0x4a: {  	_ =	shalt  }
0x4b: {  	_ =	shalt  }
0x4c: {  	_ =	shalt  }
0x4d: {  	_ =	shalt  }
0x4e: {  	_ =	shalt  }
0x4f: {  	_ =	shalt  }
0x50: {  	_ =	shalt  }
0x51: {  	_ =	shalt  }
0x52: {  	_ =	shalt  }
0x53: {  	_ =	shalt  }
0x54: {  	_ =	shalt  }
0x55: {  	_ =	shalt  }
0x56: {  	_ =	shalt  }
0x57: {  	_ =	shalt  }
0x58: {  	_ =	shalt  }
0x59: {  	_ =	shalt  }
0x5a: {  	_ =	shalt  }
0x5b: {  	_ =	shalt  }
0x5c: {  	_ =	shalt  }
0x5d: {  	_ =	shalt  }
0x5e: {  	_ =	shalt  }
0x5f: {  	_ =	shalt  }
0x60: {  	_ =	shalt  }
0x61: {  	_ =	shalt  }
0x62: {  	_ =	shalt  }
0x63: {  	_ =	shalt  }
0x64: {  	_ =	shalt  }
0x65: {  	_ =	shalt  }
0x66: {  	_ =	shalt  }
0x67: {  	_ =	shalt  }
0x68: {  	_ =	shalt  }
0x69: {  	_ =	shalt  }
0x6a: {  	_ =	shalt  }
0x6b: {  	_ =	shalt  }
0x6c: {  	_ =	shalt  }
0x6d: {  	_ =	shalt  }
0x6e: {  	_ =	shalt  }
0x6f: {  	_ =	shalt  }
0x70: {  	_ =	shalt  }
0x71: {  	_ =	shalt  }
0x72: {  	_ =	shalt  }
0x73: {  	_ =	shalt  }
0x74: {  	_ =	shalt  }
0x75: {  	_ =	shalt  }
0x76: {  	_ =	shalt  }
0x77: {  	_ =	shalt  }
0x78: {  	_ =	shalt  }
0x79: {  	_ =	shalt  }
0x7a: {  	_ =	shalt  }
0x7b: {  	_ =	shalt  }
0x7c: {  	_ =	shalt  }
0x7d: {  	_ =	shalt  }
0x7e: {  	_ =	shalt  }
0x7f: {  	_ =	shalt  }
0x80: {  	_ =	shalt  }
0x81: {  	_ =	shalt  }
0x82: {  	_ =	shalt  }
0x83: {  	_ =	shalt  }
0x84: {  	_ =	shalt  }
0x85: {  	_ =	shalt  }
0x86: {  	_ =	shalt  }
0x87: {  	_ =	shalt  }
.Lfunc_end0:
.L_simem_size_0:
called_computation_lowered:
.L_overlay_start_0:
0x88: {  	s2 =	sld [smem:$0x3FD9]  }
0x89: {  	s3 =	sld [smem:$0x3FFE];
	_ =	sdelay $0x1  }
0x8a: {  	s1 =	srdreg.scid  }
0x8b: {  	s0 =	sand.u32 $0x1, s1  }
0x8c: {  	s14 =	sshll.u32 s0, $0xA;
	s2 =	sadd.s32 s3, s2  }
0x8d: {  	s2 =	sadd.s32 s2, s14  }
0x8e: {  	[smem:$0x3FC2] =	sst s2  }
0x8f: {  	_ = 	snop  }
0x90: {  	s2 =	sld [smem:$0x3FD0];
	_ =	sdelay $0x2  }
0x91: {  	s15 =	simm.s32 $0xA;
	s4 =	simm.s32 $0x10  }
0x92: {  	[smem:s4], [sflag:s15] =	dma.local [hbm:s2], $0x1  }
0x93: {  	_ =	swait.eq [sflag:s15], $0x1  }
0x94: {  	[sflag:s15] =	ssyncset.done $0x0  }
0x95: {  	s16 =	sld [smem:$0x10];
	[sflag:s15] =	ssyncadd.s32 $0xFFFFFFFF  }
0x96: {  	s17 =	sld [smem:$0x11];
	(tm) =	ssettm $0x1  }
0x97: {  	s18 =	sld [smem:$0x3FFB];
	_ =	sdelay $0x3  }
0x98: {  	_ =	strace s18  }
0x99: {  	s4 =	sld [smem:$0x3FFC];
	_ =	sdelay $0x3  }
0x9a: {  	_ =	strace s4  }
0x9b: {  	s4 =	sld [smem:$0x3FFD];
	_ =	sdelay $0x3  }
0x9c: {  	_ =	strace s4  }
0x9d: {  	_ =	strace $0x8FFFFFFF  }
0x9e: {  	s19 =	sld [smem:$0x3FDB];
	_ =	sdelay $0x1  }
0x9f: {  	s5 =	simm.s32 $_scs_section_size  }
0xa0: {  	s6 =	simm.s32 $_size__tile_overlayer_lowered;
	s7 =	simm.s32 $_tile_overlayer_lowered  }
0xa1: {  	s22 =	simm.s32 $0x1BFF;
	s21 =	sshll.u32 s7, $0x1;
	s4 =	sadd.s32 s5, s19  }
0xa2: {  	s8 =	simm.s32 $0x0;
	s20 =	sshll.u32 s6, $0x1;
	s6 =	sadd.s32 s21, s4  }
0xa3: {  	[timem:s8], [sflag:s22] =	dma.local [hbm:s6], s20  }
0xa4: {  	_ =	swait.ge [sflag:s22], s20  }
0xa5: {  	s5 =	ssub.s32 $0x0, s20;
	[sflag:s22] =	ssyncset.done $0x0  }
0xa6: {  	[sflag:s22] =	ssyncadd.s32 s5;
	_ =	sdelay $0x1  }
0xa7: {  	s23 =	simm.s32 $0x1B8B  }
0xa8: {  	_ =	swait.ge [sflag:s23], $0x1  }
0xa9: {  	[sflag:s23] =	ssyncset.done $0x0  }
0xaa: {  	s25 =	simm.s32 $0x1B8E;
	s24 =	sld [smem:$0x3FFE];
	[sflag:s23] =	ssyncadd.s32 $0xFFFFFFFF  }
0xab: {  	s26 =	simm.s32 $execute0_lowered;
	[smem:$0x3FD2] =	sst s25  }
0xac: {  	s6 =	sshll.u32 s26, $0x1;
	_ =	strace $0x80000046;
	[dreg:$0x1] =	wrdreg $0xFFFFFFFF  }
0xad: {  	s28 =	simm.s32 $_size_execute0_lowered;
	s4 =	sadd.s32 s4, s6;
	[dreg:$0x0] =	wrdreg $0x0  }
0xae: {  	s6 =	sshll.u32 s28, $0x1;
	[dreg:$0x2] =	wrdreg s4  }
0xaf: {  	[dreg:$0x3] =	wrdreg s6  }
0xb0: {  	[dreg:$0x4] =	wrdreg $0xC0  }
0xb1: {  	_ =	task [dreg:s8], $0x5FFFF  }
0xb2: {  	[dreg:$0x1] =	wrdreg $0xFFFFFFFF  }
0xb3: {  	[dreg:$0x0] =	wrdreg $0x60  }
0xb4: {  	[dreg:$0x2] =	wrdreg s24  }
0xb5: {  	[dreg:$0x3] =	wrdreg s16  }
0xb6: {  	[dreg:$0x4] =	wrdreg s17  }
0xb7: {  	[dreg:$0x5] =	wrdreg $0x2B880  }
0xb8: {  	[dreg:$0x6] =	wrdreg $0x9  }
0xb9: {  	_ =	task.clear_ibuf [dreg:s8], $0x7FFFF;
	_ =	strace $0x90000046  }
0xba: {  	s29 =	simm.s32 $0x9;
	_ =	strace $0x80000048  }
0xbb: {  	_ =	swait.ge [sflag:s29], $0x1  }
0xbc: {  	[sflag:s29] =	ssyncadd.s32 $0xFFFFFFFF  }
0xbd: {  	_ =	strace $0x90000048  }
0xbe: {  	_ =	sfence  }
0xbf: {  	s30 =	sld [smem:$0x0];
	_ =	sdelay $0x2  }
0xc0: {  	s31 =	sshll.u32 s1, $0xD;
	s1 =	sshrl.u32 s1, $0x2  }
0xc1: {  	s3 =	sand.u32 $0x4000, s31;
	s1 =	sadd.s32 s1, s30  }
0xc2: {  	s0 =	sor.u32 s3, s0;
	s1 =	sshll.u32 s1, $0x11  }
0xc3: {  	s0 =	sor.u32 s1, s0  }
0xc4: {  	s0 =	sadd.s32 $0x8F2B, s0  }
0xc5: {  	[sflag:s0] =	ssyncadd.remote.s32 $0x1  }
0xc6: {  	_ =	sfence.sel $0xFFFF  }
0xc7: {  	[dreg:$0x0] =	wrdreg $0xFFFFFFFF;
	(pc) =	sbr.abs _section_cstart, $3  }
0xc8: {  	[dreg:$0x1] =	wrdreg $0xFFFFFFFF  }
0xc9: {  	_ =	task.clear_ibuf [dreg:s8], $0x2FFFF;
	_ =	strace $0x9FFFFFFF  }
0xca: {  	(tm) =	ssettm $0x7FFFFFFF  }
0xcb: {  	_ =	shalt  }
tec
execute0_lowered:
.L_overlay_start_1:
0x0: {  	(tag) =	ssettag $0x1  }
0x1: {  	s6 =	rddreg [dreg:$0x0]  }
0x2: {  	s2 =	rddreg [dreg:$0x1]  }
0x3: {  	s7 =	rddreg [dreg:$0x2]  }
0x4: {  	s3 =	rddreg [dreg:$0x3];
	s1 =	stileid.u32;
	s4 =	simm.s32 $0x0  }
0x5: {  	s24 =	simm.s32 $0x100;
	[smem:$0x7FF] =	sst s4;
	s9 =	sadd.s32 $0x80, s2  }
0x6: {  	s25 =	simm.s32 $0x180;
	_ =	strace $0x80000047;
	[dreg:$0x5] =	wrdreg s9  }
0x7: {  	s26 =	simm.s32 $0x200;
	s0 =	smul.u32 $0x5000, s1;
	[dreg:$0xd] =	wrdreg s24  }
0x8: {  	s14 =	sshll.u32 s1, $0x1;
	s10 =	smul.u32 $0x4E20, s1;
	[dreg:$0xe] =	wrdreg s25  }
0x9: {  	s19 =	smul.u32 $0x271, s1;
	s1 =	simm.s32 $0x280;
	[dreg:$0xf] =	wrdreg s26  }
0xa: {  	s11 =	simm.s32 $0x500;
	[dreg:$0x10] =	wrdreg s1  }
0xb: {  	s12 =	simm.s32 $0x580;
	[dreg:$0x15] =	wrdreg s11  }
0xc: {  	s13 =	simm.s32 $0x600;
	[dreg:$0x16] =	wrdreg s12  }
0xd: {  	s9 =	simm.s32 $0x400;
	[dreg:$0x17] =	wrdreg s13  }
0xe: {  	s24 =	simm.s32 $0xB80;
	[dreg:$0x13] =	wrdreg s9  }
0xf: {  	s5 =	srdreg.scid;
	s25 =	simm.s32 $0xC00;
	[smem:$0x7FA] =	sst s24  }
0x10: {  	s26 =	simm.s32 $0xC80;
	s1 =	simm.s32 $0xD00;
	[smem:$0x7FB] =	sst s25  }
0x11: {  	s8 =	sshrl.u32 s0, $0x2;
	s0 =	sand.u32 $0x1, s5;
	[smem:$0x7FC] =	sst s26  }
0x12: {  	s20 =	sshrl.u32 s10, $0x2;
	s10 =	simm.s32 $0x480;
	[smem:$0x7FD] =	sst s1  }
0x13: {  	s7 =	sadd.s32 s7, s19;
	s19 =	simm.s32 $0x900;
	[dreg:$0x14] =	wrdreg s10  }
0x14: {  	s5 =	sadd.s32 s8, s3;
	s22 =	sadd.s32 s20, s3;
	[dreg:$0x1d] =	wrdreg s19  }
0x15: {  	s8 =	sor.u32 s0, s14;
	s14 =	simm.s32 $0x680;
	[dreg:$0xb] =	wrdreg s22  }
0x16: {  	s20 =	simm.s32 $0x980;
	[dreg:$0x18] =	wrdreg s14  }
0x17: {  	s15 =	sadd.s32 $0x400, s5;
	[dreg:$0x1e] =	wrdreg s20  }
0x18: {  	s16 =	sadd.s32 $0x800, s5;
	[dreg:$0x6] =	wrdreg s15  }
0x19: {  	s17 =	sadd.s32 $0xC00, s5;
	[dreg:$0x7] =	wrdreg s16  }
0x1a: {  	s21 =	smul.u32 $0x2710, s0;
	s18 =	sadd.s32 $0x1000, s5;
	[dreg:$0x8] =	wrdreg s17  }
0x1b: {  	s22 =	simm.s32 $0xA80;
	[dreg:$0x9] =	wrdreg s18  }
0x1c: {  	s23 =	sadd.s32 s21, s7;
	[smem:$0x7F8] =	sst s22  }
0x1d: {  	s7 =	simm.s32 $0x300;
	[dreg:$0xc] =	wrdreg s23  }
0x1e: {  	s15 =	simm.s32 $0x700;
	[dreg:$0x11] =	wrdreg s7  }
0x1f: {  	s16 =	simm.s32 $0x780;
	[dreg:$0x19] =	wrdreg s15  }
0x20: {  	s17 =	simm.s32 $0x800;
	[dreg:$0x1a] =	wrdreg s16  }
0x21: {  	s8 =	smul.u32 $0x280, s8;
	s18 =	simm.s32 $0x880;
	[dreg:$0x1b] =	wrdreg s17  }
0x22: {  	s21 =	simm.s32 $0xA00;
	[dreg:$0x1c] =	wrdreg s18  }
0x23: {  	s6 =	sadd.s32 s8, s6;
	s8 =	simm.s32 $0x380;
	[dreg:$0x1f] =	wrdreg s21  }
0x24: {  	s23 =	simm.s32 $0xB00;
	[dreg:$0x12] =	wrdreg s8  }
0x25: {  	s7 =	simm.s32 $0x1400;
	s6 =	sadd.s32 $0x1C00, s6;
	[smem:$0x7F9] =	sst s23  }
0x26: {  	[tilespmem:s7], [sflag:$0x9] =	stream.linear.gather [hbm4b:s2+s4], $0x400, $0x38;
	[tilespmem:$0x3F88] =	vst v63  }
0x27: {  	[dreg:$0xa] =	wrdreg s6;
	s6 =	simm.s32 $0x9  }
0x28: {  	_ =	swait.ge [sflag:s6], $0x400  }
0x29: {  	[sflag:s6] =	ssyncset.done $0x0  }
0x2a: {  	s8 =	simm.s32 $0x1800;
	s2 =	rddreg [dreg:$0x5];
	[sflag:s6] =	ssyncadd.s32 $0xFFFFFC00  }
0x2b: {  	[tilespmem:s8], [sflag:$0x9] =	stream.linear.gather [hbm4b:s2+s4], $0x400, $0x38;
	[tilespmem:$0x3F88] =	vst v63  }
0x2c: {  	_ =	swait.ge [sflag:s6], $0x400  }
0x2d: {  	[sflag:s6] =	ssyncset.done $0x0  }
0x2e: {  	[sflag:s6] =	ssyncadd.s32 $0xFFFFFC00  }
0x2f: {  	[spmem:s5] =	stream.linear.scatter [tilespmem:s8], [sflag:$0x9], $0x400, $0x38;
	[tilespmem:$0x3F88] =	vst v63  }
0x30: {  	_ =	swait.ge [sflag:s6], $0x400  }
0x31: {  	[sflag:s6] =	ssyncset.done $0x0  }
0x32: {  	s10 =	rddreg [dreg:$0x6];
	[sflag:s6] =	ssyncadd.s32 $0xFFFFFC00  }
0x33: {  	[spmem:s10] =	stream.linear.scatter [tilespmem:s8], [sflag:$0x9], $0x400, $0x38;
	[tilespmem:$0x3F88] =	vst v63  }
0x34: {  	_ =	swait.ge [sflag:s6], $0x400  }
0x35: {  	[sflag:s6] =	ssyncset.done $0x0  }
0x36: {  	s11 =	rddreg [dreg:$0x7];
	[sflag:s6] =	ssyncadd.s32 $0xFFFFFC00  }
0x37: {  	[spmem:s11] =	stream.linear.scatter [tilespmem:s8], [sflag:$0x9], $0x400, $0x38;
	[tilespmem:$0x3F88] =	vst v63  }
0x38: {  	_ =	swait.ge [sflag:s6], $0x400  }
0x39: {  	[sflag:s6] =	ssyncset.done $0x0  }
0x3a: {  	s12 =	rddreg [dreg:$0x8];
	[sflag:s6] =	ssyncadd.s32 $0xFFFFFC00  }
0x3b: {  	[spmem:s12] =	stream.linear.scatter [tilespmem:s8], [sflag:$0x9], $0x400, $0x38;
	[tilespmem:$0x3F88] =	vst v63  }
0x3c: {  	_ =	swait.ge [sflag:s6], $0x400  }
0x3d: {  	[sflag:s6] =	ssyncset.done $0x0  }
0x3e: {  	s13 =	rddreg [dreg:$0x9];
	[sflag:s6] =	ssyncadd.s32 $0xFFFFFC00  }
0x3f: {  	[spmem:s13] =	stream.linear.scatter [tilespmem:s8], [sflag:$0x9], $0x400, $0x38;
	[tilespmem:$0x3F88] =	vst v63  }
0x40: {  	_ =	swait.ge [sflag:s6], $0x400  }
0x41: {  	[sflag:s6] =	ssyncset.done $0x0  }
0x42: {  	s14 =	rddreg [dreg:$0xa];
	[sflag:s6] =	ssyncadd.s32 $0xFFFFFC00  }
0x43: {  	[tilespmem:s4], [sflag:$0x9] =	stream.linear.gather [hbm4b:s14+s4], $0x1400, $0x38;
	[tilespmem:$0x3F88] =	vst v63  }
0x44: {  	_ =	swait.ge [sflag:s6], $0x1400  }
0x45: {  	[sflag:s6] =	ssyncset.done $0x0  }
0x46: {  	[sflag:s6] =	ssyncadd.s32 $0xFFFFEC00  }
0x47: {  	s9 =	simm.s32 $0x80;
	[bflag:$0x0] =	sbarrier.arrive $0xFFFF  }
0x48: {  	[spmem:s3] =	stream.indirect.scatter.add.f32 [tilespmem:s7], [sflag:$0x1], $0x8, s4, s9, $0xb8;
	[tilespmem:$0x3F88] =	vst v63  }
0x49: {  	_ = 	snop  }
0x4a: {  	[spmem:s3] =	stream.indirect.scatter.add.f32 [tilespmem:s7], [sflag:$0x2], $0x8, s9, s9, $0xb8;
	[tilespmem:$0x3F88] =	vst v63  }
0x4b: {  	s15 =	rddreg [dreg:$0xd]  }
0x4c: {  	[spmem:s3] =	stream.indirect.scatter.add.f32 [tilespmem:s7], [sflag:$0x3], $0x8, s15, s9, $0xb8;
	[tilespmem:$0x3F88] =	vst v63  }
0x4d: {  	s11 =	rddreg [dreg:$0xe]  }
0x4e: {  	[spmem:s3] =	stream.indirect.scatter.add.f32 [tilespmem:s7], [sflag:$0x4], $0x8, s11, s9, $0xb8;
	[tilespmem:$0x3F88] =	vst v63  }
0x4f: {  	s16 =	rddreg [dreg:$0xf]  }
0x50: {  	[spmem:s3] =	stream.indirect.scatter.add.f32 [tilespmem:s7], [sflag:$0x5], $0x8, s16, s9, $0xb8;
	[tilespmem:$0x3F88] =	vst v63  }
0x51: {  	s17 =	rddreg [dreg:$0x10]  }
0x52: {  	[spmem:s3] =	stream.indirect.scatter.add.f32 [tilespmem:s7], [sflag:$0x6], $0x8, s17, s9, $0xb8;
	[tilespmem:$0x3F88] =	vst v63  }
0x53: {  	s18 =	rddreg [dreg:$0x11]  }
0x54: {  	[spmem:s3] =	stream.indirect.scatter.add.f32 [tilespmem:s7], [sflag:$0x7], $0x8, s18, s9, $0xb8;
	[tilespmem:$0x3F88] =	vst v63  }
0x55: {  	s10 =	simm.s32 $0x1;
	s19 =	rddreg [dreg:$0x12]  }
0x56: {  	[spmem:s3] =	stream.indirect.scatter.add.f32 [tilespmem:s7], [sflag:$0x8], $0x8, s19, s9, $0xb8;
	[tilespmem:$0x3F88] =	vst v63  }
0x57: {  	_ =	swait.ge [sflag:s10], $0x400  }
0x58: {  	[sflag:s10] =	ssyncset.done $0x0  }
0x59: {  	s11 =	simm.s32 $0x2;
	[sflag:s10] =	ssyncadd.s32 $0xFFFFFC00  }
0x5a: {  	_ =	swait.ge [sflag:s11], $0x400  }
0x5b: {  	[sflag:s11] =	ssyncset.done $0x0  }
0x5c: {  	s12 =	simm.s32 $0x3;
	[sflag:s11] =	ssyncadd.s32 $0xFFFFFC00  }
0x5d: {  	_ =	swait.ge [sflag:s12], $0x400  }
0x5e: {  	[sflag:s12] =	ssyncset.done $0x0  }
0x5f: {  	s13 =	simm.s32 $0x4;
	[sflag:s12] =	ssyncadd.s32 $0xFFFFFC00  }
0x60: {  	_ =	swait.ge [sflag:s13], $0x400  }
0x61: {  	[sflag:s13] =	ssyncset.done $0x0  }
0x62: {  	s14 =	simm.s32 $0x5;
	[sflag:s13] =	ssyncadd.s32 $0xFFFFFC00  }
0x63: {  	_ =	swait.ge [sflag:s14], $0x400  }
0x64: {  	[sflag:s14] =	ssyncset.done $0x0  }
0x65: {  	s15 =	simm.s32 $0x6;
	[sflag:s14] =	ssyncadd.s32 $0xFFFFFC00  }
0x66: {  	_ =	swait.ge [sflag:s15], $0x400  }
0x67: {  	[sflag:s15] =	ssyncset.done $0x0  }
0x68: {  	s16 =	simm.s32 $0x7;
	[sflag:s15] =	ssyncadd.s32 $0xFFFFFC00  }
0x69: {  	_ =	swait.ge [sflag:s16], $0x400  }
0x6a: {  	[sflag:s16] =	ssyncset.done $0x0  }
0x6b: {  	s17 =	simm.s32 $0x8;
	[sflag:s16] =	ssyncadd.s32 $0xFFFFFC00  }
0x6c: {  	_ =	swait.ge [sflag:s17], $0x400  }
0x6d: {  	[sflag:s17] =	ssyncset.done $0x0  }
0x6e: {  	s18 =	rddreg [dreg:$0x13];
	[sflag:s17] =	ssyncadd.s32 $0xFFFFFC00  }
0x6f: {  	[spmem:s3] =	stream.indirect.scatter.add.f32 [tilespmem:s7], [sflag:$0x1], $0x8, s18, s9, $0xb8;
	[tilespmem:$0x3F88] =	vst v63  }
0x70: {  	s19 =	rddreg [dreg:$0x14]  }
0x71: {  	[spmem:s3] =	stream.indirect.scatter.add.f32 [tilespmem:s7], [sflag:$0x2], $0x8, s19, s9, $0xb8;
	[tilespmem:$0x3F88] =	vst v63  }
0x72: {  	s20 =	rddreg [dreg:$0x15]  }
0x73: {  	[spmem:s3] =	stream.indirect.scatter.add.f32 [tilespmem:s7], [sflag:$0x3], $0x8, s20, s9, $0xb8;
	[tilespmem:$0x3F88] =	vst v63  }
0x74: {  	s21 =	rddreg [dreg:$0x16]  }
0x75: {  	[spmem:s3] =	stream.indirect.scatter.add.f32 [tilespmem:s7], [sflag:$0x4], $0x8, s21, s9, $0xb8;
	[tilespmem:$0x3F88] =	vst v63  }
0x76: {  	s22 =	rddreg [dreg:$0x17]  }
0x77: {  	[spmem:s3] =	stream.indirect.scatter.add.f32 [tilespmem:s7], [sflag:$0x5], $0x8, s22, s9, $0xb8;
	[tilespmem:$0x3F88] =	vst v63  }
0x78: {  	s23 =	rddreg [dreg:$0x18]  }
0x79: {  	[spmem:s3] =	stream.indirect.scatter.add.f32 [tilespmem:s7], [sflag:$0x6], $0x8, s23, s9, $0xb8;
	[tilespmem:$0x3F88] =	vst v63  }
0x7a: {  	s24 =	rddreg [dreg:$0x19]  }
0x7b: {  	[spmem:s3] =	stream.indirect.scatter.add.f32 [tilespmem:s7], [sflag:$0x7], $0x8, s24, s9, $0xb8;
	[tilespmem:$0x3F88] =	vst v63  }
0x7c: {  	s25 =	rddreg [dreg:$0x1a]  }
0x7d: {  	[spmem:s3] =	stream.indirect.scatter.add.f32 [tilespmem:s7], [sflag:$0x8], $0x8, s25, s9, $0xb8;
	[tilespmem:$0x3F88] =	vst v63  }
0x7e: {  	_ =	swait.ge [sflag:s10], $0x400  }
0x7f: {  	[sflag:s10] =	ssyncset.done $0x0  }
0x80: {  	[sflag:s10] =	ssyncadd.s32 $0xFFFFFC00  }
0x81: {  	_ =	swait.ge [sflag:s11], $0x400  }
0x82: {  	[sflag:s11] =	ssyncset.done $0x0  }
0x83: {  	[sflag:s11] =	ssyncadd.s32 $0xFFFFFC00  }
0x84: {  	_ =	swait.ge [sflag:s12], $0x400  }
0x85: {  	[sflag:s12] =	ssyncset.done $0x0  }
0x86: {  	[sflag:s12] =	ssyncadd.s32 $0xFFFFFC00  }
0x87: {  	_ =	swait.ge [sflag:s13], $0x400  }
0x88: {  	[sflag:s13] =	ssyncset.done $0x0  }
0x89: {  	[sflag:s13] =	ssyncadd.s32 $0xFFFFFC00  }
0x8a: {  	_ =	swait.ge [sflag:s14], $0x400  }
0x8b: {  	[sflag:s14] =	ssyncset.done $0x0  }
0x8c: {  	[sflag:s14] =	ssyncadd.s32 $0xFFFFFC00  }
0x8d: {  	_ =	swait.ge [sflag:s15], $0x400  }
0x8e: {  	[sflag:s15] =	ssyncset.done $0x0  }
0x8f: {  	[sflag:s15] =	ssyncadd.s32 $0xFFFFFC00  }
0x90: {  	_ =	swait.ge [sflag:s16], $0x400  }
0x91: {  	[sflag:s16] =	ssyncset.done $0x0  }
0x92: {  	[sflag:s16] =	ssyncadd.s32 $0xFFFFFC00  }
0x93: {  	_ =	swait.ge [sflag:s17], $0x400  }
0x94: {  	s26 =	rddreg [dreg:$0x1b];
	[sflag:s17] =	ssyncset.done $0x0  }
0x95: {  	s1 =	rddreg [dreg:$0x1c];
	[sflag:s17] =	ssyncadd.s32 $0xFFFFFC00  }
0x96: {  	[spmem:s3] =	stream.indirect.scatter.add.f32 [tilespmem:s7], [sflag:$0x1], $0x8, s26, s9, $0xb8;
	[tilespmem:$0x3F88] =	vst v63  }
0x97: {  	s2 =	rddreg [dreg:$0x1d]  }
0x98: {  	[spmem:s3] =	stream.indirect.scatter.add.f32 [tilespmem:s7], [sflag:$0x2], $0x8, s1, s9, $0xb8;
	[tilespmem:$0x3F88] =	vst v63  }
0x99: {  	s20 =	rddreg [dreg:$0x1e]  }
0x9a: {  	[spmem:s3] =	stream.indirect.scatter.add.f32 [tilespmem:s7], [sflag:$0x3], $0x8, s2, s9, $0xb8;
	[tilespmem:$0x3F88] =	vst v63  }
0x9b: {  	s21 =	rddreg [dreg:$0x1f]  }
0x9c: {  	[spmem:s3] =	stream.indirect.scatter.add.f32 [tilespmem:s7], [sflag:$0x4], $0x8, s20, s9, $0xb8;
	[tilespmem:$0x3F88] =	vst v63  }
0x9d: {  	s22 =	sld [smem:$0x7F8]  }
0x9e: {  	[spmem:s3] =	stream.indirect.scatter.add.f32 [tilespmem:s7], [sflag:$0x5], $0x8, s21, s9, $0xb8;
	[tilespmem:$0x3F88] =	vst v63  }
0x9f: {  	s23 =	sld [smem:$0x7F9]  }
0xa0: {  	[spmem:s3] =	stream.indirect.scatter.add.f32 [tilespmem:s7], [sflag:$0x6], $0x8, s22, s9, $0xb8;
	[tilespmem:$0x3F88] =	vst v63  }
0xa1: {  	s24 =	sld [smem:$0x7FA]  }
0xa2: {  	[spmem:s3] =	stream.indirect.scatter.add.f32 [tilespmem:s7], [sflag:$0x7], $0x8, s23, s9, $0xb8;
	[tilespmem:$0x3F88] =	vst v63  }
0xa3: {  	_ = 	snop  }
0xa4: {  	[spmem:s3] =	stream.indirect.scatter.add.f32 [tilespmem:s7], [sflag:$0x8], $0x8, s24, s9, $0xb8;
	[tilespmem:$0x3F88] =	vst v63  }
0xa5: {  	_ =	swait.ge [sflag:s10], $0x400  }
0xa6: {  	[sflag:s10] =	ssyncset.done $0x0  }
0xa7: {  	[sflag:s10] =	ssyncadd.s32 $0xFFFFFC00  }
0xa8: {  	_ =	swait.ge [sflag:s11], $0x400  }
0xa9: {  	[sflag:s11] =	ssyncset.done $0x0  }
0xaa: {  	[sflag:s11] =	ssyncadd.s32 $0xFFFFFC00  }
0xab: {  	_ =	swait.ge [sflag:s12], $0x400  }
0xac: {  	[sflag:s12] =	ssyncset.done $0x0  }
0xad: {  	[sflag:s12] =	ssyncadd.s32 $0xFFFFFC00  }
0xae: {  	_ =	swait.ge [sflag:s13], $0x400  }
0xaf: {  	[sflag:s13] =	ssyncset.done $0x0  }
0xb0: {  	[sflag:s13] =	ssyncadd.s32 $0xFFFFFC00  }
0xb1: {  	_ =	swait.ge [sflag:s14], $0x400  }
0xb2: {  	[sflag:s14] =	ssyncset.done $0x0  }
0xb3: {  	[sflag:s14] =	ssyncadd.s32 $0xFFFFFC00  }
0xb4: {  	_ =	swait.ge [sflag:s15], $0x400  }
0xb5: {  	[sflag:s15] =	ssyncset.done $0x0  }
0xb6: {  	[sflag:s15] =	ssyncadd.s32 $0xFFFFFC00  }
0xb7: {  	_ =	swait.ge [sflag:s16], $0x400  }
0xb8: {  	[sflag:s16] =	ssyncset.done $0x0  }
0xb9: {  	[sflag:s16] =	ssyncadd.s32 $0xFFFFFC00  }
0xba: {  	_ =	swait.ge [sflag:s17], $0x400  }
0xbb: {  	s25 =	sld [smem:$0x7FB]  }
0xbc: {  	[sflag:s17] =	ssyncset.done $0x0  }
0xbd: {  	s26 =	sld [smem:$0x7FC];
	[sflag:s17] =	ssyncadd.s32 $0xFFFFFC00  }
0xbe: {  	[spmem:s3] =	stream.indirect.scatter.add.f32 [tilespmem:s7], [sflag:$0x1], $0x8, s25, s9, $0xb8;
	[tilespmem:$0x3F88] =	vst v63  }
0xbf: {  	s1 =	sld [smem:$0x7FD]  }
0xc0: {  	[spmem:s3] =	stream.indirect.scatter.add.f32 [tilespmem:s7], [sflag:$0x2], $0x8, s26, s9, $0xb8;
	[tilespmem:$0x3F88] =	vst v63  }
0xc1: {  	_ = 	snop  }
0xc2: {  	[spmem:s3] =	stream.indirect.scatter.add.f32 [tilespmem:s7], [sflag:$0x3], $0x8, s1, s9, $0xb8;
	[tilespmem:$0x3F88] =	vst v63  }
0xc3: {  	s18 =	simm.s32 $0xD80  }
0xc4: {  	[spmem:s3] =	stream.indirect.scatter.add.f32 [tilespmem:s7], [sflag:$0x4], $0x8, s18, s9, $0xb8;
	[tilespmem:$0x3F88] =	vst v63  }
0xc5: {  	s19 =	simm.s32 $0xE00  }
0xc6: {  	[spmem:s3] =	stream.indirect.scatter.add.f32 [tilespmem:s7], [sflag:$0x5], $0x8, s19, s9, $0xb8;
	[tilespmem:$0x3F88] =	vst v63  }
0xc7: {  	s20 =	simm.s32 $0xE80  }
0xc8: {  	[spmem:s3] =	stream.indirect.scatter.add.f32 [tilespmem:s7], [sflag:$0x6], $0x8, s20, s9, $0xb8;
	[tilespmem:$0x3F88] =	vst v63  }
0xc9: {  	s21 =	simm.s32 $0xF00  }
0xca: {  	[spmem:s3] =	stream.indirect.scatter.add.f32 [tilespmem:s7], [sflag:$0x7], $0x8, s21, s9, $0xb8;
	[tilespmem:$0x3F88] =	vst v63  }
0xcb: {  	s22 =	simm.s32 $0xF80  }
0xcc: {  	[spmem:s3] =	stream.indirect.scatter.add.f32 [tilespmem:s7], [sflag:$0x8], $0x8, s22, s9, $0xb8;
	[tilespmem:$0x3F88] =	vst v63  }
0xcd: {  	_ =	swait.ge [sflag:s10], $0x400  }
0xce: {  	[sflag:s10] =	ssyncset.done $0x0  }
0xcf: {  	[sflag:s10] =	ssyncadd.s32 $0xFFFFFC00  }
0xd0: {  	_ =	swait.ge [sflag:s11], $0x400  }
0xd1: {  	[sflag:s11] =	ssyncset.done $0x0  }
0xd2: {  	[sflag:s11] =	ssyncadd.s32 $0xFFFFFC00  }
0xd3: {  	_ =	swait.ge [sflag:s12], $0x400  }
0xd4: {  	[sflag:s12] =	ssyncset.done $0x0  }
0xd5: {  	[sflag:s12] =	ssyncadd.s32 $0xFFFFFC00  }
0xd6: {  	_ =	swait.ge [sflag:s13], $0x400  }
0xd7: {  	[sflag:s13] =	ssyncset.done $0x0  }
0xd8: {  	[sflag:s13] =	ssyncadd.s32 $0xFFFFFC00  }
0xd9: {  	_ =	swait.ge [sflag:s14], $0x400  }
0xda: {  	[sflag:s14] =	ssyncset.done $0x0  }
0xdb: {  	[sflag:s14] =	ssyncadd.s32 $0xFFFFFC00  }
0xdc: {  	_ =	swait.ge [sflag:s15], $0x400  }
0xdd: {  	[sflag:s15] =	ssyncset.done $0x0  }
0xde: {  	[sflag:s15] =	ssyncadd.s32 $0xFFFFFC00  }
0xdf: {  	_ =	swait.ge [sflag:s16], $0x400  }
0xe0: {  	[sflag:s16] =	ssyncset.done $0x0  }
0xe1: {  	[sflag:s16] =	ssyncadd.s32 $0xFFFFFC00  }
0xe2: {  	_ =	swait.ge [sflag:s17], $0x400  }
0xe3: {  	[sflag:s17] =	ssyncset.done $0x0  }
0xe4: {  	s23 =	simm.s32 $0x1000;
	[sflag:s17] =	ssyncadd.s32 $0xFFFFFC00  }
0xe5: {  	[spmem:s3] =	stream.indirect.scatter.add.f32 [tilespmem:s7], [sflag:$0x1], $0x8, s23, s9, $0xb8;
	[tilespmem:$0x3F88] =	vst v63  }
0xe6: {  	s24 =	simm.s32 $0x1080  }
0xe7: {  	[spmem:s3] =	stream.indirect.scatter.add.f32 [tilespmem:s7], [sflag:$0x2], $0x8, s24, s9, $0xb8;
	[tilespmem:$0x3F88] =	vst v63  }
0xe8: {  	s25 =	simm.s32 $0x1100  }
0xe9: {  	[spmem:s3] =	stream.indirect.scatter.add.f32 [tilespmem:s7], [sflag:$0x3], $0x8, s25, s9, $0xb8;
	[tilespmem:$0x3F88] =	vst v63  }
0xea: {  	s26 =	simm.s32 $0x1180  }
0xeb: {  	[spmem:s3] =	stream.indirect.scatter.add.f32 [tilespmem:s7], [sflag:$0x4], $0x8, s26, s9, $0xb8;
	[tilespmem:$0x3F88] =	vst v63  }
0xec: {  	s28 =	simm.s32 $0x1200  }
0xed: {  	[spmem:s3] =	stream.indirect.scatter.add.f32 [tilespmem:s7], [sflag:$0x5], $0x8, s28, s9, $0xb8;
	[tilespmem:$0x3F88] =	vst v63  }
0xee: {  	s29 =	simm.s32 $0x1280  }
0xef: {  	[spmem:s3] =	stream.indirect.scatter.add.f32 [tilespmem:s7], [sflag:$0x6], $0x8, s29, s9, $0xb8;
	[tilespmem:$0x3F88] =	vst v63  }
0xf0: {  	s30 =	simm.s32 $0x1300  }
0xf1: {  	[spmem:s3] =	stream.indirect.scatter.add.f32 [tilespmem:s7], [sflag:$0x7], $0x8, s30, s9, $0xb8;
	[tilespmem:$0x3F88] =	vst v63  }
0xf2: {  	s31 =	simm.s32 $0x1380  }
0xf3: {  	[spmem:s3] =	stream.indirect.scatter.add.f32 [tilespmem:s7], [sflag:$0x8], $0x8, s31, s9, $0xb8;
	[tilespmem:$0x3F88] =	vst v63  }
0xf4: {  	_ =	swait.ge [sflag:s10], $0x400  }
0xf5: {  	[sflag:s10] =	ssyncset.done $0x0  }
0xf6: {  	[sflag:s10] =	ssyncadd.s32 $0xFFFFFC00  }
0xf7: {  	_ =	swait.ge [sflag:s11], $0x400  }
0xf8: {  	[sflag:s11] =	ssyncset.done $0x0  }
0xf9: {  	[sflag:s11] =	ssyncadd.s32 $0xFFFFFC00  }
0xfa: {  	_ =	swait.ge [sflag:s12], $0x400  }
0xfb: {  	[sflag:s12] =	ssyncset.done $0x0  }
0xfc: {  	[sflag:s12] =	ssyncadd.s32 $0xFFFFFC00  }
0xfd: {  	_ =	swait.ge [sflag:s13], $0x400  }
0xfe: {  	[sflag:s13] =	ssyncset.done $0x0  }
0xff: {  	[sflag:s13] =	ssyncadd.s32 $0xFFFFFC00  }
0x100: {  	_ =	swait.ge [sflag:s14], $0x400  }
0x101: {  	[sflag:s14] =	ssyncset.done $0x0  }
0x102: {  	[sflag:s14] =	ssyncadd.s32 $0xFFFFFC00  }
0x103: {  	_ =	swait.ge [sflag:s15], $0x400  }
0x104: {  	[sflag:s15] =	ssyncset.done $0x0  }
0x105: {  	[sflag:s15] =	ssyncadd.s32 $0xFFFFFC00  }
0x106: {  	_ =	swait.ge [sflag:s16], $0x400  }
0x107: {  	[sflag:s16] =	ssyncset.done $0x0  }
0x108: {  	[sflag:s16] =	ssyncadd.s32 $0xFFFFFC00  }
0x109: {  	_ =	swait.ge [sflag:s17], $0x400  }
0x10a: {  	s0 =	ssub.s32 $0x2, s0;
	[sflag:s17] =	ssyncset.done $0x0  }
0x10b: {  	s1 =	sshrl.u32 s0, $0x1;
	[sflag:s17] =	ssyncadd.s32 $0xFFFFFC00  }
0x10c: {  	s0 =	ssub.s32 s0, s1;
	[bflag:$0x0] =	sbarrier.arrive $0xFFFF  }
0x10d: {  	s0 =	smax.u32 s0, $0x1;
	s2 =	rddreg [dreg:$0xb]  }
0x10e: {  	[tilespmem:s8], [sflag:$0x9] =	stream.linear.gather [spmem:s2], $0x1388, $0x38;
	[tilespmem:$0x3F88] =	vst v63  }
0x10f: {  	p0 =	sne.s32 s0, $0x1;
	_ =	swait.ge [sflag:s6], $0x1388  }
.Ltmp0:
0x110: {  	[sflag:s6] =	ssyncset.done $0x0;
	(pc) =	sbr.rel @!p0 .LBB2_2-.Ltmp0, $4  }
0x111: {  	s2 =	rddreg [dreg:$0xc];
	[sflag:s6] =	ssyncadd.s32 $0xFFFFEC78  }
0x112: {  	[hbm4b:s2+s4] =	stream.linear.scatter [tilespmem:s8], [sflag:$0x9], $0x1388, $0x38;
	[tilespmem:$0x3F88] =	vst v63  }
0x113: {  	_ =	swait.ge [sflag:s6], $0x1388  }
0x114: {  	s0 =	sadd.s32 $0xFFFFFFFF, s0;
	[sflag:s6] =	ssyncset.done $0x0  }
.LBB2_1:
0x115: {  	[sflag:s6] =	ssyncadd.s32 $0xFFFFEC78  }
0x116: {  	s1 =	rddreg [dreg:$0x1]  }
0x117: {  	[tilespmem:s7], [sflag:$0x9] =	stream.linear.gather [hbm4b:s1+s4], $0x400, $0x38;
	[tilespmem:$0x3F88] =	vst v63  }
0x118: {  	_ =	swait.ge [sflag:s6], $0x400  }
0x119: {  	[sflag:s6] =	ssyncset.done $0x0  }
0x11a: {  	s2 =	rddreg [dreg:$0x5];
	[sflag:s6] =	ssyncadd.s32 $0xFFFFFC00  }
0x11b: {  	[tilespmem:s8], [sflag:$0x9] =	stream.linear.gather [hbm4b:s2+s4], $0x400, $0x38;
	[tilespmem:$0x3F88] =	vst v63  }
0x11c: {  	_ =	swait.ge [sflag:s6], $0x400  }
0x11d: {  	[sflag:s6] =	ssyncset.done $0x0  }
0x11e: {  	[sflag:s6] =	ssyncadd.s32 $0xFFFFFC00  }
0x11f: {  	[spmem:s5] =	stream.linear.scatter [tilespmem:s8], [sflag:$0x9], $0x400, $0x38;
	[tilespmem:$0x3F88] =	vst v63  }
0x120: {  	_ =	swait.ge [sflag:s6], $0x400  }
0x121: {  	[sflag:s6] =	ssyncset.done $0x0  }
0x122: {  	s2 =	rddreg [dreg:$0x6];
	[sflag:s6] =	ssyncadd.s32 $0xFFFFFC00  }
0x123: {  	[spmem:s2] =	stream.linear.scatter [tilespmem:s8], [sflag:$0x9], $0x400, $0x38;
	[tilespmem:$0x3F88] =	vst v63  }
0x124: {  	_ =	swait.ge [sflag:s6], $0x400  }
0x125: {  	[sflag:s6] =	ssyncset.done $0x0  }
0x126: {  	s2 =	rddreg [dreg:$0x7];
	[sflag:s6] =	ssyncadd.s32 $0xFFFFFC00  }
0x127: {  	[spmem:s2] =	stream.linear.scatter [tilespmem:s8], [sflag:$0x9], $0x400, $0x38;
	[tilespmem:$0x3F88] =	vst v63  }
0x128: {  	_ =	swait.ge [sflag:s6], $0x400  }
0x129: {  	[sflag:s6] =	ssyncset.done $0x0  }
0x12a: {  	s2 =	rddreg [dreg:$0x8];
	[sflag:s6] =	ssyncadd.s32 $0xFFFFFC00  }
0x12b: {  	[spmem:s2] =	stream.linear.scatter [tilespmem:s8], [sflag:$0x9], $0x400, $0x38;
	[tilespmem:$0x3F88] =	vst v63  }
0x12c: {  	_ =	swait.ge [sflag:s6], $0x400  }
0x12d: {  	[sflag:s6] =	ssyncset.done $0x0  }
0x12e: {  	s2 =	rddreg [dreg:$0x9];
	[sflag:s6] =	ssyncadd.s32 $0xFFFFFC00  }
0x12f: {  	[spmem:s2] =	stream.linear.scatter [tilespmem:s8], [sflag:$0x9], $0x400, $0x38;
	[tilespmem:$0x3F88] =	vst v63  }
0x130: {  	_ =	swait.ge [sflag:s6], $0x400  }
0x131: {  	[sflag:s6] =	ssyncset.done $0x0  }
0x132: {  	s2 =	rddreg [dreg:$0xa];
	[sflag:s6] =	ssyncadd.s32 $0xFFFFFC00  }
0x133: {  	[tilespmem:s4], [sflag:$0x9] =	stream.linear.gather [hbm4b:s2+s4], $0x1400, $0x38;
	[tilespmem:$0x3F88] =	vst v63  }
0x134: {  	_ =	swait.ge [sflag:s6], $0x1400  }
0x135: {  	[sflag:s6] =	ssyncset.done $0x0  }
0x136: {  	[sflag:s6] =	ssyncadd.s32 $0xFFFFEC00  }
0x137: {  	[bflag:$0x0] =	sbarrier.arrive $0xFFFF  }
0x138: {  	[spmem:s3] =	stream.indirect.scatter.add.f32 [tilespmem:s7], [sflag:$0x1], $0x8, s4, s9, $0xb8;
	[tilespmem:$0x3F88] =	vst v63  }
0x139: {  	_ = 	snop  }
0x13a: {  	[spmem:s3] =	stream.indirect.scatter.add.f32 [tilespmem:s7], [sflag:$0x2], $0x8, s9, s9, $0xb8;
	[tilespmem:$0x3F88] =	vst v63  }
0x13b: {  	s1 =	rddreg [dreg:$0xd]  }
0x13c: {  	[spmem:s3] =	stream.indirect.scatter.add.f32 [tilespmem:s7], [sflag:$0x3], $0x8, s1, s9, $0xb8;
	[tilespmem:$0x3F88] =	vst v63  }
0x13d: {  	s2 =	rddreg [dreg:$0xe]  }
0x13e: {  	[spmem:s3] =	stream.indirect.scatter.add.f32 [tilespmem:s7], [sflag:$0x4], $0x8, s2, s9, $0xb8;
	[tilespmem:$0x3F88] =	vst v63  }
0x13f: {  	s1 =	rddreg [dreg:$0xf]  }
0x140: {  	[spmem:s3] =	stream.indirect.scatter.add.f32 [tilespmem:s7], [sflag:$0x5], $0x8, s1, s9, $0xb8;
	[tilespmem:$0x3F88] =	vst v63  }
0x141: {  	s2 =	rddreg [dreg:$0x10]  }
0x142: {  	[spmem:s3] =	stream.indirect.scatter.add.f32 [tilespmem:s7], [sflag:$0x6], $0x8, s2, s9, $0xb8;
	[tilespmem:$0x3F88] =	vst v63  }
0x143: {  	s1 =	rddreg [dreg:$0x11]  }
0x144: {  	[spmem:s3] =	stream.indirect.scatter.add.f32 [tilespmem:s7], [sflag:$0x7], $0x8, s1, s9, $0xb8;
	[tilespmem:$0x3F88] =	vst v63  }
0x145: {  	s2 =	rddreg [dreg:$0x12]  }
0x146: {  	[spmem:s3] =	stream.indirect.scatter.add.f32 [tilespmem:s7], [sflag:$0x8], $0x8, s2, s9, $0xb8;
	[tilespmem:$0x3F88] =	vst v63  }
0x147: {  	_ =	swait.ge [sflag:s10], $0x400  }
0x148: {  	[sflag:s10] =	ssyncset.done $0x0  }
0x149: {  	[sflag:s10] =	ssyncadd.s32 $0xFFFFFC00  }
0x14a: {  	_ =	swait.ge [sflag:s11], $0x400  }
0x14b: {  	[sflag:s11] =	ssyncset.done $0x0  }
0x14c: {  	[sflag:s11] =	ssyncadd.s32 $0xFFFFFC00  }
0x14d: {  	_ =	swait.ge [sflag:s12], $0x400  }
0x14e: {  	[sflag:s12] =	ssyncset.done $0x0  }
0x14f: {  	[sflag:s12] =	ssyncadd.s32 $0xFFFFFC00  }
0x150: {  	_ =	swait.ge [sflag:s13], $0x400  }
0x151: {  	[sflag:s13] =	ssyncset.done $0x0  }
0x152: {  	[sflag:s13] =	ssyncadd.s32 $0xFFFFFC00  }
0x153: {  	_ =	swait.ge [sflag:s14], $0x400  }
0x154: {  	[sflag:s14] =	ssyncset.done $0x0  }
0x155: {  	[sflag:s14] =	ssyncadd.s32 $0xFFFFFC00  }
0x156: {  	_ =	swait.ge [sflag:s15], $0x400  }
0x157: {  	[sflag:s15] =	ssyncset.done $0x0  }
0x158: {  	[sflag:s15] =	ssyncadd.s32 $0xFFFFFC00  }
0x159: {  	_ =	swait.ge [sflag:s16], $0x400  }
0x15a: {  	[sflag:s16] =	ssyncset.done $0x0  }
0x15b: {  	[sflag:s16] =	ssyncadd.s32 $0xFFFFFC00  }
0x15c: {  	_ =	swait.ge [sflag:s17], $0x400  }
0x15d: {  	[sflag:s17] =	ssyncset.done $0x0  }
0x15e: {  	s1 =	rddreg [dreg:$0x13];
	[sflag:s17] =	ssyncadd.s32 $0xFFFFFC00  }
0x15f: {  	[spmem:s3] =	stream.indirect.scatter.add.f32 [tilespmem:s7], [sflag:$0x1], $0x8, s1, s9, $0xb8;
	[tilespmem:$0x3F88] =	vst v63  }
0x160: {  	s2 =	rddreg [dreg:$0x14]  }
0x161: {  	[spmem:s3] =	stream.indirect.scatter.add.f32 [tilespmem:s7], [sflag:$0x2], $0x8, s2, s9, $0xb8;
	[tilespmem:$0x3F88] =	vst v63  }
0x162: {  	s1 =	rddreg [dreg:$0x15]  }
0x163: {  	[spmem:s3] =	stream.indirect.scatter.add.f32 [tilespmem:s7], [sflag:$0x3], $0x8, s1, s9, $0xb8;
	[tilespmem:$0x3F88] =	vst v63  }
0x164: {  	s2 =	rddreg [dreg:$0x16]  }
0x165: {  	[spmem:s3] =	stream.indirect.scatter.add.f32 [tilespmem:s7], [sflag:$0x4], $0x8, s2, s9, $0xb8;
	[tilespmem:$0x3F88] =	vst v63  }
0x166: {  	s1 =	rddreg [dreg:$0x17]  }
0x167: {  	[spmem:s3] =	stream.indirect.scatter.add.f32 [tilespmem:s7], [sflag:$0x5], $0x8, s1, s9, $0xb8;
	[tilespmem:$0x3F88] =	vst v63  }
0x168: {  	s2 =	rddreg [dreg:$0x18]  }
0x169: {  	[spmem:s3] =	stream.indirect.scatter.add.f32 [tilespmem:s7], [sflag:$0x6], $0x8, s2, s9, $0xb8;
	[tilespmem:$0x3F88] =	vst v63  }
0x16a: {  	s1 =	rddreg [dreg:$0x19]  }
0x16b: {  	[spmem:s3] =	stream.indirect.scatter.add.f32 [tilespmem:s7], [sflag:$0x7], $0x8, s1, s9, $0xb8;
	[tilespmem:$0x3F88] =	vst v63  }
0x16c: {  	s2 =	rddreg [dreg:$0x1a]  }
0x16d: {  	[spmem:s3] =	stream.indirect.scatter.add.f32 [tilespmem:s7], [sflag:$0x8], $0x8, s2, s9, $0xb8;
	[tilespmem:$0x3F88] =	vst v63  }
0x16e: {  	_ =	swait.ge [sflag:s10], $0x400  }
0x16f: {  	[sflag:s10] =	ssyncset.done $0x0  }
0x170: {  	[sflag:s10] =	ssyncadd.s32 $0xFFFFFC00  }
0x171: {  	_ =	swait.ge [sflag:s11], $0x400  }
0x172: {  	[sflag:s11] =	ssyncset.done $0x0  }
0x173: {  	[sflag:s11] =	ssyncadd.s32 $0xFFFFFC00  }
0x174: {  	_ =	swait.ge [sflag:s12], $0x400  }
0x175: {  	[sflag:s12] =	ssyncset.done $0x0  }
0x176: {  	[sflag:s12] =	ssyncadd.s32 $0xFFFFFC00  }
0x177: {  	_ =	swait.ge [sflag:s13], $0x400  }
0x178: {  	[sflag:s13] =	ssyncset.done $0x0  }
0x179: {  	[sflag:s13] =	ssyncadd.s32 $0xFFFFFC00  }
0x17a: {  	_ =	swait.ge [sflag:s14], $0x400  }
0x17b: {  	[sflag:s14] =	ssyncset.done $0x0  }
0x17c: {  	[sflag:s14] =	ssyncadd.s32 $0xFFFFFC00  }
0x17d: {  	_ =	swait.ge [sflag:s15], $0x400  }
0x17e: {  	[sflag:s15] =	ssyncset.done $0x0  }
0x17f: {  	[sflag:s15] =	ssyncadd.s32 $0xFFFFFC00  }
0x180: {  	_ =	swait.ge [sflag:s16], $0x400  }
0x181: {  	[sflag:s16] =	ssyncset.done $0x0  }
0x182: {  	[sflag:s16] =	ssyncadd.s32 $0xFFFFFC00  }
0x183: {  	_ =	swait.ge [sflag:s17], $0x400  }
0x184: {  	s1 =	rddreg [dreg:$0x1b];
	[sflag:s17] =	ssyncset.done $0x0  }
0x185: {  	s2 =	rddreg [dreg:$0x1c];
	[sflag:s17] =	ssyncadd.s32 $0xFFFFFC00  }
0x186: {  	[spmem:s3] =	stream.indirect.scatter.add.f32 [tilespmem:s7], [sflag:$0x1], $0x8, s1, s9, $0xb8;
	[tilespmem:$0x3F88] =	vst v63  }
0x187: {  	s1 =	rddreg [dreg:$0x1d]  }
0x188: {  	[spmem:s3] =	stream.indirect.scatter.add.f32 [tilespmem:s7], [sflag:$0x2], $0x8, s2, s9, $0xb8;
	[tilespmem:$0x3F88] =	vst v63  }
0x189: {  	s2 =	rddreg [dreg:$0x1e]  }
0x18a: {  	[spmem:s3] =	stream.indirect.scatter.add.f32 [tilespmem:s7], [sflag:$0x3], $0x8, s1, s9, $0xb8;
	[tilespmem:$0x3F88] =	vst v63  }
0x18b: {  	s1 =	rddreg [dreg:$0x1f]  }
0x18c: {  	[spmem:s3] =	stream.indirect.scatter.add.f32 [tilespmem:s7], [sflag:$0x4], $0x8, s2, s9, $0xb8;
	[tilespmem:$0x3F88] =	vst v63  }
0x18d: {  	s2 =	sld [smem:$0x7F8]  }
0x18e: {  	[spmem:s3] =	stream.indirect.scatter.add.f32 [tilespmem:s7], [sflag:$0x5], $0x8, s1, s9, $0xb8;
	[tilespmem:$0x3F88] =	vst v63  }
0x18f: {  	s1 =	sld [smem:$0x7F9]  }
0x190: {  	[spmem:s3] =	stream.indirect.scatter.add.f32 [tilespmem:s7], [sflag:$0x6], $0x8, s2, s9, $0xb8;
	[tilespmem:$0x3F88] =	vst v63  }
0x191: {  	s2 =	sld [smem:$0x7FA]  }
0x192: {  	[spmem:s3] =	stream.indirect.scatter.add.f32 [tilespmem:s7], [sflag:$0x7], $0x8, s1, s9, $0xb8;
	[tilespmem:$0x3F88] =	vst v63  }
0x193: {  	_ = 	snop  }
0x194: {  	[spmem:s3] =	stream.indirect.scatter.add.f32 [tilespmem:s7], [sflag:$0x8], $0x8, s2, s9, $0xb8;
	[tilespmem:$0x3F88] =	vst v63  }
0x195: {  	_ =	swait.ge [sflag:s10], $0x400  }
0x196: {  	[sflag:s10] =	ssyncset.done $0x0  }
0x197: {  	[sflag:s10] =	ssyncadd.s32 $0xFFFFFC00  }
0x198: {  	_ =	swait.ge [sflag:s11], $0x400  }
0x199: {  	[sflag:s11] =	ssyncset.done $0x0  }
0x19a: {  	[sflag:s11] =	ssyncadd.s32 $0xFFFFFC00  }
0x19b: {  	_ =	swait.ge [sflag:s12], $0x400  }
0x19c: {  	[sflag:s12] =	ssyncset.done $0x0  }
0x19d: {  	[sflag:s12] =	ssyncadd.s32 $0xFFFFFC00  }
0x19e: {  	_ =	swait.ge [sflag:s13], $0x400  }
0x19f: {  	[sflag:s13] =	ssyncset.done $0x0  }
0x1a0: {  	[sflag:s13] =	ssyncadd.s32 $0xFFFFFC00  }
0x1a1: {  	_ =	swait.ge [sflag:s14], $0x400  }
0x1a2: {  	[sflag:s14] =	ssyncset.done $0x0  }
0x1a3: {  	[sflag:s14] =	ssyncadd.s32 $0xFFFFFC00  }
0x1a4: {  	_ =	swait.ge [sflag:s15], $0x400  }
0x1a5: {  	[sflag:s15] =	ssyncset.done $0x0  }
0x1a6: {  	[sflag:s15] =	ssyncadd.s32 $0xFFFFFC00  }
0x1a7: {  	_ =	swait.ge [sflag:s16], $0x400  }
0x1a8: {  	[sflag:s16] =	ssyncset.done $0x0  }
0x1a9: {  	[sflag:s16] =	ssyncadd.s32 $0xFFFFFC00  }
0x1aa: {  	_ =	swait.ge [sflag:s17], $0x400  }
0x1ab: {  	s1 =	sld [smem:$0x7FB]  }
0x1ac: {  	[sflag:s17] =	ssyncset.done $0x0  }
0x1ad: {  	s2 =	sld [smem:$0x7FC];
	[sflag:s17] =	ssyncadd.s32 $0xFFFFFC00  }
0x1ae: {  	[spmem:s3] =	stream.indirect.scatter.add.f32 [tilespmem:s7], [sflag:$0x1], $0x8, s1, s9, $0xb8;
	[tilespmem:$0x3F88] =	vst v63  }
0x1af: {  	s1 =	sld [smem:$0x7FD]  }
0x1b0: {  	[spmem:s3] =	stream.indirect.scatter.add.f32 [tilespmem:s7], [sflag:$0x2], $0x8, s2, s9, $0xb8;
	[tilespmem:$0x3F88] =	vst v63  }
0x1b1: {  	_ = 	snop  }
0x1b2: {  	[spmem:s3] =	stream.indirect.scatter.add.f32 [tilespmem:s7], [sflag:$0x3], $0x8, s1, s9, $0xb8;
	[tilespmem:$0x3F88] =	vst v63  }
0x1b3: {  	_ = 	snop  }
0x1b4: {  	[spmem:s3] =	stream.indirect.scatter.add.f32 [tilespmem:s7], [sflag:$0x4], $0x8, s18, s9, $0xb8;
	[tilespmem:$0x3F88] =	vst v63  }
0x1b5: {  	_ = 	snop  }
0x1b6: {  	[spmem:s3] =	stream.indirect.scatter.add.f32 [tilespmem:s7], [sflag:$0x5], $0x8, s19, s9, $0xb8;
	[tilespmem:$0x3F88] =	vst v63  }
0x1b7: {  	_ = 	snop  }
0x1b8: {  	[spmem:s3] =	stream.indirect.scatter.add.f32 [tilespmem:s7], [sflag:$0x6], $0x8, s20, s9, $0xb8;
	[tilespmem:$0x3F88] =	vst v63  }
0x1b9: {  	_ = 	snop  }
0x1ba: {  	[spmem:s3] =	stream.indirect.scatter.add.f32 [tilespmem:s7], [sflag:$0x7], $0x8, s21, s9, $0xb8;
	[tilespmem:$0x3F88] =	vst v63  }
0x1bb: {  	_ = 	snop  }
0x1bc: {  	[spmem:s3] =	stream.indirect.scatter.add.f32 [tilespmem:s7], [sflag:$0x8], $0x8, s22, s9, $0xb8;
	[tilespmem:$0x3F88] =	vst v63  }
0x1bd: {  	_ =	swait.ge [sflag:s10], $0x400  }
0x1be: {  	[sflag:s10] =	ssyncset.done $0x0  }
0x1bf: {  	[sflag:s10] =	ssyncadd.s32 $0xFFFFFC00  }
0x1c0: {  	_ =	swait.ge [sflag:s11], $0x400  }
0x1c1: {  	[sflag:s11] =	ssyncset.done $0x0  }
0x1c2: {  	[sflag:s11] =	ssyncadd.s32 $0xFFFFFC00  }
0x1c3: {  	_ =	swait.ge [sflag:s12], $0x400  }
0x1c4: {  	[sflag:s12] =	ssyncset.done $0x0  }
0x1c5: {  	[sflag:s12] =	ssyncadd.s32 $0xFFFFFC00  }
0x1c6: {  	_ =	swait.ge [sflag:s13], $0x400  }
0x1c7: {  	[sflag:s13] =	ssyncset.done $0x0  }
0x1c8: {  	[sflag:s13] =	ssyncadd.s32 $0xFFFFFC00  }
0x1c9: {  	_ =	swait.ge [sflag:s14], $0x400  }
0x1ca: {  	[sflag:s14] =	ssyncset.done $0x0  }
0x1cb: {  	[sflag:s14] =	ssyncadd.s32 $0xFFFFFC00  }
0x1cc: {  	_ =	swait.ge [sflag:s15], $0x400  }
0x1cd: {  	[sflag:s15] =	ssyncset.done $0x0  }
0x1ce: {  	[sflag:s15] =	ssyncadd.s32 $0xFFFFFC00  }
0x1cf: {  	_ =	swait.ge [sflag:s16], $0x400  }
0x1d0: {  	[sflag:s16] =	ssyncset.done $0x0  }
0x1d1: {  	[sflag:s16] =	ssyncadd.s32 $0xFFFFFC00  }
0x1d2: {  	_ =	swait.ge [sflag:s17], $0x400  }
0x1d3: {  	[sflag:s17] =	ssyncset.done $0x0  }
0x1d4: {  	[sflag:s17] =	ssyncadd.s32 $0xFFFFFC00  }
0x1d5: {  	[spmem:s3] =	stream.indirect.scatter.add.f32 [tilespmem:s7], [sflag:$0x1], $0x8, s23, s9, $0xb8;
	[tilespmem:$0x3F88] =	vst v63  }
0x1d6: {  	_ = 	snop  }
0x1d7: {  	[spmem:s3] =	stream.indirect.scatter.add.f32 [tilespmem:s7], [sflag:$0x2], $0x8, s24, s9, $0xb8;
	[tilespmem:$0x3F88] =	vst v63  }
0x1d8: {  	_ = 	snop  }
0x1d9: {  	[spmem:s3] =	stream.indirect.scatter.add.f32 [tilespmem:s7], [sflag:$0x3], $0x8, s25, s9, $0xb8;
	[tilespmem:$0x3F88] =	vst v63  }
0x1da: {  	_ = 	snop  }
0x1db: {  	[spmem:s3] =	stream.indirect.scatter.add.f32 [tilespmem:s7], [sflag:$0x4], $0x8, s26, s9, $0xb8;
	[tilespmem:$0x3F88] =	vst v63  }
0x1dc: {  	_ = 	snop  }
0x1dd: {  	[spmem:s3] =	stream.indirect.scatter.add.f32 [tilespmem:s7], [sflag:$0x5], $0x8, s28, s9, $0xb8;
	[tilespmem:$0x3F88] =	vst v63  }
0x1de: {  	_ = 	snop  }
0x1df: {  	[spmem:s3] =	stream.indirect.scatter.add.f32 [tilespmem:s7], [sflag:$0x6], $0x8, s29, s9, $0xb8;
	[tilespmem:$0x3F88] =	vst v63  }
0x1e0: {  	_ = 	snop  }
0x1e1: {  	[spmem:s3] =	stream.indirect.scatter.add.f32 [tilespmem:s7], [sflag:$0x7], $0x8, s30, s9, $0xb8;
	[tilespmem:$0x3F88] =	vst v63  }
0x1e2: {  	_ = 	snop  }
0x1e3: {  	[spmem:s3] =	stream.indirect.scatter.add.f32 [tilespmem:s7], [sflag:$0x8], $0x8, s31, s9, $0xb8;
	[tilespmem:$0x3F88] =	vst v63  }
0x1e4: {  	_ =	swait.ge [sflag:s10], $0x400  }
0x1e5: {  	[sflag:s10] =	ssyncset.done $0x0  }
0x1e6: {  	[sflag:s10] =	ssyncadd.s32 $0xFFFFFC00  }
0x1e7: {  	_ =	swait.ge [sflag:s11], $0x400  }
0x1e8: {  	[sflag:s11] =	ssyncset.done $0x0  }
0x1e9: {  	[sflag:s11] =	ssyncadd.s32 $0xFFFFFC00  }
0x1ea: {  	_ =	swait.ge [sflag:s12], $0x400  }
0x1eb: {  	[sflag:s12] =	ssyncset.done $0x0  }
0x1ec: {  	[sflag:s12] =	ssyncadd.s32 $0xFFFFFC00  }
0x1ed: {  	_ =	swait.ge [sflag:s13], $0x400  }
0x1ee: {  	[sflag:s13] =	ssyncset.done $0x0  }
0x1ef: {  	[sflag:s13] =	ssyncadd.s32 $0xFFFFFC00  }
0x1f0: {  	_ =	swait.ge [sflag:s14], $0x400  }
0x1f1: {  	[sflag:s14] =	ssyncset.done $0x0  }
0x1f2: {  	[sflag:s14] =	ssyncadd.s32 $0xFFFFFC00  }
0x1f3: {  	_ =	swait.ge [sflag:s15], $0x400  }
0x1f4: {  	[sflag:s15] =	ssyncset.done $0x0  }
0x1f5: {  	[sflag:s15] =	ssyncadd.s32 $0xFFFFFC00  }
0x1f6: {  	_ =	swait.ge [sflag:s16], $0x400  }
0x1f7: {  	[sflag:s16] =	ssyncset.done $0x0  }
0x1f8: {  	[sflag:s16] =	ssyncadd.s32 $0xFFFFFC00  }
0x1f9: {  	_ =	swait.ge [sflag:s17], $0x400  }
0x1fa: {  	[sflag:s17] =	ssyncset.done $0x0  }
0x1fb: {  	[sflag:s17] =	ssyncadd.s32 $0xFFFFFC00  }
0x1fc: {  	[bflag:$0x0] =	sbarrier.arrive $0xFFFF  }
0x1fd: {  	s2 =	rddreg [dreg:$0xb]  }
0x1fe: {  	[tilespmem:s8], [sflag:$0x9] =	stream.linear.gather [spmem:s2], $0x1388, $0x38;
	[tilespmem:$0x3F88] =	vst v63  }
0x1ff: {  	p0 =	sne.s32 s0, $0x1;
	_ =	swait.ge [sflag:s6], $0x1388  }
.Ltmp1:
0x200: {  	[sflag:s6] =	ssyncset.done $0x0;
	(pc) =	sbr.rel @p0 .LBB2_1-.Ltmp1, $4  }
0x201: {  	s2 =	rddreg [dreg:$0xc];
	[sflag:s6] =	ssyncadd.s32 $0xFFFFEC78  }
0x202: {  	[hbm4b:s2+s4] =	stream.linear.scatter [tilespmem:s8], [sflag:$0x9], $0x1388, $0x38;
	[tilespmem:$0x3F88] =	vst v63  }
0x203: {  	_ =	swait.ge [sflag:s6], $0x1388  }
0x204: {  	s0 =	sadd.s32 $0xFFFFFFFF, s0;
	[sflag:s6] =	ssyncset.done $0x0  }
.LBB2_2:
0x205: {  	[sflag:s6] =	ssyncadd.s32 $0xFFFFEC78  }
0x206: {  	_ =	sfence.sel $0x180000  }
0x207: {  	[bflag:$0x0] =	sbarrier.arrive $0xFFFF  }
0x208: {  	_ =	strace $0x90000047  }
0x209: {  	s0 =	stileid.u32;
	[bflag:$0x2] =	sbarrier.arrive $0xFFFF  }
0x20a: {  	p0 =	sne.s32 s0, $0x0;
	s0 =	rddreg [dreg:$0x4]  }
0x20b: {  	s0 =	sadd.s32 @!p0 $0x100000, s0  }
0x20c: {  	[sflag:s0] =	ssyncadd.tile.s32 @!p0 $0x1;
	_ =	shalt  }
.Lfunc_end2:
_tile_overlayer_lowered:
.L_overlay_start_2:
0x20d: {  	(tag) =	ssettag $0x2  }
0x20e: {  	s0 =	rddreg [dreg:$0x0];
	s2 =	stileid.u32  }
0x20f: {  	s1 =	rddreg [dreg:$0x1];
	p0 =	sne.s32 s2, $0x0  }
0x210: {  	s3 =	rddreg [dreg:$0x2];
	[bflag:$0x3] =	sbarrier.arrive $0xFFFF;
	s2 =	simm.s32 @!p0 $0x1C09  }
0x211: {  	[timem:s3], [sflag:s2] =	dma.local @!p0 [hbm:s0], s1  }
0x212: {  	s0 =	simm.s32 @!p0 $0x9  }
0x213: {  	_ =	swait.ge @!p0 [sflag:s0], s1  }
0x214: {  	s1 =	ssub.s32 @!p0 $0x0, s1;
	[sflag:s0] =	ssyncset.done @!p0 $0x0  }
0x215: {  	[sflag:s0] =	ssyncadd.s32 @!p0 s1  }
0x216: {  	[bflag:$0x3] =	sbarrier.arrive $0xFFFF  }
0x217: {  	_ =	shalt  }

</sc_bundles>
